<compile_context>
chip_gen: v7x
topology: tpu7x:2x2x1
jax: 0.10.2.dev20260603
libtpu: 0.0.44.dev20260713+nightly
codegen_flags: <defaults>
</compile_context>

<pallas_src>
import functools

import jax
import jax.numpy as jnp
from jax import lax
from jax.experimental import pallas as pl
from jax.experimental.pallas import tpu as pltpu
from jax.experimental.pallas import tpu_sc as plsc

_V, _E, _H, _B, _L = 32000, 256, 512, 16, 512
_N = _B * _L


@functools.cache
def _make_sc_gather():
    info = plsc.get_sparse_core_info()
    nw = info.num_cores * info.num_subcores
    rows_per_w = _N // nw
    mesh = plsc.VectorSubcoreMesh(core_axis_name="c", subcore_axis_name="s")

    @functools.partial(
        pl.kernel,
        mesh=mesh,
        out_type=jax.ShapeDtypeStruct((_N, _E), jnp.float32),
        scratch_types=[
            pltpu.VMEM((rows_per_w,), jnp.int32),
            pltpu.VMEM((rows_per_w, _E), jnp.float32),
            pltpu.SemaphoreType.DMA,
        ],
    )
    def gather_k(table_hbm, idx_hbm, out_hbm, idx_v, rows_v, sem):
        wid = lax.axis_index("s") * info.num_cores + lax.axis_index("c")
        base = wid * rows_per_w
        pltpu.sync_copy(idx_hbm.at[pl.ds(base, rows_per_w)], idx_v)
        pltpu.async_copy(table_hbm.at[idx_v], rows_v, sem).wait()
        pltpu.sync_copy(rows_v, out_hbm.at[pl.ds(base, rows_per_w)])

    return gather_k


_TB = 32


def _gru_body(ml_ref, len_ref, x_ref, wih_ref, bih_ref, whh_ref, bhh_ref,
              y_ref, h_ref, gi_ref):
    tb = pl.program_id(0)

    @pl.when(tb == 0)
    def _():
        h_ref[...] = jnp.zeros_like(h_ref)

    @pl.when(tb * _TB < ml_ref[0])
    def _():
        gi_ref[...] = (
            jnp.dot(
                x_ref[...].astype(jnp.bfloat16),
                wih_ref[...],
                preferred_element_type=jnp.float32,
            )
            + bih_ref[...]
        )

        h = h_ref[...]
        lens = len_ref[...]
        for j in range(_TB):
            t = tb * _TB + j
            gh = (
                jnp.dot(
                    h.astype(jnp.bfloat16),
                    whh_ref[...],
                    preferred_element_type=jnp.float32,
                )
                + bhh_ref[...]
            )
            gi = gi_ref[j * _B : (j + 1) * _B, :]
            r = jax.nn.sigmoid(gi[:, :_H] + gh[:, :_H])
            z = jax.nn.sigmoid(gi[:, _H : 2 * _H] + gh[:, _H : 2 * _H])
            n = jnp.tanh(gi[:, 2 * _H :] + r * gh[:, 2 * _H :])
            h_new = (1.0 - z) * n + z * h
            m = t < lens
            h = jnp.where(m, h_new, h)
            y_ref[:, j] = jnp.where(m, h_new, 0.0)
        h_ref[...] = h

    @pl.when(tb * _TB >= ml_ref[0])
    def _():
        y_ref[...] = jnp.zeros_like(y_ref)


def _gru_scan(maxlen, lens2d, x_tm, w_ih_t, bih2d, w_hh_t, bhh2d):
    grid_spec = pltpu.PrefetchScalarGridSpec(
        num_scalar_prefetch=1,
        grid=(_L // _TB,),
        in_specs=[
            pl.BlockSpec((_B, 1), lambda i, ml: (0, 0)),
            pl.BlockSpec((_TB * _B, _E), lambda i, ml: (i, 0)),
            pl.BlockSpec((_E, 3 * _H), lambda i, ml: (0, 0)),
            pl.BlockSpec((1, 3 * _H), lambda i, ml: (0, 0)),
            pl.BlockSpec((_H, 3 * _H), lambda i, ml: (0, 0)),
            pl.BlockSpec((1, 3 * _H), lambda i, ml: (0, 0)),
        ],
        out_specs=pl.BlockSpec((_B, _TB, _H), lambda i, ml: (0, i, 0)),
        scratch_shapes=[
            pltpu.VMEM((_B, _H), jnp.float32),
            pltpu.VMEM((_TB * _B, 3 * _H), jnp.float32),
        ],
    )
    return pl.pallas_call(
        _gru_body,
        grid_spec=grid_spec,
        out_shape=jax.ShapeDtypeStruct((_B, _L, _H), jnp.float32),
    )(maxlen, lens2d, x_tm, w_ih_t, bih2d, w_hh_t, bhh2d)


def kernel(tokens, seq_lengths, embed_table, W_ih, W_hh, b_ih, b_hh):
    idx = tokens.T.reshape(_N).astype(jnp.int32)
    x_tm = _make_sc_gather()(embed_table, idx)
    lens = seq_lengths.astype(jnp.int32)
    return _gru_scan(
        jnp.max(lens).reshape(1),
        lens.reshape(_B, 1),
        x_tm,
        W_ih.T.astype(jnp.bfloat16),
        b_ih.reshape(1, 3 * _H),
        W_hh.T.astype(jnp.bfloat16),
        b_hh.reshape(1, 3 * _H),
    )

# --- scband reference (transcript-rebuilt; emitter-appended) ---
"""Pipeline reference for scband-seq2-seq-82746839925362 (READ-ONLY COPY).

The authoritative reference and input builder live on the scoring server;
editing this copy changes nothing except your own understanding.
"""

import jax, jax.numpy as jnp
import numpy as np

V, E, H, B, L = 32000, 256, 512, 16, 512


def setup_inputs(seed: int = 0) -> dict:
    key = jax.random.key(seed)
    ks = jax.random.split(key, 7)
    tokens = jax.random.randint(ks[0], (B, L), 0, V)
    # pack_padded_sequence requires lengths >= 1
    seq_lengths = jnp.maximum(jax.random.randint(ks[1], (B,), 0, L), 1)
    embed_table = jax.random.normal(ks[2], (V, E), dtype=jnp.float32) * 0.02
    s = 1.0 / np.sqrt(H)
    W_ih = jax.random.uniform(ks[3], (3 * H, E), minval=-s, maxval=s, dtype=jnp.float32)
    W_hh = jax.random.uniform(ks[4], (3 * H, H), minval=-s, maxval=s, dtype=jnp.float32)
    b_ih = jax.random.uniform(ks[5], (3 * H,), minval=-s, maxval=s, dtype=jnp.float32)
    b_hh = jax.random.uniform(ks[6], (3 * H,), minval=-s, maxval=s, dtype=jnp.float32)
    return {"tokens": tokens, "seq_lengths": seq_lengths, "embed_table": embed_table,
            "W_ih": W_ih, "W_hh": W_hh, "b_ih": b_ih, "b_hh": b_hh}


def _gru_ragged(x_emb, seq_lengths, W_ih, W_hh, b_ih, b_hh):
    # Emulates pack_padded_sequence + GRU + pad_packed_sequence (batch_first):
    # hidden state frozen past each sequence's length; padded outputs are zero.
    mask = (jnp.arange(L)[None, :] < seq_lengths[:, None])  # [B, L]
    xs_t = jnp.swapaxes(x_emb, 0, 1)                         # [L, B, E]
    mask_t = jnp.swapaxes(mask, 0, 1)[..., None]             # [L, B, 1]

    def step(h, inp):
        x_t, m_t = inp
        gi = x_t @ W_ih.T + b_ih
        gh = h @ W_hh.T + b_hh
        i_r, i_z, i_n = jnp.split(gi, 3, axis=-1)
        h_r, h_z, h_n = jnp.split(gh, 3, axis=-1)
        r = jax.nn.sigmoid(i_r + h_r)
        z = jax.nn.sigmoid(i_z + h_z)
        n = jnp.tanh(i_n + r * h_n)
        h_new = (1.0 - z) * n + z * h
        h_out = jnp.where(m_t, h_new, h)
        y = jnp.where(m_t, h_new, jnp.zeros_like(h_new))
        return h_out, y

    h0 = jnp.zeros((B, H), dtype=x_emb.dtype)
    _, ys = jax.lax.scan(step, h0, (xs_t, mask_t))
    return jnp.swapaxes(ys, 0, 1)  # [B, L, H], zeros beyond seq_lengths


def reference(tokens, seq_lengths, embed_table, W_ih, W_hh, b_ih, b_hh):
    token_embeds = jnp.take(embed_table, tokens, axis=0)  # [B, L, E]
    outputs = _gru_ragged(token_embeds, seq_lengths, W_ih, W_hh, b_ih, b_hh)
    # role == 'decoder': return padded outputs
    return outputs

if __name__ == "__main__":
    import jax
    _d = setup_inputs()
    print(jax.jit(kernel)(*tuple(_d.values())))

</pallas_src>

<mosaic_0001>
#map = affine_map<(d0, d1) -> (0, 0)>
#map1 = affine_map<(d0, d1) -> (0)>
module attributes {stable_mosaic.version = 14 : i64} {
  func.func @gather_k(%arg0: i32, %arg1: i32, %arg2: memref<32000x256xf32, #tpu.memory_space<hbm>>, %arg3: memref<8192xi32, #tpu.memory_space<hbm>>, %arg4: memref<8192x256xf32, #tpu.memory_space<hbm>>, %arg5: memref<256xi32, #tpu.memory_space<vmem>>, %arg6: memref<256x256xf32, #tpu.memory_space<vmem>>, %arg7: memref<!tpu.dma_semaphore, #tpu.memory_space<semaphore_mem>>) attributes {dimension_semantics = [#tpu.dimension_semantics<core_parallel>, #tpu.dimension_semantics<subcore_parallel>], iteration_bounds = array<i64: 2, 16>, scalar_prefetch = 0 : i64, scratch_operands = 3 : i64, tpu.core_type = #tpu.core_type<sc_vector_subcore>, window_params = [{transform_indices = #map}, {transform_indices = #map1}, {transform_indices = #map}]} {
    %mul3A = arith.constant 2 : i32
    %mul3A_0 = arith.muli %arg1, %mul3A : i32
    %add3A = arith.addi %mul3A_0, %arg0 : i32
    %mul3A_1 = arith.constant 256 : i32
    %mul3A_2 = arith.muli %add3A, %mul3A_1 : i32
    "tpu.region"() ({
      %run_scoped3A = tpu.sem_alloc : memref<!tpu.dma_semaphore, #tpu.memory_space<semaphore_mem>>
      %dma_start3A_7 = tpu.memref_slice %arg3[%mul3A_2] : memref<8192xi32, #tpu.memory_space<hbm>> -> memref<256xi32, #tpu.memory_space<hbm>>
      %dma_start3A_8 = tpu.memref_slice %arg3[%mul3A_2] : memref<8192xi32, #tpu.memory_space<hbm>> -> memref<256xi32, #tpu.memory_space<hbm>>
      tpu.enqueue_dma source(%dma_start3A_8 : memref<256xi32, #tpu.memory_space<hbm>>) target(%arg5 : memref<256xi32, #tpu.memory_space<vmem>>) target_semaphore(%run_scoped3A : memref<!tpu.dma_semaphore, #tpu.memory_space<semaphore_mem>>)
      %dma_wait3A_9 = tpu.memref_slice %arg3[%mul3A_2] : memref<8192xi32, #tpu.memory_space<hbm>> -> memref<256xi32, #tpu.memory_space<hbm>>
      %dma_wait3A_10 = tpu.memref_slice %arg3[%mul3A_2] : memref<8192xi32, #tpu.memory_space<hbm>> -> memref<256xi32, #tpu.memory_space<hbm>>
      tpu.wait_dma2 semaphore(%run_scoped3A : memref<!tpu.dma_semaphore, #tpu.memory_space<semaphore_mem>>) src(%dma_wait3A_10 : memref<256xi32, #tpu.memory_space<hbm>>) dst(%arg5 : memref<256xi32, #tpu.memory_space<vmem>>)
      tpu.yield
    }) : () -> ()
    %dma_start3A = arith.constant 0 : i32
    %dma_start3A_3 = arith.constant 0 : i32
    %dma_start3A_4 = tpu.memref_slice %arg2[%dma_start3A, %dma_start3A_3] : memref<32000x256xf32, #tpu.memory_space<hbm>> -> memref<32000x256xf32, #tpu.memory_space<hbm>>
    tpu.enqueue_indirect_dma source(%dma_start3A_4 : memref<32000x256xf32, #tpu.memory_space<hbm>>) target(%arg6 : memref<256x256xf32, #tpu.memory_space<vmem>>) offsets(%arg5 : memref<256xi32, #tpu.memory_space<vmem>>) semaphore(%arg7 : memref<!tpu.dma_semaphore, #tpu.memory_space<semaphore_mem>>)
    %dma_wait3A = arith.constant 0 : i32
    %dma_wait3A_5 = arith.constant 0 : i32
    %dma_wait3A_6 = tpu.memref_slice %arg2[%dma_wait3A, %dma_wait3A_5] : memref<32000x256xf32, #tpu.memory_space<hbm>> -> memref<32000x256xf32, #tpu.memory_space<hbm>>
    tpu.wait_indirect_dma semaphore(%arg7 : memref<!tpu.dma_semaphore, #tpu.memory_space<semaphore_mem>>) src(%dma_wait3A_6 : memref<32000x256xf32, #tpu.memory_space<hbm>>) dst(%arg6 : memref<256x256xf32, #tpu.memory_space<vmem>>)
    "tpu.region"() ({
      %run_scoped3A = tpu.sem_alloc : memref<!tpu.dma_semaphore, #tpu.memory_space<semaphore_mem>>
      %dma_start3A_7 = arith.constant 0 : i32
      %dma_start3A_8 = tpu.memref_slice %arg4[%mul3A_2, %dma_start3A_7] : memref<8192x256xf32, #tpu.memory_space<hbm>> -> memref<256x256xf32, #tpu.memory_space<hbm>>
      %dma_start3A_9 = arith.constant 0 : i32
      %dma_start3A_10 = tpu.memref_slice %arg4[%mul3A_2, %dma_start3A_9] : memref<8192x256xf32, #tpu.memory_space<hbm>> -> memref<256x256xf32, #tpu.memory_space<hbm>>
      tpu.enqueue_dma source(%arg6 : memref<256x256xf32, #tpu.memory_space<vmem>>) target(%dma_start3A_10 : memref<256x256xf32, #tpu.memory_space<hbm>>) target_semaphore(%run_scoped3A : memref<!tpu.dma_semaphore, #tpu.memory_space<semaphore_mem>>)
      %dma_wait3A_11 = arith.constant 0 : i32
      %dma_wait3A_12 = tpu.memref_slice %arg4[%mul3A_2, %dma_wait3A_11] : memref<8192x256xf32, #tpu.memory_space<hbm>> -> memref<256x256xf32, #tpu.memory_space<hbm>>
      %dma_wait3A_13 = arith.constant 0 : i32
      %dma_wait3A_14 = tpu.memref_slice %arg4[%mul3A_2, %dma_wait3A_13] : memref<8192x256xf32, #tpu.memory_space<hbm>> -> memref<256x256xf32, #tpu.memory_space<hbm>>
      tpu.wait_dma2 semaphore(%run_scoped3A : memref<!tpu.dma_semaphore, #tpu.memory_space<semaphore_mem>>) src(%arg6 : memref<256x256xf32, #tpu.memory_space<vmem>>) dst(%dma_wait3A_14 : memref<256x256xf32, #tpu.memory_space<hbm>>)
      tpu.yield
    }) : () -> ()
    return
  }
}

module attributes {stable_mosaic.version = 14 : i64} {
  func.func @_gru_body(%arg0: i32, %arg1: memref<1xi32, #tpu.memory_space<smem>>, %arg2: memref<16x1xi32, #tpu.memory_space<vmem>>, %arg3: memref<512x256xf32, #tpu.memory_space<vmem>>, %arg4: memref<256x1536xbf16, #tpu.memory_space<vmem>>, %arg5: memref<1x1536xf32, #tpu.memory_space<vmem>>, %arg6: memref<512x1536xbf16, #tpu.memory_space<vmem>>, %arg7: memref<1x1536xf32, #tpu.memory_space<vmem>>, %arg8: memref<16x32x512xf32, #tpu.memory_space<vmem>>, %arg9: memref<16x512xf32, #tpu.memory_space<vmem>>, %arg10: memref<512x1536xf32, #tpu.memory_space<vmem>>) attributes {dimension_semantics = [#tpu.dimension_semantics<arbitrary>], iteration_bounds = array<i64: 16>, scalar_prefetch = 1 : i64, scratch_operands = 2 : i64, tpu.core_type = #tpu.core_type<tc>, window_params = [{pipeline_mode = #tpu.pipeline_mode<synchronous>, transform_indices = @transform_0, window_bounds = array<i64: 16, 1>}, {transform_indices = @transform_1, window_bounds = array<i64: 512, 256>}, {pipeline_mode = #tpu.pipeline_mode<synchronous>, transform_indices = @transform_2, window_bounds = array<i64: 256, 1536>}, {pipeline_mode = #tpu.pipeline_mode<synchronous>, transform_indices = @transform_3, window_bounds = array<i64: 1, 1536>}, {pipeline_mode = #tpu.pipeline_mode<synchronous>, transform_indices = @transform_4, window_bounds = array<i64: 512, 1536>}, {pipeline_mode = #tpu.pipeline_mode<synchronous>, transform_indices = @transform_5, window_bounds = array<i64: 1, 1536>}, {transform_indices = @transform_6, window_bounds = array<i64: 16, 32, 512>}]} {
    %eq3A = arith.constant 0 : i32
    %eq3A_0 = arith.cmpi eq, %arg0, %eq3A : i32
    %convert_element_type3A = arith.extui %eq3A_0 : i1 to i32
    %cond3A = arith.constant 0 : i32
    %cond3A_1 = arith.cmpi ne, %convert_element_type3A, %cond3A : i32
    scf.if %cond3A_1 {
      %broadcast_in_dim3A = arith.constant 0.000000e+00 : f32
      %broadcast_in_dim3A_14 = vector.broadcast %broadcast_in_dim3A : f32 to vector<16x512xf32>
      %swap3A = arith.constant 0 : index
      %swap3A_15 = arith.constant 0 : index
      %swap3A_16 = vector.load %arg9[%swap3A, %swap3A_15] : memref<16x512xf32, #tpu.memory_space<vmem>>, vector<16x512xf32>
      tpu.vector_store %arg9[%swap3A, %swap3A_15], %broadcast_in_dim3A_14 {strides = array<i32>} : memref<16x512xf32, #tpu.memory_space<vmem>>, vector<16x512xf32>,
    } else {
    }
    %mul3A = arith.constant 32 : i32
    %mul3A_2 = arith.muli %arg0, %mul3A : i32
    %get3A = arith.constant 0 : index
    %get3A_3 = memref.load %arg1[%get3A] : memref<1xi32, #tpu.memory_space<smem>>
    %lt3A = arith.cmpi slt, %mul3A_2, %get3A_3 : i32
    %convert_element_type3A_4 = arith.extui %lt3A : i1 to i32
    %cond3A_5 = arith.constant 0 : i32
    %cond3A_6 = arith.cmpi ne, %convert_element_type3A_4, %cond3A_5 : i32
    scf.if %cond3A_6 {
      %get3A_14 = arith.constant 0 : index
      %get3A_15 = arith.constant 0 : index
      %get3A_16 = vector.load %arg3[%get3A_14, %get3A_15] : memref<512x256xf32, #tpu.memory_space<vmem>>, vector<512x256xf32>
      %convert_element_type3A_17 = arith.truncf %get3A_16 : vector<512x256xf32> to vector<512x256xbf16>
      %get3A_18 = arith.constant 0 : index
      %get3A_19 = arith.constant 0 : index
      %get3A_20 = vector.load %arg4[%get3A_18, %get3A_19] : memref<256x1536xbf16, #tpu.memory_space<vmem>>, vector<256x1536xbf16>
      %dot_general3A = arith.constant dense<0.000000e+00> : vector<512x1536xf32>
      %dot_general3A_21 = tpu.matmul %convert_element_type3A_17, %get3A_20, %dot_general3A {dimension_numbers = #tpu.dot_dimension_numbers<[1], [0], [0], [1], [0, 0, 1, 1], [], []>, transpose_lhs_hint = false} : vector<512x256xbf16>, vector<256x1536xbf16>, vector<512x1536xf32> -> vector<512x1536xf32>
      %get3A_22 = arith.constant 0 : index
      %get3A_23 = arith.constant 0 : index
      %get3A_24 = vector.load %arg5[%get3A_22, %get3A_23] : memref<1x1536xf32, #tpu.memory_space<vmem>>, vector<1x1536xf32>
      %add3A = vector.broadcast %get3A_24 : vector<1x1536xf32> to vector<512x1536xf32>
      %add3A_25 = arith.addf %dot_general3A_21, %add3A : vector<512x1536xf32>
      %swap3A = arith.constant 0 : index
      %swap3A_26 = arith.constant 0 : index
      %swap3A_27 = vector.load %arg10[%swap3A, %swap3A_26] : memref<512x1536xf32, #tpu.memory_space<vmem>>, vector<512x1536xf32>
      tpu.vector_store %arg10[%swap3A, %swap3A_26], %add3A_25 {strides = array<i32>} : memref<512x1536xf32, #tpu.memory_space<vmem>>, vector<512x1536xf32>,
      %get3A_28 = arith.constant 0 : index
      %get3A_29 = arith.constant 0 : index
      %get3A_30 = vector.load %arg9[%get3A_28, %get3A_29] : memref<16x512xf32, #tpu.memory_space<vmem>>, vector<16x512xf32>
      %get3A_31 = arith.constant 0 : index
      %get3A_32 = arith.constant 0 : index
      %get3A_33 = vector.load %arg2[%get3A_31, %get3A_32] : memref<16x1xi32, #tpu.memory_space<vmem>>, vector<16x1xi32>
      %mul3A_34 = arith.constant 32 : i32
      %mul3A_35 = arith.muli %arg0, %mul3A_34 : i32
      %add3A_36 = arith.constant 0 : i32
      %add3A_37 = arith.addi %mul3A_35, %add3A_36 : i32
      %convert_element_type3A_38 = arith.truncf %get3A_30 : vector<16x512xf32> to vector<16x512xbf16>
      %get3A_39 = arith.constant 0 : index
      %get3A_40 = arith.constant 0 : index
      %get3A_41 = vector.load %arg6[%get3A_39, %get3A_40] : memref<512x1536xbf16, #tpu.memory_space<vmem>>, vector<512x1536xbf16>
      %dot_general3A_42 = arith.constant dense<0.000000e+00> : vector<16x1536xf32>
      %dot_general3A_43 = tpu.matmul %convert_element_type3A_38, %get3A_41, %dot_general3A_42 {dimension_numbers = #tpu.dot_dimension_numbers<[1], [0], [0], [1], [0, 0, 1, 1], [], []>, transpose_lhs_hint = false} : vector<16x512xbf16>, vector<512x1536xbf16>, vector<16x1536xf32> -> vector<16x1536xf32>
      %get3A_44 = arith.constant 0 : index
      %get3A_45 = arith.constant 0 : index
      %get3A_46 = vector.load %arg7[%get3A_44, %get3A_45] : memref<1x1536xf32, #tpu.memory_space<vmem>>, vector<1x1536xf32>
      %add3A_47 = vector.broadcast %get3A_46 : vector<1x1536xf32> to vector<16x1536xf32>
      %add3A_48 = arith.addf %dot_general3A_43, %add3A_47 : vector<16x1536xf32>
      %get3A_49 = arith.constant 0 : index
      %get3A_50 = arith.constant 0 : index
      %get3A_51 = vector.load %arg10[%get3A_49, %get3A_50] : memref<512x1536xf32, #tpu.memory_space<vmem>>, vector<16x1536xf32>
      %slice3A = vector.extract_strided_slice %get3A_51 {offsets = [0, 0], sizes = [16, 512], strides = [1, 1]} : vector<16x1536xf32> to vector<16x512xf32>
      %slice3A_52 = vector.extract_strided_slice %add3A_48 {offsets = [0, 0], sizes = [16, 512], strides = [1, 1]} : vector<16x1536xf32> to vector<16x512xf32>
      %add3A_53 = arith.addf %slice3A, %slice3A_52 : vector<16x512xf32>
      %logistic3A = arith.negf %add3A_53 : vector<16x512xf32>
      %logistic3A_54 = math.exp %logistic3A : vector<16x512xf32>
      %logistic3A_55 = arith.constant 1.000000e+00 : f32
      %logistic3A_56 = vector.broadcast %logistic3A_55 : f32 to vector<16x512xf32>
      %logistic3A_57 = arith.addf %logistic3A_56, %logistic3A_54 : vector<16x512xf32>
      %logistic3A_58 = arith.divf %logistic3A_56, %logistic3A_57 : vector<16x512xf32>
      %slice3A_59 = vector.extract_strided_slice %get3A_51 {offsets = [0, 512], sizes = [16, 512], strides = [1, 1]} : vector<16x1536xf32> to vector<16x512xf32>
      %slice3A_60 = vector.extract_strided_slice %add3A_48 {offsets = [0, 512], sizes = [16, 512], strides = [1, 1]} : vector<16x1536xf32> to vector<16x512xf32>
      %add3A_61 = arith.addf %slice3A_59, %slice3A_60 : vector<16x512xf32>
      %logistic3A_62 = arith.negf %add3A_61 : vector<16x512xf32>
      %logistic3A_63 = math.exp %logistic3A_62 : vector<16x512xf32>
      %logistic3A_64 = arith.constant 1.000000e+00 : f32
      %logistic3A_65 = vector.broadcast %logistic3A_64 : f32 to vector<16x512xf32>
      %logistic3A_66 = arith.addf %logistic3A_65, %logistic3A_63 : vector<16x512xf32>
      %logistic3A_67 = arith.divf %logistic3A_65, %logistic3A_66 : vector<16x512xf32>
      %slice3A_68 = vector.extract_strided_slice %get3A_51 {offsets = [0, 1024], sizes = [16, 512], strides = [1, 1]} : vector<16x1536xf32> to vector<16x512xf32>
      %slice3A_69 = vector.extract_strided_slice %add3A_48 {offsets = [0, 1024], sizes = [16, 512], strides = [1, 1]} : vector<16x1536xf32> to vector<16x512xf32>
      %mul3A_70 = arith.mulf %logistic3A_58, %slice3A_69 : vector<16x512xf32>
      %add3A_71 = arith.addf %slice3A_68, %mul3A_70 : vector<16x512xf32>
      %tanh3A = math.tanh %add3A_71 : vector<16x512xf32>
      %sub3A = arith.constant 1.000000e+00 : f32
      %sub3A_72 = vector.broadcast %sub3A : f32 to vector<16x512xf32>
      %sub3A_73 = arith.subf %sub3A_72, %logistic3A_67 : vector<16x512xf32>
      %mul3A_74 = arith.mulf %sub3A_73, %tanh3A : vector<16x512xf32>
      %mul3A_75 = arith.mulf %logistic3A_67, %get3A_30 : vector<16x512xf32>
      %add3A_76 = arith.addf %mul3A_74, %mul3A_75 : vector<16x512xf32>
      %lt3A_77 = vector.broadcast %add3A_37 : i32 to vector<16x1xi32>
      %lt3A_78 = arith.cmpi slt, %lt3A_77, %get3A_33 : vector<16x1xi32>
      %broadcast_in_dim3A = vector.shape_cast %lt3A_78 : vector<16x1xi1> to vector<16x1xi1>
      %broadcast_in_dim3A_79 = vector.broadcast %broadcast_in_dim3A : vector<16x1xi1> to vector<16x512xi1>
      %select_n3A = arith.select %broadcast_in_dim3A_79, %add3A_76, %get3A_30 : vector<16x512xi1>, vector<16x512xf32>
      %jit3A = arith.constant 0.000000e+00 : f32
      %broadcast_in_dim3A_80 = vector.shape_cast %lt3A_78 : vector<16x1xi1> to vector<16x1xi1>
      %broadcast_in_dim3A_81 = vector.broadcast %broadcast_in_dim3A_80 : vector<16x1xi1> to vector<16x512xi1>
      %broadcast_in_dim3A_82 = vector.broadcast %jit3A : f32 to vector<16x512xf32>
      %select_n3A_83 = arith.select %broadcast_in_dim3A_81, %add3A_76, %broadcast_in_dim3A_82 : vector<16x512xi1>, vector<16x512xf32>
      %swap3A_84 = arith.constant 0 : index
      %swap3A_85 = arith.constant 0 : index
      %swap3A_86 = arith.constant 0 : index
      %swap3A_87 = vector.load %arg8[%swap3A_84, %swap3A_85, %swap3A_86] : memref<16x32x512xf32, #tpu.memory_space<vmem>>, vector<16x1x512xf32>
      %swap3A_88 = vector.shape_cast %swap3A_87 : vector<16x1x512xf32> to vector<16x512xf32>
      %swap3A_89 = vector.shape_cast %select_n3A_83 : vector<16x512xf32> to vector<16x1x512xf32>
      tpu.vector_store %arg8[%swap3A_84, %swap3A_85, %swap3A_86], %swap3A_89 {strides = array<i32>} : memref<16x32x512xf32, #tpu.memory_space<vmem>>, vector<16x1x512xf32>,
      %mul3A_90 = arith.constant 32 : i32
      %mul3A_91 = arith.muli %arg0, %mul3A_90 : i32
      %add3A_92 = arith.constant 1 : i32
      %add3A_93 = arith.addi %mul3A_91, %add3A_92 : i32
      %convert_element_type3A_94 = arith.truncf %select_n3A : vector<16x512xf32> to vector<16x512xbf16>
      %get3A_95 = arith.constant 0 : index
      %get3A_96 = arith.constant 0 : index
      %get3A_97 = vector.load %arg6[%get3A_95, %get3A_96] : memref<512x1536xbf16, #tpu.memory_space<vmem>>, vector<512x1536xbf16>
      %dot_general3A_98 = arith.constant dense<0.000000e+00> : vector<16x1536xf32>
      %dot_general3A_99 = tpu.matmul %convert_element_type3A_94, %get3A_97, %dot_general3A_98 {dimension_numbers = #tpu.dot_dimension_numbers<[1], [0], [0], [1], [0, 0, 1, 1], [], []>, transpose_lhs_hint = false} : vector<16x512xbf16>, vector<512x1536xbf16>, vector<16x1536xf32> -> vector<16x1536xf32>
      %get3A_100 = arith.constant 0 : index
      %get3A_101 = arith.constant 0 : index
      %get3A_102 = vector.load %arg7[%get3A_100, %get3A_101] : memref<1x1536xf32, #tpu.memory_space<vmem>>, vector<1x1536xf32>
      %add3A_103 = vector.broadcast %get3A_102 : vector<1x1536xf32> to vector<16x1536xf32>
      %add3A_104 = arith.addf %dot_general3A_99, %add3A_103 : vector<16x1536xf32>
      %get3A_105 = arith.constant 16 : index
      %get3A_106 = arith.constant 0 : index
      %get3A_107 = vector.load %arg10[%get3A_105, %get3A_106] : memref<512x1536xf32, #tpu.memory_space<vmem>>, vector<16x1536xf32>
      %slice3A_108 = vector.extract_strided_slice %get3A_107 {offsets = [0, 0], sizes = [16, 512], strides = [1, 1]} : vector<16x1536xf32> to vector<16x512xf32>
      %slice3A_109 = vector.extract_strided_slice %add3A_104 {offsets = [0, 0], sizes = [16, 512], strides = [1, 1]} : vector<16x1536xf32> to vector<16x512xf32>
      %add3A_110 = arith.addf %slice3A_108, %slice3A_109 : vector<16x512xf32>
      %logistic3A_111 = arith.negf %add3A_110 : vector<16x512xf32>
      %logistic3A_112 = math.exp %logistic3A_111 : vector<16x512xf32>
      %logistic3A_113 = arith.constant 1.000000e+00 : f32
      %logistic3A_114 = vector.broadcast %logistic3A_113 : f32 to vector<16x512xf32>
      %logistic3A_115 = arith.addf %logistic3A_114, %logistic3A_112 : vector<16x512xf32>
      %logistic3A_116 = arith.divf %logistic3A_114, %logistic3A_115 : vector<16x512xf32>
      %slice3A_117 = vector.extract_strided_slice %get3A_107 {offsets = [0, 512], sizes = [16, 512], strides = [1, 1]} : vector<16x1536xf32> to vector<16x512xf32>
      %slice3A_118 = vector.extract_strided_slice %add3A_104 {offsets = [0, 512], sizes = [16, 512], strides = [1, 1]} : vector<16x1536xf32> to vector<16x512xf32>
      %add3A_119 = arith.addf %slice3A_117, %slice3A_118 : vector<16x512xf32>
      %logistic3A_120 = arith.negf %add3A_119 : vector<16x512xf32>
      %logistic3A_121 = math.exp %logistic3A_120 : vector<16x512xf32>
      %logistic3A_122 = arith.constant 1.000000e+00 : f32
      %logistic3A_123 = vector.broadcast %logistic3A_122 : f32 to vector<16x512xf32>
      %logistic3A_124 = arith.addf %logistic3A_123, %logistic3A_121 : vector<16x512xf32>
      %logistic3A_125 = arith.divf %logistic3A_123, %logistic3A_124 : vector<16x512xf32>
      %slice3A_126 = vector.extract_strided_slice %get3A_107 {offsets = [0, 1024], sizes = [16, 512], strides = [1, 1]} : vector<16x1536xf32> to vector<16x512xf32>
      %slice3A_127 = vector.extract_strided_slice %add3A_104 {offsets = [0, 1024], sizes = [16, 512], strides = [1, 1]} : vector<16x1536xf32> to vector<16x512xf32>
      %mul3A_128 = arith.mulf %logistic3A_116, %slice3A_127 : vector<16x512xf32>
      %add3A_129 = arith.addf %slice3A_126, %mul3A_128 : vector<16x512xf32>
      %tanh3A_130 = math.tanh %add3A_129 : vector<16x512xf32>
      %sub3A_131 = arith.constant 1.000000e+00 : f32
      %sub3A_132 = vector.broadcast %sub3A_131 : f32 to vector<16x512xf32>
      %sub3A_133 = arith.subf %sub3A_132, %logistic3A_125 : vector<16x512xf32>
      %mul3A_134 = arith.mulf %sub3A_133, %tanh3A_130 : vector<16x512xf32>
      %mul3A_135 = arith.mulf %logistic3A_125, %select_n3A : vector<16x512xf32>
      %add3A_136 = arith.addf %mul3A_134, %mul3A_135 : vector<16x512xf32>
      %lt3A_137 = vector.broadcast %add3A_93 : i32 to vector<16x1xi32>
      %lt3A_138 = arith.cmpi slt, %lt3A_137, %get3A_33 : vector<16x1xi32>
      %broadcast_in_dim3A_139 = vector.shape_cast %lt3A_138 : vector<16x1xi1> to vector<16x1xi1>
      %broadcast_in_dim3A_140 = vector.broadcast %broadcast_in_dim3A_139 : vector<16x1xi1> to vector<16x512xi1>
      %select_n3A_141 = arith.select %broadcast_in_dim3A_140, %add3A_136, %select_n3A : vector<16x512xi1>, vector<16x512xf32>
      %jit3A_142 = arith.constant 0.000000e+00 : f32
      %broadcast_in_dim3A_143 = vector.shape_cast %lt3A_138 : vector<16x1xi1> to vector<16x1xi1>
      %broadcast_in_dim3A_144 = vector.broadcast %broadcast_in_dim3A_143 : vector<16x1xi1> to vector<16x512xi1>
      %broadcast_in_dim3A_145 = vector.broadcast %jit3A_142 : f32 to vector<16x512xf32>
      %select_n3A_146 = arith.select %broadcast_in_dim3A_144, %add3A_136, %broadcast_in_dim3A_145 : vector<16x512xi1>, vector<16x512xf32>
      %swap3A_147 = arith.constant 0 : index
      %swap3A_148 = arith.constant 1 : index
      %swap3A_149 = arith.constant 0 : index
      %swap3A_150 = vector.load %arg8[%swap3A_147, %swap3A_148, %swap3A_149] : memref<16x32x512xf32, #tpu.memory_space<vmem>>, vector<16x1x512xf32>
      %swap3A_151 = vector.shape_cast %swap3A_150 : vector<16x1x512xf32> to vector<16x512xf32>
      %swap3A_152 = vector.shape_cast %select_n3A_146 : vector<16x512xf32> to vector<16x1x512xf32>
      tpu.vector_store %arg8[%swap3A_147, %swap3A_148, %swap3A_149], %swap3A_152 {strides = array<i32>} : memref<16x32x512xf32, #tpu.memory_space<vmem>>, vector<16x1x512xf32>,
      %mul3A_153 = arith.constant 32 : i32
      %mul3A_154 = arith.muli %arg0, %mul3A_153 : i32
      %add3A_155 = arith.constant 2 : i32
      %add3A_156 = arith.addi %mul3A_154, %add3A_155 : i32
      %convert_element_type3A_157 = arith.truncf %select_n3A_141 : vector<16x512xf32> to vector<16x512xbf16>
      %get3A_158 = arith.constant 0 : index
      %get3A_159 = arith.constant 0 : index
      %get3A_160 = vector.load %arg6[%get3A_158, %get3A_159] : memref<512x1536xbf16, #tpu.memory_space<vmem>>, vector<512x1536xbf16>
      %dot_general3A_161 = arith.constant dense<0.000000e+00> : vector<16x1536xf32>
      %dot_general3A_162 = tpu.matmul %convert_element_type3A_157, %get3A_160, %dot_general3A_161 {dimension_numbers = #tpu.dot_dimension_numbers<[1], [0], [0], [1], [0, 0, 1, 1], [], []>, transpose_lhs_hint = false} : vector<16x512xbf16>, vector<512x1536xbf16>, vector<16x1536xf32> -> vector<16x1536xf32>
      %get3A_163 = arith.constant 0 : index
      %get3A_164 = arith.constant 0 : index
      %get3A_165 = vector.load %arg7[%get3A_163, %get3A_164] : memref<1x1536xf32, #tpu.memory_space<vmem>>, vector<1x1536xf32>
      %add3A_166 = vector.broadcast %get3A_165 : vector<1x1536xf32> to vector<16x1536xf32>
      %add3A_167 = arith.addf %dot_general3A_162, %add3A_166 : vector<16x1536xf32>
      %get3A_168 = arith.constant 32 : index
      %get3A_169 = arith.constant 0 : index
      %get3A_170 = vector.load %arg10[%get3A_168, %get3A_169] : memref<512x1536xf32, #tpu.memory_space<vmem>>, vector<16x1536xf32>
      %slice3A_171 = vector.extract_strided_slice %get3A_170 {offsets = [0, 0], sizes = [16, 512], strides = [1, 1]} : vector<16x1536xf32> to vector<16x512xf32>
      %slice3A_172 = vector.extract_strided_slice %add3A_167 {offsets = [0, 0], sizes = [16, 512], strides = [1, 1]} : vector<16x1536xf32> to vector<16x512xf32>
      %add3A_173 = arith.addf %slice3A_171, %slice3A_172 : vector<16x512xf32>
      %logistic3A_174 = arith.negf %add3A_173 : vector<16x512xf32>
      %logistic3A_175 = math.exp %logistic3A_174 : vector<16x512xf32>
      %logistic3A_176 = arith.constant 1.000000e+00 : f32
      %logistic3A_177 = vector.broadcast %logistic3A_176 : f32 to vector<16x512xf32>
      %logistic3A_178 = arith.addf %logistic3A_177, %logistic3A_175 : vector<16x512xf32>
      %logistic3A_179 = arith.divf %logistic3A_177, %logistic3A_178 : vector<16x512xf32>
      %slice3A_180 = vector.extract_strided_slice %get3A_170 {offsets = [0, 512], sizes = [16, 512], strides = [1, 1]} : vector<16x1536xf32> to vector<16x512xf32>
      %slice3A_181 = vector.extract_strided_slice %add3A_167 {offsets = [0, 512], sizes = [16, 512], strides = [1, 1]} : vector<16x1536xf32> to vector<16x512xf32>
      %add3A_182 = arith.addf %slice3A_180, %slice3A_181 : vector<16x512xf32>
      %logistic3A_183 = arith.negf %add3A_182 : vector<16x512xf32>
      %logistic3A_184 = math.exp %logistic3A_183 : vector<16x512xf32>
      %logistic3A_185 = arith.constant 1.000000e+00 : f32
      %logistic3A_186 = vector.broadcast %logistic3A_185 : f32 to vector<16x512xf32>
      %logistic3A_187 = arith.addf %logistic3A_186, %logistic3A_184 : vector<16x512xf32>
      %logistic3A_188 = arith.divf %logistic3A_186, %logistic3A_187 : vector<16x512xf32>
      %slice3A_189 = vector.extract_strided_slice %get3A_170 {offsets = [0, 1024], sizes = [16, 512], strides = [1, 1]} : vector<16x1536xf32> to vector<16x512xf32>
      %slice3A_190 = vector.extract_strided_slice %add3A_167 {offsets = [0, 1024], sizes = [16, 512], strides = [1, 1]} : vector<16x1536xf32> to vector<16x512xf32>
      %mul3A_191 = arith.mulf %logistic3A_179, %slice3A_190 : vector<16x512xf32>
      %add3A_192 = arith.addf %slice3A_189, %mul3A_191 : vector<16x512xf32>
      %tanh3A_193 = math.tanh %add3A_192 : vector<16x512xf32>
      %sub3A_194 = arith.constant 1.000000e+00 : f32
      %sub3A_195 = vector.broadcast %sub3A_194 : f32 to vector<16x512xf32>
      %sub3A_196 = arith.subf %sub3A_195, %logistic3A_188 : vector<16x512xf32>
      %mul3A_197 = arith.mulf %sub3A_196, %tanh3A_193 : vector<16x512xf32>
      %mul3A_198 = arith.mulf %logistic3A_188, %select_n3A_141 : vector<16x512xf32>
      %add3A_199 = arith.addf %mul3A_197, %mul3A_198 : vector<16x512xf32>
      %lt3A_200 = vector.broadcast %add3A_156 : i32 to vector<16x1xi32>
      %lt3A_201 = arith.cmpi slt, %lt3A_200, %get3A_33 : vector<16x1xi32>
      %broadcast_in_dim3A_202 = vector.shape_cast %lt3A_201 : vector<16x1xi1> to vector<16x1xi1>
      %broadcast_in_dim3A_203 = vector.broadcast %broadcast_in_dim3A_202 : vector<16x1xi1> to vector<16x512xi1>
      %select_n3A_204 = arith.select %broadcast_in_dim3A_203, %add3A_199, %select_n3A_141 : vector<16x512xi1>, vector<16x512xf32>
      %jit3A_205 = arith.constant 0.000000e+00 : f32
      %broadcast_in_dim3A_206 = vector.shape_cast %lt3A_201 : vector<16x1xi1> to vector<16x1xi1>
      %broadcast_in_dim3A_207 = vector.broadcast %broadcast_in_dim3A_206 : vector<16x1xi1> to vector<16x512xi1>
      %broadcast_in_dim3A_208 = vector.broadcast %jit3A_205 : f32 to vector<16x512xf32>
      %select_n3A_209 = arith.select %broadcast_in_dim3A_207, %add3A_199, %broadcast_in_dim3A_208 : vector<16x512xi1>, vector<16x512xf32>
      %swap3A_210 = arith.constant 0 : index
      %swap3A_211 = arith.constant 2 : index
      %swap3A_212 = arith.constant 0 : index
      %swap3A_213 = vector.load %arg8[%swap3A_210, %swap3A_211, %swap3A_212] : memref<16x32x512xf32, #tpu.memory_space<vmem>>, vector<16x1x512xf32>
      %swap3A_214 = vector.shape_cast %swap3A_213 : vector<16x1x512xf32> to vector<16x512xf32>
      %swap3A_215 = vector.shape_cast %select_n3A_209 : vector<16x512xf32> to vector<16x1x512xf32>
      tpu.vector_store %arg8[%swap3A_210, %swap3A_211, %swap3A_212], %swap3A_215 {strides = array<i32>} : memref<16x32x512xf32, #tpu.memory_space<vmem>>, vector<16x1x512xf32>,
      %mul3A_216 = arith.constant 32 : i32
      %mul3A_217 = arith.muli %arg0, %mul3A_216 : i32
      %add3A_218 = arith.constant 3 : i32
      %add3A_219 = arith.addi %mul3A_217, %add3A_218 : i32
      %convert_element_type3A_220 = arith.truncf %select_n3A_204 : vector<16x512xf32> to vector<16x512xbf16>
      %get3A_221 = arith.constant 0 : index
      %get3A_222 = arith.constant 0 : index
      %get3A_223 = vector.load %arg6[%get3A_221, %get3A_222] : memref<512x1536xbf16, #tpu.memory_space<vmem>>, vector<512x1536xbf16>
      %dot_general3A_224 = arith.constant dense<0.000000e+00> : vector<16x1536xf32>
      %dot_general3A_225 = tpu.matmul %convert_element_type3A_220, %get3A_223, %dot_general3A_224 {dimension_numbers = #tpu.dot_dimension_numbers<[1], [0], [0], [1], [0, 0, 1, 1], [], []>, transpose_lhs_hint = false} : vector<16x512xbf16>, vector<512x1536xbf16>, vector<16x1536xf32> -> vector<16x1536xf32>
      %get3A_226 = arith.constant 0 : index
      %get3A_227 = arith.constant 0 : index
      %get3A_228 = vector.load %arg7[%get3A_226, %get3A_227] : memref<1x1536xf32, #tpu.memory_space<vmem>>, vector<1x1536xf32>
      %add3A_229 = vector.broadcast %get3A_228 : vector<1x1536xf32> to vector<16x1536xf32>
      %add3A_230 = arith.addf %dot_general3A_225, %add3A_229 : vector<16x1536xf32>
      %get3A_231 = arith.constant 48 : index
      %get3A_232 = arith.constant 0 : index
      %get3A_233 = vector.load %arg10[%get3A_231, %get3A_232] : memref<512x1536xf32, #tpu.memory_space<vmem>>, vector<16x1536xf32>
      %slice3A_234 = vector.extract_strided_slice %get3A_233 {offsets = [0, 0], sizes = [16, 512], strides = [1, 1]} : vector<16x1536xf32> to vector<16x512xf32>
      %slice3A_235 = vector.extract_strided_slice %add3A_230 {offsets = [0, 0], sizes = [16, 512], strides = [1, 1]} : vector<16x1536xf32> to vector<16x512xf32>
      %add3A_236 = arith.addf %slice3A_234, %slice3A_235 : vector<16x512xf32>
      %logistic3A_237 = arith.negf %add3A_236 : vector<16x512xf32>
      %logistic3A_238 = math.exp %logistic3A_237 : vector<16x512xf32>
      %logistic3A_239 = arith.constant 1.000000e+00 : f32
      %logistic3A_240 = vector.broadcast %logistic3A_239 : f32 to vector<16x512xf32>
      %logistic3A_241 = arith.addf %logistic3A_240, %logistic3A_238 : vector<16x512xf32>
      %logistic3A_242 = arith.divf %logistic3A_240, %logistic3A_241 : vector<16x512xf32>
      %slice3A_243 = vector.extract_strided_slice %get3A_233 {offsets = [0, 512], sizes = [16, 512], strides = [1, 1]} : vector<16x1536xf32> to vector<16x512xf32>
      %slice3A_244 = vector.extract_strided_slice %add3A_230 {offsets = [0, 512], sizes = [16, 512], strides = [1, 1]} : vector<16x1536xf32> to vector<16x512xf32>
      %add3A_245 = arith.addf %slice3A_243, %slice3A_244 : vector<16x512xf32>
      %logistic3A_246 = arith.negf %add3A_245 : vector<16x512xf32>
      %logistic3A_247 = math.exp %logistic3A_246 : vector<16x512xf32>
      %logistic3A_248 = arith.constant 1.000000e+00 : f32
      %logistic3A_249 = vector.broadcast %logistic3A_248 : f32 to vector<16x512xf32>
      %logistic3A_250 = arith.addf %logistic3A_249, %logistic3A_247 : vector<16x512xf32>
      %logistic3A_251 = arith.divf %logistic3A_249, %logistic3A_250 : vector<16x512xf32>
      %slice3A_252 = vector.extract_strided_slice %get3A_233 {offsets = [0, 1024], sizes = [16, 512], strides = [1, 1]} : vector<16x1536xf32> to vector<16x512xf32>
      %slice3A_253 = vector.extract_strided_slice %add3A_230 {offsets = [0, 1024], sizes = [16, 512], strides = [1, 1]} : vector<16x1536xf32> to vector<16x512xf32>
      %mul3A_254 = arith.mulf %logistic3A_242, %slice3A_253 : vector<16x512xf32>
      %add3A_255 = arith.addf %slice3A_252, %mul3A_254 : vector<16x512xf32>
      %tanh3A_256 = math.tanh %add3A_255 : vector<16x512xf32>
      %sub3A_257 = arith.constant 1.000000e+00 : f32
      %sub3A_258 = vector.broadcast %sub3A_257 : f32 to vector<16x512xf32>
      %sub3A_259 = arith.subf %sub3A_258, %logistic3A_251 : vector<16x512xf32>
      %mul3A_260 = arith.mulf %sub3A_259, %tanh3A_256 : vector<16x512xf32>
      %mul3A_261 = arith.mulf %logistic3A_251, %select_n3A_204 : vector<16x512xf32>
      %add3A_262 = arith.addf %mul3A_260, %mul3A_261 : vector<16x512xf32>
      %lt3A_263 = vector.broadcast %add3A_219 : i32 to vector<16x1xi32>
      %lt3A_264 = arith.cmpi slt, %lt3A_263, %get3A_33 : vector<16x1xi32>
      %broadcast_in_dim3A_265 = vector.shape_cast %lt3A_264 : vector<16x1xi1> to vector<16x1xi1>
      %broadcast_in_dim3A_266 = vector.broadcast %broadcast_in_dim3A_265 : vector<16x1xi1> to vector<16x512xi1>
      %select_n3A_267 = arith.select %broadcast_in_dim3A_266, %add3A_262, %select_n3A_204 : vector<16x512xi1>, vector<16x512xf32>
      %jit3A_268 = arith.constant 0.000000e+00 : f32
      %broadcast_in_dim3A_269 = vector.shape_cast %lt3A_264 : vector<16x1xi1> to vector<16x1xi1>
      %broadcast_in_dim3A_270 = vector.broadcast %broadcast_in_dim3A_269 : vector<16x1xi1> to vector<16x512xi1>
      %broadcast_in_dim3A_271 = vector.broadcast %jit3A_268 : f32 to vector<16x512xf32>
      %select_n3A_272 = arith.select %broadcast_in_dim3A_270, %add3A_262, %broadcast_in_dim3A_271 : vector<16x512xi1>, vector<16x512xf32>
      %swap3A_273 = arith.constant 0 : index
      %swap3A_274 = arith.constant 3 : index
      %swap3A_275 = arith.constant 0 : index
      %swap3A_276 = vector.load %arg8[%swap3A_273, %swap3A_274, %swap3A_275] : memref<16x32x512xf32, #tpu.memory_space<vmem>>, vector<16x1x512xf32>
      %swap3A_277 = vector.shape_cast %swap3A_276 : vector<16x1x512xf32> to vector<16x512xf32>
      %swap3A_278 = vector.shape_cast %select_n3A_272 : vector<16x512xf32> to vector<16x1x512xf32>
      tpu.vector_store %arg8[%swap3A_273, %swap3A_274, %swap3A_275], %swap3A_278 {strides = array<i32>} : memref<16x32x512xf32, #tpu.memory_space<vmem>>, vector<16x1x512xf32>,
      %mul3A_279 = arith.constant 32 : i32
      %mul3A_280 = arith.muli %arg0, %mul3A_279 : i32
      %add3A_281 = arith.constant 4 : i32
      %add3A_282 = arith.addi %mul3A_280, %add3A_281 : i32
      %convert_element_type3A_283 = arith.truncf %select_n3A_267 : vector<16x512xf32> to vector<16x512xbf16>
      %get3A_284 = arith.constant 0 : index
      %get3A_285 = arith.constant 0 : index
      %get3A_286 = vector.load %arg6[%get3A_284, %get3A_285] : memref<512x1536xbf16, #tpu.memory_space<vmem>>, vector<512x1536xbf16>
      %dot_general3A_287 = arith.constant dense<0.000000e+00> : vector<16x1536xf32>
      %dot_general3A_288 = tpu.matmul %convert_element_type3A_283, %get3A_286, %dot_general3A_287 {dimension_numbers = #tpu.dot_dimension_numbers<[1], [0], [0], [1], [0, 0, 1, 1], [], []>, transpose_lhs_hint = false} : vector<16x512xbf16>, vector<512x1536xbf16>, vector<16x1536xf32> -> vector<16x1536xf32>
      %get3A_289 = arith.constant 0 : index
      %get3A_290 = arith.constant 0 : index
      %get3A_291 = vector.load %arg7[%get3A_289, %get3A_290] : memref<1x1536xf32, #tpu.memory_space<vmem>>, vector<1x1536xf32>
      %add3A_292 = vector.broadcast %get3A_291 : vector<1x1536xf32> to vector<16x1536xf32>
      %add3A_293 = arith.addf %dot_general3A_288, %add3A_292 : vector<16x1536xf32>
      %get3A_294 = arith.constant 64 : index
      %get3A_295 = arith.constant 0 : index
      %get3A_296 = vector.load %arg10[%get3A_294, %get3A_295] : memref<512x1536xf32, #tpu.memory_space<vmem>>, vector<16x1536xf32>
      %slice3A_297 = vector.extract_strided_slice %get3A_296 {offsets = [0, 0], sizes = [16, 512], strides = [1, 1]} : vector<16x1536xf32> to vector<16x512xf32>
      %slice3A_298 = vector.extract_strided_slice %add3A_293 {offsets = [0, 0], sizes = [16, 512], strides = [1, 1]} : vector<16x1536xf32> to vector<16x512xf32>
      %add3A_299 = arith.addf %slice3A_297, %slice3A_298 : vector<16x512xf32>
      %logistic3A_300 = arith.negf %add3A_299 : vector<16x512xf32>
      %logistic3A_301 = math.exp %logistic3A_300 : vector<16x512xf32>
      %logistic3A_302 = arith.constant 1.000000e+00 : f32
      %logistic3A_303 = vector.broadcast %logistic3A_302 : f32 to vector<16x512xf32>
      %logistic3A_304 = arith.addf %logistic3A_303, %logistic3A_301 : vector<16x512xf32>
      %logistic3A_305 = arith.divf %logistic3A_303, %logistic3A_304 : vector<16x512xf32>
      %slice3A_306 = vector.extract_strided_slice %get3A_296 {offsets = [0, 512], sizes = [16, 512], strides = [1, 1]} : vector<16x1536xf32> to vector<16x512xf32>
      %slice3A_307 = vector.extract_strided_slice %add3A_293 {offsets = [0, 512], sizes = [16, 512], strides = [1, 1]} : vector<16x1536xf32> to vector<16x512xf32>
      %add3A_308 = arith.addf %slice3A_306, %slice3A_307 : vector<16x512xf32>
      %logistic3A_309 = arith.negf %add3A_308 : vector<16x512xf32>
      %logistic3A_310 = math.exp %logistic3A_309 : vector<16x512xf32>
      %logistic3A_311 = arith.constant 1.000000e+00 : f32
      %logistic3A_312 = vector.broadcast %logistic3A_311 : f32 to vector<16x512xf32>
      %logistic3A_313 = arith.addf %logistic3A_312, %logistic3A_310 : vector<16x512xf32>
      %logistic3A_314 = arith.divf %logistic3A_312, %logistic3A_313 : vector<16x512xf32>
      %slice3A_315 = vector.extract_strided_slice %get3A_296 {offsets = [0, 1024], sizes = [16, 512], strides = [1, 1]} : vector<16x1536xf32> to vector<16x512xf32>
      %slice3A_316 = vector.extract_strided_slice %add3A_293 {offsets = [0, 1024], sizes = [16, 512], strides = [1, 1]} : vector<16x1536xf32> to vector<16x512xf32>
      %mul3A_317 = arith.mulf %logistic3A_305, %slice3A_316 : vector<16x512xf32>
      %add3A_318 = arith.addf %slice3A_315, %mul3A_317 : vector<16x512xf32>
      %tanh3A_319 = math.tanh %add3A_318 : vector<16x512xf32>
      %sub3A_320 = arith.constant 1.000000e+00 : f32
      %sub3A_321 = vector.broadcast %sub3A_320 : f32 to vector<16x512xf32>
      %sub3A_322 = arith.subf %sub3A_321, %logistic3A_314 : vector<16x512xf32>
      %mul3A_323 = arith.mulf %sub3A_322, %tanh3A_319 : vector<16x512xf32>
      %mul3A_324 = arith.mulf %logistic3A_314, %select_n3A_267 : vector<16x512xf32>
      %add3A_325 = arith.addf %mul3A_323, %mul3A_324 : vector<16x512xf32>
      %lt3A_326 = vector.broadcast %add3A_282 : i32 to vector<16x1xi32>
      %lt3A_327 = arith.cmpi slt, %lt3A_326, %get3A_33 : vector<16x1xi32>
      %broadcast_in_dim3A_328 = vector.shape_cast %lt3A_327 : vector<16x1xi1> to vector<16x1xi1>
      %broadcast_in_dim3A_329 = vector.broadcast %broadcast_in_dim3A_328 : vector<16x1xi1> to vector<16x512xi1>
      %select_n3A_330 = arith.select %broadcast_in_dim3A_329, %add3A_325, %select_n3A_267 : vector<16x512xi1>, vector<16x512xf32>
      %jit3A_331 = arith.constant 0.000000e+00 : f32
      %broadcast_in_dim3A_332 = vector.shape_cast %lt3A_327 : vector<16x1xi1> to vector<16x1xi1>
      %broadcast_in_dim3A_333 = vector.broadcast %broadcast_in_dim3A_332 : vector<16x1xi1> to vector<16x512xi1>
      %broadcast_in_dim3A_334 = vector.broadcast %jit3A_331 : f32 to vector<16x512xf32>
      %select_n3A_335 = arith.select %broadcast_in_dim3A_333, %add3A_325, %broadcast_in_dim3A_334 : vector<16x512xi1>, vector<16x512xf32>
      %swap3A_336 = arith.constant 0 : index
      %swap3A_337 = arith.constant 4 : index
      %swap3A_338 = arith.constant 0 : index
      %swap3A_339 = vector.load %arg8[%swap3A_336, %swap3A_337, %swap3A_338] : memref<16x32x512xf32, #tpu.memory_space<vmem>>, vector<16x1x512xf32>
      %swap3A_340 = vector.shape_cast %swap3A_339 : vector<16x1x512xf32> to vector<16x512xf32>
      %swap3A_341 = vector.shape_cast %select_n3A_335 : vector<16x512xf32> to vector<16x1x512xf32>
      tpu.vector_store %arg8[%swap3A_336, %swap3A_337, %swap3A_338], %swap3A_341 {strides = array<i32>} : memref<16x32x512xf32, #tpu.memory_space<vmem>>, vector<16x1x512xf32>,
      %mul3A_342 = arith.constant 32 : i32
      %mul3A_343 = arith.muli %arg0, %mul3A_342 : i32
      %add3A_344 = arith.constant 5 : i32
      %add3A_345 = arith.addi %mul3A_343, %add3A_344 : i32
      %convert_element_type3A_346 = arith.truncf %select_n3A_330 : vector<16x512xf32> to vector<16x512xbf16>
      %get3A_347 = arith.constant 0 : index
      %get3A_348 = arith.constant 0 : index
      %get3A_349 = vector.load %arg6[%get3A_347, %get3A_348] : memref<512x1536xbf16, #tpu.memory_space<vmem>>, vector<512x1536xbf16>
      %dot_general3A_350 = arith.constant dense<0.000000e+00> : vector<16x1536xf32>
      %dot_general3A_351 = tpu.matmul %convert_element_type3A_346, %get3A_349, %dot_general3A_350 {dimension_numbers = #tpu.dot_dimension_numbers<[1], [0], [0], [1], [0, 0, 1, 1], [], []>, transpose_lhs_hint = false} : vector<16x512xbf16>, vector<512x1536xbf16>, vector<16x1536xf32> -> vector<16x1536xf32>
      %get3A_352 = arith.constant 0 : index
      %get3A_353 = arith.constant 0 : index
      %get3A_354 = vector.load %arg7[%get3A_352, %get3A_353] : memref<1x1536xf32, #tpu.memory_space<vmem>>, vector<1x1536xf32>
      %add3A_355 = vector.broadcast %get3A_354 : vector<1x1536xf32> to vector<16x1536xf32>
      %add3A_356 = arith.addf %dot_general3A_351, %add3A_355 : vector<16x1536xf32>
      %get3A_357 = arith.constant 80 : index
      %get3A_358 = arith.constant 0 : index
      %get3A_359 = vector.load %arg10[%get3A_357, %get3A_358] : memref<512x1536xf32, #tpu.memory_space<vmem>>, vector<16x1536xf32>
      %slice3A_360 = vector.extract_strided_slice %get3A_359 {offsets = [0, 0], sizes = [16, 512], strides = [1, 1]} : vector<16x1536xf32> to vector<16x512xf32>
      %slice3A_361 = vector.extract_strided_slice %add3A_356 {offsets = [0, 0], sizes = [16, 512], strides = [1, 1]} : vector<16x1536xf32> to vector<16x512xf32>
      %add3A_362 = arith.addf %slice3A_360, %slice3A_361 : vector<16x512xf32>
      %logistic3A_363 = arith.negf %add3A_362 : vector<16x512xf32>
      %logistic3A_364 = math.exp %logistic3A_363 : vector<16x512xf32>
      %logistic3A_365 = arith.constant 1.000000e+00 : f32
      %logistic3A_366 = vector.broadcast %logistic3A_365 : f32 to vector<16x512xf32>
      %logistic3A_367 = arith.addf %logistic3A_366, %logistic3A_364 : vector<16x512xf32>
      %logistic3A_368 = arith.divf %logistic3A_366, %logistic3A_367 : vector<16x512xf32>
      %slice3A_369 = vector.extract_strided_slice %get3A_359 {offsets = [0, 512], sizes = [16, 512], strides = [1, 1]} : vector<16x1536xf32> to vector<16x512xf32>
      %slice3A_370 = vector.extract_strided_slice %add3A_356 {offsets = [0, 512], sizes = [16, 512], strides = [1, 1]} : vector<16x1536xf32> to vector<16x512xf32>
      %add3A_371 = arith.addf %slice3A_369, %slice3A_370 : vector<16x512xf32>
      %logistic3A_372 = arith.negf %add3A_371 : vector<16x512xf32>
      %logistic3A_373 = math.exp %logistic3A_372 : vector<16x512xf32>
      %logistic3A_374 = arith.constant 1.000000e+00 : f32
      %logistic3A_375 = vector.broadcast %logistic3A_374 : f32 to vector<16x512xf32>
      %logistic3A_376 = arith.addf %logistic3A_375, %logistic3A_373 : vector<16x512xf32>
      %logistic3A_377 = arith.divf %logistic3A_375, %logistic3A_376 : vector<16x512xf32>
      %slice3A_378 = vector.extract_strided_slice %get3A_359 {offsets = [0, 1024], sizes = [16, 512], strides = [1, 1]} : vector<16x1536xf32> to vector<16x512xf32>
      %slice3A_379 = vector.extract_strided_slice %add3A_356 {offsets = [0, 1024], sizes = [16, 512], strides = [1, 1]} : vector<16x1536xf32> to vector<16x512xf32>
      %mul3A_380 = arith.mulf %logistic3A_368, %slice3A_379 : vector<16x512xf32>
      %add3A_381 = arith.addf %slice3A_378, %mul3A_380 : vector<16x512xf32>
      %tanh3A_382 = math.tanh %add3A_381 : vector<16x512xf32>
      %sub3A_383 = arith.constant 1.000000e+00 : f32
      %sub3A_384 = vector.broadcast %sub3A_383 : f32 to vector<16x512xf32>
      %sub3A_385 = arith.subf %sub3A_384, %logistic3A_377 : vector<16x512xf32>
      %mul3A_386 = arith.mulf %sub3A_385, %tanh3A_382 : vector<16x512xf32>
      %mul3A_387 = arith.mulf %logistic3A_377, %select_n3A_330 : vector<16x512xf32>
      %add3A_388 = arith.addf %mul3A_386, %mul3A_387 : vector<16x512xf32>
      %lt3A_389 = vector.broadcast %add3A_345 : i32 to vector<16x1xi32>
      %lt3A_390 = arith.cmpi slt, %lt3A_389, %get3A_33 : vector<16x1xi32>
      %broadcast_in_dim3A_391 = vector.shape_cast %lt3A_390 : vector<16x1xi1> to vector<16x1xi1>
      %broadcast_in_dim3A_392 = vector.broadcast %broadcast_in_dim3A_391 : vector<16x1xi1> to vector<16x512xi1>
      %select_n3A_393 = arith.select %broadcast_in_dim3A_392, %add3A_388, %select_n3A_330 : vector<16x512xi1>, vector<16x512xf32>
      %jit3A_394 = arith.constant 0.000000e+00 : f32
      %broadcast_in_dim3A_395 = vector.shape_cast %lt3A_390 : vector<16x1xi1> to vector<16x1xi1>
      %broadcast_in_dim3A_396 = vector.broadcast %broadcast_in_dim3A_395 : vector<16x1xi1> to vector<16x512xi1>
      %broadcast_in_dim3A_397 = vector.broadcast %jit3A_394 : f32 to vector<16x512xf32>
      %select_n3A_398 = arith.select %broadcast_in_dim3A_396, %add3A_388, %broadcast_in_dim3A_397 : vector<16x512xi1>, vector<16x512xf32>
      %swap3A_399 = arith.constant 0 : index
      %swap3A_400 = arith.constant 5 : index
      %swap3A_401 = arith.constant 0 : index
      %swap3A_402 = vector.load %arg8[%swap3A_399, %swap3A_400, %swap3A_401] : memref<16x32x512xf32, #tpu.memory_space<vmem>>, vector<16x1x512xf32>
      %swap3A_403 = vector.shape_cast %swap3A_402 : vector<16x1x512xf32> to vector<16x512xf32>
      %swap3A_404 = vector.shape_cast %select_n3A_398 : vector<16x512xf32> to vector<16x1x512xf32>
      tpu.vector_store %arg8[%swap3A_399, %swap3A_400, %swap3A_401], %swap3A_404 {strides = array<i32>} : memref<16x32x512xf32, #tpu.memory_space<vmem>>, vector<16x1x512xf32>,
      %mul3A_405 = arith.constant 32 : i32
      %mul3A_406 = arith.muli %arg0, %mul3A_405 : i32
      %add3A_407 = arith.constant 6 : i32
      %add3A_408 = arith.addi %mul3A_406, %add3A_407 : i32
      %convert_element_type3A_409 = arith.truncf %select_n3A_393 : vector<16x512xf32> to vector<16x512xbf16>
      %get3A_410 = arith.constant 0 : index
      %get3A_411 = arith.constant 0 : index
      %get3A_412 = vector.load %arg6[%get3A_410, %get3A_411] : memref<512x1536xbf16, #tpu.memory_space<vmem>>, vector<512x1536xbf16>
      %dot_general3A_413 = arith.constant dense<0.000000e+00> : vector<16x1536xf32>
      %dot_general3A_414 = tpu.matmul %convert_element_type3A_409, %get3A_412, %dot_general3A_413 {dimension_numbers = #tpu.dot_dimension_numbers<[1], [0], [0], [1], [0, 0, 1, 1], [], []>, transpose_lhs_hint = false} : vector<16x512xbf16>, vector<512x1536xbf16>, vector<16x1536xf32> -> vector<16x1536xf32>
      %get3A_415 = arith.constant 0 : index
      %get3A_416 = arith.constant 0 : index
      %get3A_417 = vector.load %arg7[%get3A_415, %get3A_416] : memref<1x1536xf32, #tpu.memory_space<vmem>>, vector<1x1536xf32>
      %add3A_418 = vector.broadcast %get3A_417 : vector<1x1536xf32> to vector<16x1536xf32>
      %add3A_419 = arith.addf %dot_general3A_414, %add3A_418 : vector<16x1536xf32>
      %get3A_420 = arith.constant 96 : index
      %get3A_421 = arith.constant 0 : index
      %get3A_422 = vector.load %arg10[%get3A_420, %get3A_421] : memref<512x1536xf32, #tpu.memory_space<vmem>>, vector<16x1536xf32>
      %slice3A_423 = vector.extract_strided_slice %get3A_422 {offsets = [0, 0], sizes = [16, 512], strides = [1, 1]} : vector<16x1536xf32> to vector<16x512xf32>
      %slice3A_424 = vector.extract_strided_slice %add3A_419 {offsets = [0, 0], sizes = [16, 512], strides = [1, 1]} : vector<16x1536xf32> to vector<16x512xf32>
      %add3A_425 = arith.addf %slice3A_423, %slice3A_424 : vector<16x512xf32>
      %logistic3A_426 = arith.negf %add3A_425 : vector<16x512xf32>
      %logistic3A_427 = math.exp %logistic3A_426 : vector<16x512xf32>
      %logistic3A_428 = arith.constant 1.000000e+00 : f32
      %logistic3A_429 = vector.broadcast %logistic3A_428 : f32 to vector<16x512xf32>
      %logistic3A_430 = arith.addf %logistic3A_429, %logistic3A_427 : vector<16x512xf32>
      %logistic3A_431 = arith.divf %logistic3A_429, %logistic3A_430 : vector<16x512xf32>
      %slice3A_432 = vector.extract_strided_slice %get3A_422 {offsets = [0, 512], sizes = [16, 512], strides = [1, 1]} : vector<16x1536xf32> to vector<16x512xf32>
      %slice3A_433 = vector.extract_strided_slice %add3A_419 {offsets = [0, 512], sizes = [16, 512], strides = [1, 1]} : vector<16x1536xf32> to vector<16x512xf32>
      %add3A_434 = arith.addf %slice3A_432, %slice3A_433 : vector<16x512xf32>
      %logistic3A_435 = arith.negf %add3A_434 : vector<16x512xf32>
      %logistic3A_436 = math.exp %logistic3A_435 : vector<16x512xf32>
      %logistic3A_437 = arith.constant 1.000000e+00 : f32
      %logistic3A_438 = vector.broadcast %logistic3A_437 : f32 to vector<16x512xf32>
      %logistic3A_439 = arith.addf %logistic3A_438, %logistic3A_436 : vector<16x512xf32>
      %logistic3A_440 = arith.divf %logistic3A_438, %logistic3A_439 : vector<16x512xf32>
      %slice3A_441 = vector.extract_strided_slice %get3A_422 {offsets = [0, 1024], sizes = [16, 512], strides = [1, 1]} : vector<16x1536xf32> to vector<16x512xf32>
      %slice3A_442 = vector.extract_strided_slice %add3A_419 {offsets = [0, 1024], sizes = [16, 512], strides = [1, 1]} : vector<16x1536xf32> to vector<16x512xf32>
      %mul3A_443 = arith.mulf %logistic3A_431, %slice3A_442 : vector<16x512xf32>
      %add3A_444 = arith.addf %slice3A_441, %mul3A_443 : vector<16x512xf32>
      %tanh3A_445 = math.tanh %add3A_444 : vector<16x512xf32>
      %sub3A_446 = arith.constant 1.000000e+00 : f32
      %sub3A_447 = vector.broadcast %sub3A_446 : f32 to vector<16x512xf32>
      %sub3A_448 = arith.subf %sub3A_447, %logistic3A_440 : vector<16x512xf32>
      %mul3A_449 = arith.mulf %sub3A_448, %tanh3A_445 : vector<16x512xf32>
      %mul3A_450 = arith.mulf %logistic3A_440, %select_n3A_393 : vector<16x512xf32>
      %add3A_451 = arith.addf %mul3A_449, %mul3A_450 : vector<16x512xf32>
      %lt3A_452 = vector.broadcast %add3A_408 : i32 to vector<16x1xi32>
      %lt3A_453 = arith.cmpi slt, %lt3A_452, %get3A_33 : vector<16x1xi32>
      %broadcast_in_dim3A_454 = vector.shape_cast %lt3A_453 : vector<16x1xi1> to vector<16x1xi1>
      %broadcast_in_dim3A_455 = vector.broadcast %broadcast_in_dim3A_454 : vector<16x1xi1> to vector<16x512xi1>
      %select_n3A_456 = arith.select %broadcast_in_dim3A_455, %add3A_451, %select_n3A_393 : vector<16x512xi1>, vector<16x512xf32>
      %jit3A_457 = arith.constant 0.000000e+00 : f32
      %broadcast_in_dim3A_458 = vector.shape_cast %lt3A_453 : vector<16x1xi1> to vector<16x1xi1>
      %broadcast_in_dim3A_459 = vector.broadcast %broadcast_in_dim3A_458 : vector<16x1xi1> to vector<16x512xi1>
      %broadcast_in_dim3A_460 = vector.broadcast %jit3A_457 : f32 to vector<16x512xf32>
      %select_n3A_461 = arith.select %broadcast_in_dim3A_459, %add3A_451, %broadcast_in_dim3A_460 : vector<16x512xi1>, vector<16x512xf32>
      %swap3A_462 = arith.constant 0 : index
      %swap3A_463 = arith.constant 6 : index
      %swap3A_464 = arith.constant 0 : index
      %swap3A_465 = vector.load %arg8[%swap3A_462, %swap3A_463, %swap3A_464] : memref<16x32x512xf32, #tpu.memory_space<vmem>>, vector<16x1x512xf32>
      %swap3A_466 = vector.shape_cast %swap3A_465 : vector<16x1x512xf32> to vector<16x512xf32>
      %swap3A_467 = vector.shape_cast %select_n3A_461 : vector<16x512xf32> to vector<16x1x512xf32>
      tpu.vector_store %arg8[%swap3A_462, %swap3A_463, %swap3A_464], %swap3A_467 {strides = array<i32>} : memref<16x32x512xf32, #tpu.memory_space<vmem>>, vector<16x1x512xf32>,
      %mul3A_468 = arith.constant 32 : i32
      %mul3A_469 = arith.muli %arg0, %mul3A_468 : i32
      %add3A_470 = arith.constant 7 : i32
      %add3A_471 = arith.addi %mul3A_469, %add3A_470 : i32
      %convert_element_type3A_472 = arith.truncf %select_n3A_456 : vector<16x512xf32> to vector<16x512xbf16>
      %get3A_473 = arith.constant 0 : index
      %get3A_474 = arith.constant 0 : index
      %get3A_475 = vector.load %arg6[%get3A_473, %get3A_474] : memref<512x1536xbf16, #tpu.memory_space<vmem>>, vector<512x1536xbf16>
      %dot_general3A_476 = arith.constant dense<0.000000e+00> : vector<16x1536xf32>
      %dot_general3A_477 = tpu.matmul %convert_element_type3A_472, %get3A_475, %dot_general3A_476 {dimension_numbers = #tpu.dot_dimension_numbers<[1], [0], [0], [1], [0, 0, 1, 1], [], []>, transpose_lhs_hint = false} : vector<16x512xbf16>, vector<512x1536xbf16>, vector<16x1536xf32> -> vector<16x1536xf32>
      %get3A_478 = arith.constant 0 : index
      %get3A_479 = arith.constant 0 : index
      %get3A_480 = vector.load %arg7[%get3A_478, %get3A_479] : memref<1x1536xf32, #tpu.memory_space<vmem>>, vector<1x1536xf32>
      %add3A_481 = vector.broadcast %get3A_480 : vector<1x1536xf32> to vector<16x1536xf32>
      %add3A_482 = arith.addf %dot_general3A_477, %add3A_481 : vector<16x1536xf32>
      %get3A_483 = arith.constant 112 : index
      %get3A_484 = arith.constant 0 : index
      %get3A_485 = vector.load %arg10[%get3A_483, %get3A_484] : memref<512x1536xf32, #tpu.memory_space<vmem>>, vector<16x1536xf32>
      %slice3A_486 = vector.extract_strided_slice %get3A_485 {offsets = [0, 0], sizes = [16, 512], strides = [1, 1]} : vector<16x1536xf32> to vector<16x512xf32>
      %slice3A_487 = vector.extract_strided_slice %add3A_482 {offsets = [0, 0], sizes = [16, 512], strides = [1, 1]} : vector<16x1536xf32> to vector<16x512xf32>
      %add3A_488 = arith.addf %slice3A_486, %slice3A_487 : vector<16x512xf32>
      %logistic3A_489 = arith.negf %add3A_488 : vector<16x512xf32>
      %logistic3A_490 = math.exp %logistic3A_489 : vector<16x512xf32>
      %logistic3A_491 = arith.constant 1.000000e+00 : f32
      %logistic3A_492 = vector.broadcast %logistic3A_491 : f32 to vector<16x512xf32>
      %logistic3A_493 = arith.addf %logistic3A_492, %logistic3A_490 : vector<16x512xf32>
      %logistic3A_494 = arith.divf %logistic3A_492, %logistic3A_493 : vector<16x512xf32>
      %slice3A_495 = vector.extract_strided_slice %get3A_485 {offsets = [0, 512], sizes = [16, 512], strides = [1, 1]} : vector<16x1536xf32> to vector<16x512xf32>
      %slice3A_496 = vector.extract_strided_slice %add3A_482 {offsets = [0, 512], sizes = [16, 512], strides = [1, 1]} : vector<16x1536xf32> to vector<16x512xf32>
      %add3A_497 = arith.addf %slice3A_495, %slice3A_496 : vector<16x512xf32>
      %logistic3A_498 = arith.negf %add3A_497 : vector<16x512xf32>
      %logistic3A_499 = math.exp %logistic3A_498 : vector<16x512xf32>
      %logistic3A_500 = arith.constant 1.000000e+00 : f32
      %logistic3A_501 = vector.broadcast %logistic3A_500 : f32 to vector<16x512xf32>
      %logistic3A_502 = arith.addf %logistic3A_501, %logistic3A_499 : vector<16x512xf32>
      %logistic3A_503 = arith.divf %logistic3A_501, %logistic3A_502 : vector<16x512xf32>
      %slice3A_504 = vector.extract_strided_slice %get3A_485 {offsets = [0, 1024], sizes = [16, 512], strides = [1, 1]} : vector<16x1536xf32> to vector<16x512xf32>
      %slice3A_505 = vector.extract_strided_slice %add3A_482 {offsets = [0, 1024], sizes = [16, 512], strides = [1, 1]} : vector<16x1536xf32> to vector<16x512xf32>
      %mul3A_506 = arith.mulf %logistic3A_494, %slice3A_505 : vector<16x512xf32>
      %add3A_507 = arith.addf %slice3A_504, %mul3A_506 : vector<16x512xf32>
      %tanh3A_508 = math.tanh %add3A_507 : vector<16x512xf32>
      %sub3A_509 = arith.constant 1.000000e+00 : f32
      %sub3A_510 = vector.broadcast %sub3A_509 : f32 to vector<16x512xf32>
      %sub3A_511 = arith.subf %sub3A_510, %logistic3A_503 : vector<16x512xf32>
      %mul3A_512 = arith.mulf %sub3A_511, %tanh3A_508 : vector<16x512xf32>
      %mul3A_513 = arith.mulf %logistic3A_503, %select_n3A_456 : vector<16x512xf32>
      %add3A_514 = arith.addf %mul3A_512, %mul3A_513 : vector<16x512xf32>
      %lt3A_515 = vector.broadcast %add3A_471 : i32 to vector<16x1xi32>
      %lt3A_516 = arith.cmpi slt, %lt3A_515, %get3A_33 : vector<16x1xi32>
      %broadcast_in_dim3A_517 = vector.shape_cast %lt3A_516 : vector<16x1xi1> to vector<16x1xi1>
      %broadcast_in_dim3A_518 = vector.broadcast %broadcast_in_dim3A_517 : vector<16x1xi1> to vector<16x512xi1>
      %select_n3A_519 = arith.select %broadcast_in_dim3A_518, %add3A_514, %select_n3A_456 : vector<16x512xi1>, vector<16x512xf32>
      %jit3A_520 = arith.constant 0.000000e+00 : f32
      %broadcast_in_dim3A_521 = vector.shape_cast %lt3A_516 : vector<16x1xi1> to vector<16x1xi1>
      %broadcast_in_dim3A_522 = vector.broadcast %broadcast_in_dim3A_521 : vector<16x1xi1> to vector<16x512xi1>
      %broadcast_in_dim3A_523 = vector.broadcast %jit3A_520 : f32 to vector<16x512xf32>
      %select_n3A_524 = arith.select %broadcast_in_dim3A_522, %add3A_514, %broadcast_in_dim3A_523 : vector<16x512xi1>, vector<16x512xf32>
      %swap3A_525 = arith.constant 0 : index
      %swap3A_526 = arith.constant 7 : index
      %swap3A_527 = arith.constant 0 : index
      %swap3A_528 = vector.load %arg8[%swap3A_525, %swap3A_526, %swap3A_527] : memref<16x32x512xf32, #tpu.memory_space<vmem>>, vector<16x1x512xf32>
      %swap3A_529 = vector.shape_cast %swap3A_528 : vector<16x1x512xf32> to vector<16x512xf32>
      %swap3A_530 = vector.shape_cast %select_n3A_524 : vector<16x512xf32> to vector<16x1x512xf32>
      tpu.vector_store %arg8[%swap3A_525, %swap3A_526, %swap3A_527], %swap3A_530 {strides = array<i32>} : memref<16x32x512xf32, #tpu.memory_space<vmem>>, vector<16x1x512xf32>,
      %mul3A_531 = arith.constant 32 : i32
      %mul3A_532 = arith.muli %arg0, %mul3A_531 : i32
      %add3A_533 = arith.constant 8 : i32
      %add3A_534 = arith.addi %mul3A_532, %add3A_533 : i32
      %convert_element_type3A_535 = arith.truncf %select_n3A_519 : vector<16x512xf32> to vector<16x512xbf16>
      %get3A_536 = arith.constant 0 : index
      %get3A_537 = arith.constant 0 : index
      %get3A_538 = vector.load %arg6[%get3A_536, %get3A_537] : memref<512x1536xbf16, #tpu.memory_space<vmem>>, vector<512x1536xbf16>
      %dot_general3A_539 = arith.constant dense<0.000000e+00> : vector<16x1536xf32>
      %dot_general3A_540 = tpu.matmul %convert_element_type3A_535, %get3A_538, %dot_general3A_539 {dimension_numbers = #tpu.dot_dimension_numbers<[1], [0], [0], [1], [0, 0, 1, 1], [], []>, transpose_lhs_hint = false} : vector<16x512xbf16>, vector<512x1536xbf16>, vector<16x1536xf32> -> vector<16x1536xf32>
      %get3A_541 = arith.constant 0 : index
      %get3A_542 = arith.constant 0 : index
      %get3A_543 = vector.load %arg7[%get3A_541, %get3A_542] : memref<1x1536xf32, #tpu.memory_space<vmem>>, vector<1x1536xf32>
      %add3A_544 = vector.broadcast %get3A_543 : vector<1x1536xf32> to vector<16x1536xf32>
      %add3A_545 = arith.addf %dot_general3A_540, %add3A_544 : vector<16x1536xf32>
      %get3A_546 = arith.constant 128 : index
      %get3A_547 = arith.constant 0 : index
      %get3A_548 = vector.load %arg10[%get3A_546, %get3A_547] : memref<512x1536xf32, #tpu.memory_space<vmem>>, vector<16x1536xf32>
      %slice3A_549 = vector.extract_strided_slice %get3A_548 {offsets = [0, 0], sizes = [16, 512], strides = [1, 1]} : vector<16x1536xf32> to vector<16x512xf32>
      %slice3A_550 = vector.extract_strided_slice %add3A_545 {offsets = [0, 0], sizes = [16, 512], strides = [1, 1]} : vector<16x1536xf32> to vector<16x512xf32>
      %add3A_551 = arith.addf %slice3A_549, %slice3A_550 : vector<16x512xf32>
      %logistic3A_552 = arith.negf %add3A_551 : vector<16x512xf32>
      %logistic3A_553 = math.exp %logistic3A_552 : vector<16x512xf32>
      %logistic3A_554 = arith.constant 1.000000e+00 : f32
      %logistic3A_555 = vector.broadcast %logistic3A_554 : f32 to vector<16x512xf32>
      %logistic3A_556 = arith.addf %logistic3A_555, %logistic3A_553 : vector<16x512xf32>
      %logistic3A_557 = arith.divf %logistic3A_555, %logistic3A_556 : vector<16x512xf32>
      %slice3A_558 = vector.extract_strided_slice %get3A_548 {offsets = [0, 512], sizes = [16, 512], strides = [1, 1]} : vector<16x1536xf32> to vector<16x512xf32>
      %slice3A_559 = vector.extract_strided_slice %add3A_545 {offsets = [0, 512], sizes = [16, 512], strides = [1, 1]} : vector<16x1536xf32> to vector<16x512xf32>
      %add3A_560 = arith.addf %slice3A_558, %slice3A_559 : vector<16x512xf32>
      %logistic3A_561 = arith.negf %add3A_560 : vector<16x512xf32>
      %logistic3A_562 = math.exp %logistic3A_561 : vector<16x512xf32>
      %logistic3A_563 = arith.constant 1.000000e+00 : f32
      %logistic3A_564 = vector.broadcast %logistic3A_563 : f32 to vector<16x512xf32>
      %logistic3A_565 = arith.addf %logistic3A_564, %logistic3A_562 : vector<16x512xf32>
      %logistic3A_566 = arith.divf %logistic3A_564, %logistic3A_565 : vector<16x512xf32>
      %slice3A_567 = vector.extract_strided_slice %get3A_548 {offsets = [0, 1024], sizes = [16, 512], strides = [1, 1]} : vector<16x1536xf32> to vector<16x512xf32>
      %slice3A_568 = vector.extract_strided_slice %add3A_545 {offsets = [0, 1024], sizes = [16, 512], strides = [1, 1]} : vector<16x1536xf32> to vector<16x512xf32>
      %mul3A_569 = arith.mulf %logistic3A_557, %slice3A_568 : vector<16x512xf32>
      %add3A_570 = arith.addf %slice3A_567, %mul3A_569 : vector<16x512xf32>
      %tanh3A_571 = math.tanh %add3A_570 : vector<16x512xf32>
      %sub3A_572 = arith.constant 1.000000e+00 : f32
      %sub3A_573 = vector.broadcast %sub3A_572 : f32 to vector<16x512xf32>
      %sub3A_574 = arith.subf %sub3A_573, %logistic3A_566 : vector<16x512xf32>
      %mul3A_575 = arith.mulf %sub3A_574, %tanh3A_571 : vector<16x512xf32>
      %mul3A_576 = arith.mulf %logistic3A_566, %select_n3A_519 : vector<16x512xf32>
      %add3A_577 = arith.addf %mul3A_575, %mul3A_576 : vector<16x512xf32>
      %lt3A_578 = vector.broadcast %add3A_534 : i32 to vector<16x1xi32>
      %lt3A_579 = arith.cmpi slt, %lt3A_578, %get3A_33 : vector<16x1xi32>
      %broadcast_in_dim3A_580 = vector.shape_cast %lt3A_579 : vector<16x1xi1> to vector<16x1xi1>
      %broadcast_in_dim3A_581 = vector.broadcast %broadcast_in_dim3A_580 : vector<16x1xi1> to vector<16x512xi1>
      %select_n3A_582 = arith.select %broadcast_in_dim3A_581, %add3A_577, %select_n3A_519 : vector<16x512xi1>, vector<16x512xf32>
      %jit3A_583 = arith.constant 0.000000e+00 : f32
      %broadcast_in_dim3A_584 = vector.shape_cast %lt3A_579 : vector<16x1xi1> to vector<16x1xi1>
      %broadcast_in_dim3A_585 = vector.broadcast %broadcast_in_dim3A_584 : vector<16x1xi1> to vector<16x512xi1>
      %broadcast_in_dim3A_586 = vector.broadcast %jit3A_583 : f32 to vector<16x512xf32>
      %select_n3A_587 = arith.select %broadcast_in_dim3A_585, %add3A_577, %broadcast_in_dim3A_586 : vector<16x512xi1>, vector<16x512xf32>
      %swap3A_588 = arith.constant 0 : index
      %swap3A_589 = arith.constant 8 : index
      %swap3A_590 = arith.constant 0 : index
      %swap3A_591 = vector.load %arg8[%swap3A_588, %swap3A_589, %swap3A_590] : memref<16x32x512xf32, #tpu.memory_space<vmem>>, vector<16x1x512xf32>
      %swap3A_592 = vector.shape_cast %swap3A_591 : vector<16x1x512xf32> to vector<16x512xf32>
      %swap3A_593 = vector.shape_cast %select_n3A_587 : vector<16x512xf32> to vector<16x1x512xf32>
      tpu.vector_store %arg8[%swap3A_588, %swap3A_589, %swap3A_590], %swap3A_593 {strides = array<i32>} : memref<16x32x512xf32, #tpu.memory_space<vmem>>, vector<16x1x512xf32>,
      %mul3A_594 = arith.constant 32 : i32
      %mul3A_595 = arith.muli %arg0, %mul3A_594 : i32
      %add3A_596 = arith.constant 9 : i32
      %add3A_597 = arith.addi %mul3A_595, %add3A_596 : i32
      %convert_element_type3A_598 = arith.truncf %select_n3A_582 : vector<16x512xf32> to vector<16x512xbf16>
      %get3A_599 = arith.constant 0 : index
      %get3A_600 = arith.constant 0 : index
      %get3A_601 = vector.load %arg6[%get3A_599, %get3A_600] : memref<512x1536xbf16, #tpu.memory_space<vmem>>, vector<512x1536xbf16>
      %dot_general3A_602 = arith.constant dense<0.000000e+00> : vector<16x1536xf32>
      %dot_general3A_603 = tpu.matmul %convert_element_type3A_598, %get3A_601, %dot_general3A_602 {dimension_numbers = #tpu.dot_dimension_numbers<[1], [0], [0], [1], [0, 0, 1, 1], [], []>, transpose_lhs_hint = false} : vector<16x512xbf16>, vector<512x1536xbf16>, vector<16x1536xf32> -> vector<16x1536xf32>
      %get3A_604 = arith.constant 0 : index
      %get3A_605 = arith.constant 0 : index
      %get3A_606 = vector.load %arg7[%get3A_604, %get3A_605] : memref<1x1536xf32, #tpu.memory_space<vmem>>, vector<1x1536xf32>
      %add3A_607 = vector.broadcast %get3A_606 : vector<1x1536xf32> to vector<16x1536xf32>
      %add3A_608 = arith.addf %dot_general3A_603, %add3A_607 : vector<16x1536xf32>
      %get3A_609 = arith.constant 144 : index
      %get3A_610 = arith.constant 0 : index
      %get3A_611 = vector.load %arg10[%get3A_609, %get3A_610] : memref<512x1536xf32, #tpu.memory_space<vmem>>, vector<16x1536xf32>
      %slice3A_612 = vector.extract_strided_slice %get3A_611 {offsets = [0, 0], sizes = [16, 512], strides = [1, 1]} : vector<16x1536xf32> to vector<16x512xf32>
      %slice3A_613 = vector.extract_strided_slice %add3A_608 {offsets = [0, 0], sizes = [16, 512], strides = [1, 1]} : vector<16x1536xf32> to vector<16x512xf32>
      %add3A_614 = arith.addf %slice3A_612, %slice3A_613 : vector<16x512xf32>
      %logistic3A_615 = arith.negf %add3A_614 : vector<16x512xf32>
      %logistic3A_616 = math.exp %logistic3A_615 : vector<16x512xf32>
      %logistic3A_617 = arith.constant 1.000000e+00 : f32
      %logistic3A_618 = vector.broadcast %logistic3A_617 : f32 to vector<16x512xf32>
      %logistic3A_619 = arith.addf %logistic3A_618, %logistic3A_616 : vector<16x512xf32>
      %logistic3A_620 = arith.divf %logistic3A_618, %logistic3A_619 : vector<16x512xf32>
      %slice3A_621 = vector.extract_strided_slice %get3A_611 {offsets = [0, 512], sizes = [16, 512], strides = [1, 1]} : vector<16x1536xf32> to vector<16x512xf32>
      %slice3A_622 = vector.extract_strided_slice %add3A_608 {offsets = [0, 512], sizes = [16, 512], strides = [1, 1]} : vector<16x1536xf32> to vector<16x512xf32>
      %add3A_623 = arith.addf %slice3A_621, %slice3A_622 : vector<16x512xf32>
      %logistic3A_624 = arith.negf %add3A_623 : vector<16x512xf32>
      %logistic3A_625 = math.exp %logistic3A_624 : vector<16x512xf32>
      %logistic3A_626 = arith.constant 1.000000e+00 : f32
      %logistic3A_627 = vector.broadcast %logistic3A_626 : f32 to vector<16x512xf32>
      %logistic3A_628 = arith.addf %logistic3A_627, %logistic3A_625 : vector<16x512xf32>
      %logistic3A_629 = arith.divf %logistic3A_627, %logistic3A_628 : vector<16x512xf32>
      %slice3A_630 = vector.extract_strided_slice %get3A_611 {offsets = [0, 1024], sizes = [16, 512], strides = [1, 1]} : vector<16x1536xf32> to vector<16x512xf32>
      %slice3A_631 = vector.extract_strided_slice %add3A_608 {offsets = [0, 1024], sizes = [16, 512], strides = [1, 1]} : vector<16x1536xf32> to vector<16x512xf32>
      %mul3A_632 = arith.mulf %logistic3A_620, %slice3A_631 : vector<16x512xf32>
      %add3A_633 = arith.addf %slice3A_630, %mul3A_632 : vector<16x512xf32>
      %tanh3A_634 = math.tanh %add3A_633 : vector<16x512xf32>
      %sub3A_635 = arith.constant 1.000000e+00 : f32
      %sub3A_636 = vector.broadcast %sub3A_635 : f32 to vector<16x512xf32>
      %sub3A_637 = arith.subf %sub3A_636, %logistic3A_629 : vector<16x512xf32>
      %mul3A_638 = arith.mulf %sub3A_637, %tanh3A_634 : vector<16x512xf32>
      %mul3A_639 = arith.mulf %logistic3A_629, %select_n3A_582 : vector<16x512xf32>
      %add3A_640 = arith.addf %mul3A_638, %mul3A_639 : vector<16x512xf32>
      %lt3A_641 = vector.broadcast %add3A_597 : i32 to vector<16x1xi32>
      %lt3A_642 = arith.cmpi slt, %lt3A_641, %get3A_33 : vector<16x1xi32>
      %broadcast_in_dim3A_643 = vector.shape_cast %lt3A_642 : vector<16x1xi1> to vector<16x1xi1>
      %broadcast_in_dim3A_644 = vector.broadcast %broadcast_in_dim3A_643 : vector<16x1xi1> to vector<16x512xi1>
      %select_n3A_645 = arith.select %broadcast_in_dim3A_644, %add3A_640, %select_n3A_582 : vector<16x512xi1>, vector<16x512xf32>
      %jit3A_646 = arith.constant 0.000000e+00 : f32
      %broadcast_in_dim3A_647 = vector.shape_cast %lt3A_642 : vector<16x1xi1> to vector<16x1xi1>
      %broadcast_in_dim3A_648 = vector.broadcast %broadcast_in_dim3A_647 : vector<16x1xi1> to vector<16x512xi1>
      %broadcast_in_dim3A_649 = vector.broadcast %jit3A_646 : f32 to vector<16x512xf32>
      %select_n3A_650 = arith.select %broadcast_in_dim3A_648, %add3A_640, %broadcast_in_dim3A_649 : vector<16x512xi1>, vector<16x512xf32>
      %swap3A_651 = arith.constant 0 : index
      %swap3A_652 = arith.constant 9 : index
      %swap3A_653 = arith.constant 0 : index
      %swap3A_654 = vector.load %arg8[%swap3A_651, %swap3A_652, %swap3A_653] : memref<16x32x512xf32, #tpu.memory_space<vmem>>, vector<16x1x512xf32>
      %swap3A_655 = vector.shape_cast %swap3A_654 : vector<16x1x512xf32> to vector<16x512xf32>
      %swap3A_656 = vector.shape_cast %select_n3A_650 : vector<16x512xf32> to vector<16x1x512xf32>
      tpu.vector_store %arg8[%swap3A_651, %swap3A_652, %swap3A_653], %swap3A_656 {strides = array<i32>} : memref<16x32x512xf32, #tpu.memory_space<vmem>>, vector<16x1x512xf32>,
      %mul3A_657 = arith.constant 32 : i32
      %mul3A_658 = arith.muli %arg0, %mul3A_657 : i32
      %add3A_659 = arith.constant 10 : i32
      %add3A_660 = arith.addi %mul3A_658, %add3A_659 : i32
      %convert_element_type3A_661 = arith.truncf %select_n3A_645 : vector<16x512xf32> to vector<16x512xbf16>
      %get3A_662 = arith.constant 0 : index
      %get3A_663 = arith.constant 0 : index
      %get3A_664 = vector.load %arg6[%get3A_662, %get3A_663] : memref<512x1536xbf16, #tpu.memory_space<vmem>>, vector<512x1536xbf16>
      %dot_general3A_665 = arith.constant dense<0.000000e+00> : vector<16x1536xf32>
      %dot_general3A_666 = tpu.matmul %convert_element_type3A_661, %get3A_664, %dot_general3A_665 {dimension_numbers = #tpu.dot_dimension_numbers<[1], [0], [0], [1], [0, 0, 1, 1], [], []>, transpose_lhs_hint = false} : vector<16x512xbf16>, vector<512x1536xbf16>, vector<16x1536xf32> -> vector<16x1536xf32>
      %get3A_667 = arith.constant 0 : index
      %get3A_668 = arith.constant 0 : index
      %get3A_669 = vector.load %arg7[%get3A_667, %get3A_668] : memref<1x1536xf32, #tpu.memory_space<vmem>>, vector<1x1536xf32>
      %add3A_670 = vector.broadcast %get3A_669 : vector<1x1536xf32> to vector<16x1536xf32>
      %add3A_671 = arith.addf %dot_general3A_666, %add3A_670 : vector<16x1536xf32>
      %get3A_672 = arith.constant 160 : index
      %get3A_673 = arith.constant 0 : index
      %get3A_674 = vector.load %arg10[%get3A_672, %get3A_673] : memref<512x1536xf32, #tpu.memory_space<vmem>>, vector<16x1536xf32>
      %slice3A_675 = vector.extract_strided_slice %get3A_674 {offsets = [0, 0], sizes = [16, 512], strides = [1, 1]} : vector<16x1536xf32> to vector<16x512xf32>
      %slice3A_676 = vector.extract_strided_slice %add3A_671 {offsets = [0, 0], sizes = [16, 512], strides = [1, 1]} : vector<16x1536xf32> to vector<16x512xf32>
      %add3A_677 = arith.addf %slice3A_675, %slice3A_676 : vector<16x512xf32>
      %logistic3A_678 = arith.negf %add3A_677 : vector<16x512xf32>
      %logistic3A_679 = math.exp %logistic3A_678 : vector<16x512xf32>
      %logistic3A_680 = arith.constant 1.000000e+00 : f32
      %logistic3A_681 = vector.broadcast %logistic3A_680 : f32 to vector<16x512xf32>
      %logistic3A_682 = arith.addf %logistic3A_681, %logistic3A_679 : vector<16x512xf32>
      %logistic3A_683 = arith.divf %logistic3A_681, %logistic3A_682 : vector<16x512xf32>
      %slice3A_684 = vector.extract_strided_slice %get3A_674 {offsets = [0, 512], sizes = [16, 512], strides = [1, 1]} : vector<16x1536xf32> to vector<16x512xf32>
      %slice3A_685 = vector.extract_strided_slice %add3A_671 {offsets = [0, 512], sizes = [16, 512], strides = [1, 1]} : vector<16x1536xf32> to vector<16x512xf32>
      %add3A_686 = arith.addf %slice3A_684, %slice3A_685 : vector<16x512xf32>
      %logistic3A_687 = arith.negf %add3A_686 : vector<16x512xf32>
      %logistic3A_688 = math.exp %logistic3A_687 : vector<16x512xf32>
      %logistic3A_689 = arith.constant 1.000000e+00 : f32
      %logistic3A_690 = vector.broadcast %logistic3A_689 : f32 to vector<16x512xf32>
      %logistic3A_691 = arith.addf %logistic3A_690, %logistic3A_688 : vector<16x512xf32>
      %logistic3A_692 = arith.divf %logistic3A_690, %logistic3A_691 : vector<16x512xf32>
      %slice3A_693 = vector.extract_strided_slice %get3A_674 {offsets = [0, 1024], sizes = [16, 512], strides = [1, 1]} : vector<16x1536xf32> to vector<16x512xf32>
      %slice3A_694 = vector.extract_strided_slice %add3A_671 {offsets = [0, 1024], sizes = [16, 512], strides = [1, 1]} : vector<16x1536xf32> to vector<16x512xf32>
      %mul3A_695 = arith.mulf %logistic3A_683, %slice3A_694 : vector<16x512xf32>
      %add3A_696 = arith.addf %slice3A_693, %mul3A_695 : vector<16x512xf32>
      %tanh3A_697 = math.tanh %add3A_696 : vector<16x512xf32>
      %sub3A_698 = arith.constant 1.000000e+00 : f32
      %sub3A_699 = vector.broadcast %sub3A_698 : f32 to vector<16x512xf32>
      %sub3A_700 = arith.subf %sub3A_699, %logistic3A_692 : vector<16x512xf32>
      %mul3A_701 = arith.mulf %sub3A_700, %tanh3A_697 : vector<16x512xf32>
      %mul3A_702 = arith.mulf %logistic3A_692, %select_n3A_645 : vector<16x512xf32>
      %add3A_703 = arith.addf %mul3A_701, %mul3A_702 : vector<16x512xf32>
      %lt3A_704 = vector.broadcast %add3A_660 : i32 to vector<16x1xi32>
      %lt3A_705 = arith.cmpi slt, %lt3A_704, %get3A_33 : vector<16x1xi32>
      %broadcast_in_dim3A_706 = vector.shape_cast %lt3A_705 : vector<16x1xi1> to vector<16x1xi1>
      %broadcast_in_dim3A_707 = vector.broadcast %broadcast_in_dim3A_706 : vector<16x1xi1> to vector<16x512xi1>
      %select_n3A_708 = arith.select %broadcast_in_dim3A_707, %add3A_703, %select_n3A_645 : vector<16x512xi1>, vector<16x512xf32>
      %jit3A_709 = arith.constant 0.000000e+00 : f32
      %broadcast_in_dim3A_710 = vector.shape_cast %lt3A_705 : vector<16x1xi1> to vector<16x1xi1>
      %broadcast_in_dim3A_711 = vector.broadcast %broadcast_in_dim3A_710 : vector<16x1xi1> to vector<16x512xi1>
      %broadcast_in_dim3A_712 = vector.broadcast %jit3A_709 : f32 to vector<16x512xf32>
      %select_n3A_713 = arith.select %broadcast_in_dim3A_711, %add3A_703, %broadcast_in_dim3A_712 : vector<16x512xi1>, vector<16x512xf32>
      %swap3A_714 = arith.constant 0 : index
      %swap3A_715 = arith.constant 10 : index
      %swap3A_716 = arith.constant 0 : index
      %swap3A_717 = vector.load %arg8[%swap3A_714, %swap3A_715, %swap3A_716] : memref<16x32x512xf32, #tpu.memory_space<vmem>>, vector<16x1x512xf32>
      %swap3A_718 = vector.shape_cast %swap3A_717 : vector<16x1x512xf32> to vector<16x512xf32>
      %swap3A_719 = vector.shape_cast %select_n3A_713 : vector<16x512xf32> to vector<16x1x512xf32>
      tpu.vector_store %arg8[%swap3A_714, %swap3A_715, %swap3A_716], %swap3A_719 {strides = array<i32>} : memref<16x32x512xf32, #tpu.memory_space<vmem>>, vector<16x1x512xf32>,
      %mul3A_720 = arith.constant 32 : i32
      %mul3A_721 = arith.muli %arg0, %mul3A_720 : i32
      %add3A_722 = arith.constant 11 : i32
      %add3A_723 = arith.addi %mul3A_721, %add3A_722 : i32
      %convert_element_type3A_724 = arith.truncf %select_n3A_708 : vector<16x512xf32> to vector<16x512xbf16>
      %get3A_725 = arith.constant 0 : index
      %get3A_726 = arith.constant 0 : index
      %get3A_727 = vector.load %arg6[%get3A_725, %get3A_726] : memref<512x1536xbf16, #tpu.memory_space<vmem>>, vector<512x1536xbf16>
      %dot_general3A_728 = arith.constant dense<0.000000e+00> : vector<16x1536xf32>
      %dot_general3A_729 = tpu.matmul %convert_element_type3A_724, %get3A_727, %dot_general3A_728 {dimension_numbers = #tpu.dot_dimension_numbers<[1], [0], [0], [1], [0, 0, 1, 1], [], []>, transpose_lhs_hint = false} : vector<16x512xbf16>, vector<512x1536xbf16>, vector<16x1536xf32> -> vector<16x1536xf32>
      %get3A_730 = arith.constant 0 : index
      %get3A_731 = arith.constant 0 : index
      %get3A_732 = vector.load %arg7[%get3A_730, %get3A_731] : memref<1x1536xf32, #tpu.memory_space<vmem>>, vector<1x1536xf32>
      %add3A_733 = vector.broadcast %get3A_732 : vector<1x1536xf32> to vector<16x1536xf32>
      %add3A_734 = arith.addf %dot_general3A_729, %add3A_733 : vector<16x1536xf32>
      %get3A_735 = arith.constant 176 : index
      %get3A_736 = arith.constant 0 : index
      %get3A_737 = vector.load %arg10[%get3A_735, %get3A_736] : memref<512x1536xf32, #tpu.memory_space<vmem>>, vector<16x1536xf32>
      %slice3A_738 = vector.extract_strided_slice %get3A_737 {offsets = [0, 0], sizes = [16, 512], strides = [1, 1]} : vector<16x1536xf32> to vector<16x512xf32>
      %slice3A_739 = vector.extract_strided_slice %add3A_734 {offsets = [0, 0], sizes = [16, 512], strides = [1, 1]} : vector<16x1536xf32> to vector<16x512xf32>
      %add3A_740 = arith.addf %slice3A_738, %slice3A_739 : vector<16x512xf32>
      %logistic3A_741 = arith.negf %add3A_740 : vector<16x512xf32>
      %logistic3A_742 = math.exp %logistic3A_741 : vector<16x512xf32>
      %logistic3A_743 = arith.constant 1.000000e+00 : f32
      %logistic3A_744 = vector.broadcast %logistic3A_743 : f32 to vector<16x512xf32>
      %logistic3A_745 = arith.addf %logistic3A_744, %logistic3A_742 : vector<16x512xf32>
      %logistic3A_746 = arith.divf %logistic3A_744, %logistic3A_745 : vector<16x512xf32>
      %slice3A_747 = vector.extract_strided_slice %get3A_737 {offsets = [0, 512], sizes = [16, 512], strides = [1, 1]} : vector<16x1536xf32> to vector<16x512xf32>
      %slice3A_748 = vector.extract_strided_slice %add3A_734 {offsets = [0, 512], sizes = [16, 512], strides = [1, 1]} : vector<16x1536xf32> to vector<16x512xf32>
      %add3A_749 = arith.addf %slice3A_747, %slice3A_748 : vector<16x512xf32>
      %logistic3A_750 = arith.negf %add3A_749 : vector<16x512xf32>
      %logistic3A_751 = math.exp %logistic3A_750 : vector<16x512xf32>
      %logistic3A_752 = arith.constant 1.000000e+00 : f32
      %logistic3A_753 = vector.broadcast %logistic3A_752 : f32 to vector<16x512xf32>
      %logistic3A_754 = arith.addf %logistic3A_753, %logistic3A_751 : vector<16x512xf32>
      %logistic3A_755 = arith.divf %logistic3A_753, %logistic3A_754 : vector<16x512xf32>
      %slice3A_756 = vector.extract_strided_slice %get3A_737 {offsets = [0, 1024], sizes = [16, 512], strides = [1, 1]} : vector<16x1536xf32> to vector<16x512xf32>
      %slice3A_757 = vector.extract_strided_slice %add3A_734 {offsets = [0, 1024], sizes = [16, 512], strides = [1, 1]} : vector<16x1536xf32> to vector<16x512xf32>
      %mul3A_758 = arith.mulf %logistic3A_746, %slice3A_757 : vector<16x512xf32>
      %add3A_759 = arith.addf %slice3A_756, %mul3A_758 : vector<16x512xf32>
      %tanh3A_760 = math.tanh %add3A_759 : vector<16x512xf32>
      %sub3A_761 = arith.constant 1.000000e+00 : f32
      %sub3A_762 = vector.broadcast %sub3A_761 : f32 to vector<16x512xf32>
      %sub3A_763 = arith.subf %sub3A_762, %logistic3A_755 : vector<16x512xf32>
      %mul3A_764 = arith.mulf %sub3A_763, %tanh3A_760 : vector<16x512xf32>
      %mul3A_765 = arith.mulf %logistic3A_755, %select_n3A_708 : vector<16x512xf32>
      %add3A_766 = arith.addf %mul3A_764, %mul3A_765 : vector<16x512xf32>
      %lt3A_767 = vector.broadcast %add3A_723 : i32 to vector<16x1xi32>
      %lt3A_768 = arith.cmpi slt, %lt3A_767, %get3A_33 : vector<16x1xi32>
      %broadcast_in_dim3A_769 = vector.shape_cast %lt3A_768 : vector<16x1xi1> to vector<16x1xi1>
      %broadcast_in_dim3A_770 = vector.broadcast %broadcast_in_dim3A_769 : vector<16x1xi1> to vector<16x512xi1>
      %select_n3A_771 = arith.select %broadcast_in_dim3A_770, %add3A_766, %select_n3A_708 : vector<16x512xi1>, vector<16x512xf32>
      %jit3A_772 = arith.constant 0.000000e+00 : f32
      %broadcast_in_dim3A_773 = vector.shape_cast %lt3A_768 : vector<16x1xi1> to vector<16x1xi1>
      %broadcast_in_dim3A_774 = vector.broadcast %broadcast_in_dim3A_773 : vector<16x1xi1> to vector<16x512xi1>
      %broadcast_in_dim3A_775 = vector.broadcast %jit3A_772 : f32 to vector<16x512xf32>
      %select_n3A_776 = arith.select %broadcast_in_dim3A_774, %add3A_766, %broadcast_in_dim3A_775 : vector<16x512xi1>, vector<16x512xf32>
      %swap3A_777 = arith.constant 0 : index
      %swap3A_778 = arith.constant 11 : index
      %swap3A_779 = arith.constant 0 : index
      %swap3A_780 = vector.load %arg8[%swap3A_777, %swap3A_778, %swap3A_779] : memref<16x32x512xf32, #tpu.memory_space<vmem>>, vector<16x1x512xf32>
      %swap3A_781 = vector.shape_cast %swap3A_780 : vector<16x1x512xf32> to vector<16x512xf32>
      %swap3A_782 = vector.shape_cast %select_n3A_776 : vector<16x512xf32> to vector<16x1x512xf32>
      tpu.vector_store %arg8[%swap3A_777, %swap3A_778, %swap3A_779], %swap3A_782 {strides = array<i32>} : memref<16x32x512xf32, #tpu.memory_space<vmem>>, vector<16x1x512xf32>,
      %mul3A_783 = arith.constant 32 : i32
      %mul3A_784 = arith.muli %arg0, %mul3A_783 : i32
      %add3A_785 = arith.constant 12 : i32
      %add3A_786 = arith.addi %mul3A_784, %add3A_785 : i32
      %convert_element_type3A_787 = arith.truncf %select_n3A_771 : vector<16x512xf32> to vector<16x512xbf16>
      %get3A_788 = arith.constant 0 : index
      %get3A_789 = arith.constant 0 : index
      %get3A_790 = vector.load %arg6[%get3A_788, %get3A_789] : memref<512x1536xbf16, #tpu.memory_space<vmem>>, vector<512x1536xbf16>
      %dot_general3A_791 = arith.constant dense<0.000000e+00> : vector<16x1536xf32>
      %dot_general3A_792 = tpu.matmul %convert_element_type3A_787, %get3A_790, %dot_general3A_791 {dimension_numbers = #tpu.dot_dimension_numbers<[1], [0], [0], [1], [0, 0, 1, 1], [], []>, transpose_lhs_hint = false} : vector<16x512xbf16>, vector<512x1536xbf16>, vector<16x1536xf32> -> vector<16x1536xf32>
      %get3A_793 = arith.constant 0 : index
      %get3A_794 = arith.constant 0 : index
      %get3A_795 = vector.load %arg7[%get3A_793, %get3A_794] : memref<1x1536xf32, #tpu.memory_space<vmem>>, vector<1x1536xf32>
      %add3A_796 = vector.broadcast %get3A_795 : vector<1x1536xf32> to vector<16x1536xf32>
      %add3A_797 = arith.addf %dot_general3A_792, %add3A_796 : vector<16x1536xf32>
      %get3A_798 = arith.constant 192 : index
      %get3A_799 = arith.constant 0 : index
      %get3A_800 = vector.load %arg10[%get3A_798, %get3A_799] : memref<512x1536xf32, #tpu.memory_space<vmem>>, vector<16x1536xf32>
      %slice3A_801 = vector.extract_strided_slice %get3A_800 {offsets = [0, 0], sizes = [16, 512], strides = [1, 1]} : vector<16x1536xf32> to vector<16x512xf32>
      %slice3A_802 = vector.extract_strided_slice %add3A_797 {offsets = [0, 0], sizes = [16, 512], strides = [1, 1]} : vector<16x1536xf32> to vector<16x512xf32>
      %add3A_803 = arith.addf %slice3A_801, %slice3A_802 : vector<16x512xf32>
      %logistic3A_804 = arith.negf %add3A_803 : vector<16x512xf32>
      %logistic3A_805 = math.exp %logistic3A_804 : vector<16x512xf32>
      %logistic3A_806 = arith.constant 1.000000e+00 : f32
      %logistic3A_807 = vector.broadcast %logistic3A_806 : f32 to vector<16x512xf32>
      %logistic3A_808 = arith.addf %logistic3A_807, %logistic3A_805 : vector<16x512xf32>
      %logistic3A_809 = arith.divf %logistic3A_807, %logistic3A_808 : vector<16x512xf32>
      %slice3A_810 = vector.extract_strided_slice %get3A_800 {offsets = [0, 512], sizes = [16, 512], strides = [1, 1]} : vector<16x1536xf32> to vector<16x512xf32>
      %slice3A_811 = vector.extract_strided_slice %add3A_797 {offsets = [0, 512], sizes = [16, 512], strides = [1, 1]} : vector<16x1536xf32> to vector<16x512xf32>
      %add3A_812 = arith.addf %slice3A_810, %slice3A_811 : vector<16x512xf32>
      %logistic3A_813 = arith.negf %add3A_812 : vector<16x512xf32>
      %logistic3A_814 = math.exp %logistic3A_813 : vector<16x512xf32>
      %logistic3A_815 = arith.constant 1.000000e+00 : f32
      %logistic3A_816 = vector.broadcast %logistic3A_815 : f32 to vector<16x512xf32>
      %logistic3A_817 = arith.addf %logistic3A_816, %logistic3A_814 : vector<16x512xf32>
      %logistic3A_818 = arith.divf %logistic3A_816, %logistic3A_817 : vector<16x512xf32>
      %slice3A_819 = vector.extract_strided_slice %get3A_800 {offsets = [0, 1024], sizes = [16, 512], strides = [1, 1]} : vector<16x1536xf32> to vector<16x512xf32>
      %slice3A_820 = vector.extract_strided_slice %add3A_797 {offsets = [0, 1024], sizes = [16, 512], strides = [1, 1]} : vector<16x1536xf32> to vector<16x512xf32>
      %mul3A_821 = arith.mulf %logistic3A_809, %slice3A_820 : vector<16x512xf32>
      %add3A_822 = arith.addf %slice3A_819, %mul3A_821 : vector<16x512xf32>
      %tanh3A_823 = math.tanh %add3A_822 : vector<16x512xf32>
      %sub3A_824 = arith.constant 1.000000e+00 : f32
      %sub3A_825 = vector.broadcast %sub3A_824 : f32 to vector<16x512xf32>
      %sub3A_826 = arith.subf %sub3A_825, %logistic3A_818 : vector<16x512xf32>
      %mul3A_827 = arith.mulf %sub3A_826, %tanh3A_823 : vector<16x512xf32>
      %mul3A_828 = arith.mulf %logistic3A_818, %select_n3A_771 : vector<16x512xf32>
      %add3A_829 = arith.addf %mul3A_827, %mul3A_828 : vector<16x512xf32>
      %lt3A_830 = vector.broadcast %add3A_786 : i32 to vector<16x1xi32>
      %lt3A_831 = arith.cmpi slt, %lt3A_830, %get3A_33 : vector<16x1xi32>
      %broadcast_in_dim3A_832 = vector.shape_cast %lt3A_831 : vector<16x1xi1> to vector<16x1xi1>
      %broadcast_in_dim3A_833 = vector.broadcast %broadcast_in_dim3A_832 : vector<16x1xi1> to vector<16x512xi1>
      %select_n3A_834 = arith.select %broadcast_in_dim3A_833, %add3A_829, %select_n3A_771 : vector<16x512xi1>, vector<16x512xf32>
      %jit3A_835 = arith.constant 0.000000e+00 : f32
      %broadcast_in_dim3A_836 = vector.shape_cast %lt3A_831 : vector<16x1xi1> to vector<16x1xi1>
      %broadcast_in_dim3A_837 = vector.broadcast %broadcast_in_dim3A_836 : vector<16x1xi1> to vector<16x512xi1>
      %broadcast_in_dim3A_838 = vector.broadcast %jit3A_835 : f32 to vector<16x512xf32>
      %select_n3A_839 = arith.select %broadcast_in_dim3A_837, %add3A_829, %broadcast_in_dim3A_838 : vector<16x512xi1>, vector<16x512xf32>
      %swap3A_840 = arith.constant 0 : index
      %swap3A_841 = arith.constant 12 : index
      %swap3A_842 = arith.constant 0 : index
      %swap3A_843 = vector.load %arg8[%swap3A_840, %swap3A_841, %swap3A_842] : memref<16x32x512xf32, #tpu.memory_space<vmem>>, vector<16x1x512xf32>
      %swap3A_844 = vector.shape_cast %swap3A_843 : vector<16x1x512xf32> to vector<16x512xf32>
      %swap3A_845 = vector.shape_cast %select_n3A_839 : vector<16x512xf32> to vector<16x1x512xf32>
      tpu.vector_store %arg8[%swap3A_840, %swap3A_841, %swap3A_842], %swap3A_845 {strides = array<i32>} : memref<16x32x512xf32, #tpu.memory_space<vmem>>, vector<16x1x512xf32>,
      %mul3A_846 = arith.constant 32 : i32
      %mul3A_847 = arith.muli %arg0, %mul3A_846 : i32
      %add3A_848 = arith.constant 13 : i32
      %add3A_849 = arith.addi %mul3A_847, %add3A_848 : i32
      %convert_element_type3A_850 = arith.truncf %select_n3A_834 : vector<16x512xf32> to vector<16x512xbf16>
      %get3A_851 = arith.constant 0 : index
      %get3A_852 = arith.constant 0 : index
      %get3A_853 = vector.load %arg6[%get3A_851, %get3A_852] : memref<512x1536xbf16, #tpu.memory_space<vmem>>, vector<512x1536xbf16>
      %dot_general3A_854 = arith.constant dense<0.000000e+00> : vector<16x1536xf32>
      %dot_general3A_855 = tpu.matmul %convert_element_type3A_850, %get3A_853, %dot_general3A_854 {dimension_numbers = #tpu.dot_dimension_numbers<[1], [0], [0], [1], [0, 0, 1, 1], [], []>, transpose_lhs_hint = false} : vector<16x512xbf16>, vector<512x1536xbf16>, vector<16x1536xf32> -> vector<16x1536xf32>
      %get3A_856 = arith.constant 0 : index
      %get3A_857 = arith.constant 0 : index
      %get3A_858 = vector.load %arg7[%get3A_856, %get3A_857] : memref<1x1536xf32, #tpu.memory_space<vmem>>, vector<1x1536xf32>
      %add3A_859 = vector.broadcast %get3A_858 : vector<1x1536xf32> to vector<16x1536xf32>
      %add3A_860 = arith.addf %dot_general3A_855, %add3A_859 : vector<16x1536xf32>
      %get3A_861 = arith.constant 208 : index
      %get3A_862 = arith.constant 0 : index
      %get3A_863 = vector.load %arg10[%get3A_861, %get3A_862] : memref<512x1536xf32, #tpu.memory_space<vmem>>, vector<16x1536xf32>
      %slice3A_864 = vector.extract_strided_slice %get3A_863 {offsets = [0, 0], sizes = [16, 512], strides = [1, 1]} : vector<16x1536xf32> to vector<16x512xf32>
      %slice3A_865 = vector.extract_strided_slice %add3A_860 {offsets = [0, 0], sizes = [16, 512], strides = [1, 1]} : vector<16x1536xf32> to vector<16x512xf32>
      %add3A_866 = arith.addf %slice3A_864, %slice3A_865 : vector<16x512xf32>
      %logistic3A_867 = arith.negf %add3A_866 : vector<16x512xf32>
      %logistic3A_868 = math.exp %logistic3A_867 : vector<16x512xf32>
      %logistic3A_869 = arith.constant 1.000000e+00 : f32
      %logistic3A_870 = vector.broadcast %logistic3A_869 : f32 to vector<16x512xf32>
      %logistic3A_871 = arith.addf %logistic3A_870, %logistic3A_868 : vector<16x512xf32>
      %logistic3A_872 = arith.divf %logistic3A_870, %logistic3A_871 : vector<16x512xf32>
      %slice3A_873 = vector.extract_strided_slice %get3A_863 {offsets = [0, 512], sizes = [16, 512], strides = [1, 1]} : vector<16x1536xf32> to vector<16x512xf32>
      %slice3A_874 = vector.extract_strided_slice %add3A_860 {offsets = [0, 512], sizes = [16, 512], strides = [1, 1]} : vector<16x1536xf32> to vector<16x512xf32>
      %add3A_875 = arith.addf %slice3A_873, %slice3A_874 : vector<16x512xf32>
      %logistic3A_876 = arith.negf %add3A_875 : vector<16x512xf32>
      %logistic3A_877 = math.exp %logistic3A_876 : vector<16x512xf32>
      %logistic3A_878 = arith.constant 1.000000e+00 : f32
      %logistic3A_879 = vector.broadcast %logistic3A_878 : f32 to vector<16x512xf32>
      %logistic3A_880 = arith.addf %logistic3A_879, %logistic3A_877 : vector<16x512xf32>
      %logistic3A_881 = arith.divf %logistic3A_879, %logistic3A_880 : vector<16x512xf32>
      %slice3A_882 = vector.extract_strided_slice %get3A_863 {offsets = [0, 1024], sizes = [16, 512], strides = [1, 1]} : vector<16x1536xf32> to vector<16x512xf32>
      %slice3A_883 = vector.extract_strided_slice %add3A_860 {offsets = [0, 1024], sizes = [16, 512], strides = [1, 1]} : vector<16x1536xf32> to vector<16x512xf32>
      %mul3A_884 = arith.mulf %logistic3A_872, %slice3A_883 : vector<16x512xf32>
      %add3A_885 = arith.addf %slice3A_882, %mul3A_884 : vector<16x512xf32>
      %tanh3A_886 = math.tanh %add3A_885 : vector<16x512xf32>
      %sub3A_887 = arith.constant 1.000000e+00 : f32
      %sub3A_888 = vector.broadcast %sub3A_887 : f32 to vector<16x512xf32>
      %sub3A_889 = arith.subf %sub3A_888, %logistic3A_881 : vector<16x512xf32>
      %mul3A_890 = arith.mulf %sub3A_889, %tanh3A_886 : vector<16x512xf32>
      %mul3A_891 = arith.mulf %logistic3A_881, %select_n3A_834 : vector<16x512xf32>
      %add3A_892 = arith.addf %mul3A_890, %mul3A_891 : vector<16x512xf32>
      %lt3A_893 = vector.broadcast %add3A_849 : i32 to vector<16x1xi32>
      %lt3A_894 = arith.cmpi slt, %lt3A_893, %get3A_33 : vector<16x1xi32>
      %broadcast_in_dim3A_895 = vector.shape_cast %lt3A_894 : vector<16x1xi1> to vector<16x1xi1>
      %broadcast_in_dim3A_896 = vector.broadcast %broadcast_in_dim3A_895 : vector<16x1xi1> to vector<16x512xi1>
      %select_n3A_897 = arith.select %broadcast_in_dim3A_896, %add3A_892, %select_n3A_834 : vector<16x512xi1>, vector<16x512xf32>
      %jit3A_898 = arith.constant 0.000000e+00 : f32
      %broadcast_in_dim3A_899 = vector.shape_cast %lt3A_894 : vector<16x1xi1> to vector<16x1xi1>
      %broadcast_in_dim3A_900 = vector.broadcast %broadcast_in_dim3A_899 : vector<16x1xi1> to vector<16x512xi1>
      %broadcast_in_dim3A_901 = vector.broadcast %jit3A_898 : f32 to vector<16x512xf32>
      %select_n3A_902 = arith.select %broadcast_in_dim3A_900, %add3A_892, %broadcast_in_dim3A_901 : vector<16x512xi1>, vector<16x512xf32>
      %swap3A_903 = arith.constant 0 : index
      %swap3A_904 = arith.constant 13 : index
      %swap3A_905 = arith.constant 0 : index
      %swap3A_906 = vector.load %arg8[%swap3A_903, %swap3A_904, %swap3A_905] : memref<16x32x512xf32, #tpu.memory_space<vmem>>, vector<16x1x512xf32>
      %swap3A_907 = vector.shape_cast %swap3A_906 : vector<16x1x512xf32> to vector<16x512xf32>
      %swap3A_908 = vector.shape_cast %select_n3A_902 : vector<16x512xf32> to vector<16x1x512xf32>
      tpu.vector_store %arg8[%swap3A_903, %swap3A_904, %swap3A_905], %swap3A_908 {strides = array<i32>} : memref<16x32x512xf32, #tpu.memory_space<vmem>>, vector<16x1x512xf32>,
      %mul3A_909 = arith.constant 32 : i32
      %mul3A_910 = arith.muli %arg0, %mul3A_909 : i32
      %add3A_911 = arith.constant 14 : i32
      %add3A_912 = arith.addi %mul3A_910, %add3A_911 : i32
      %convert_element_type3A_913 = arith.truncf %select_n3A_897 : vector<16x512xf32> to vector<16x512xbf16>
      %get3A_914 = arith.constant 0 : index
      %get3A_915 = arith.constant 0 : index
      %get3A_916 = vector.load %arg6[%get3A_914, %get3A_915] : memref<512x1536xbf16, #tpu.memory_space<vmem>>, vector<512x1536xbf16>
      %dot_general3A_917 = arith.constant dense<0.000000e+00> : vector<16x1536xf32>
      %dot_general3A_918 = tpu.matmul %convert_element_type3A_913, %get3A_916, %dot_general3A_917 {dimension_numbers = #tpu.dot_dimension_numbers<[1], [0], [0], [1], [0, 0, 1, 1], [], []>, transpose_lhs_hint = false} : vector<16x512xbf16>, vector<512x1536xbf16>, vector<16x1536xf32> -> vector<16x1536xf32>
      %get3A_919 = arith.constant 0 : index
      %get3A_920 = arith.constant 0 : index
      %get3A_921 = vector.load %arg7[%get3A_919, %get3A_920] : memref<1x1536xf32, #tpu.memory_space<vmem>>, vector<1x1536xf32>
      %add3A_922 = vector.broadcast %get3A_921 : vector<1x1536xf32> to vector<16x1536xf32>
      %add3A_923 = arith.addf %dot_general3A_918, %add3A_922 : vector<16x1536xf32>
      %get3A_924 = arith.constant 224 : index
      %get3A_925 = arith.constant 0 : index
      %get3A_926 = vector.load %arg10[%get3A_924, %get3A_925] : memref<512x1536xf32, #tpu.memory_space<vmem>>, vector<16x1536xf32>
      %slice3A_927 = vector.extract_strided_slice %get3A_926 {offsets = [0, 0], sizes = [16, 512], strides = [1, 1]} : vector<16x1536xf32> to vector<16x512xf32>
      %slice3A_928 = vector.extract_strided_slice %add3A_923 {offsets = [0, 0], sizes = [16, 512], strides = [1, 1]} : vector<16x1536xf32> to vector<16x512xf32>
      %add3A_929 = arith.addf %slice3A_927, %slice3A_928 : vector<16x512xf32>
      %logistic3A_930 = arith.negf %add3A_929 : vector<16x512xf32>
      %logistic3A_931 = math.exp %logistic3A_930 : vector<16x512xf32>
      %logistic3A_932 = arith.constant 1.000000e+00 : f32
      %logistic3A_933 = vector.broadcast %logistic3A_932 : f32 to vector<16x512xf32>
      %logistic3A_934 = arith.addf %logistic3A_933, %logistic3A_931 : vector<16x512xf32>
      %logistic3A_935 = arith.divf %logistic3A_933, %logistic3A_934 : vector<16x512xf32>
      %slice3A_936 = vector.extract_strided_slice %get3A_926 {offsets = [0, 512], sizes = [16, 512], strides = [1, 1]} : vector<16x1536xf32> to vector<16x512xf32>
      %slice3A_937 = vector.extract_strided_slice %add3A_923 {offsets = [0, 512], sizes = [16, 512], strides = [1, 1]} : vector<16x1536xf32> to vector<16x512xf32>
      %add3A_938 = arith.addf %slice3A_936, %slice3A_937 : vector<16x512xf32>
      %logistic3A_939 = arith.negf %add3A_938 : vector<16x512xf32>
      %logistic3A_940 = math.exp %logistic3A_939 : vector<16x512xf32>
      %logistic3A_941 = arith.constant 1.000000e+00 : f32
      %logistic3A_942 = vector.broadcast %logistic3A_941 : f32 to vector<16x512xf32>
      %logistic3A_943 = arith.addf %logistic3A_942, %logistic3A_940 : vector<16x512xf32>
      %logistic3A_944 = arith.divf %logistic3A_942, %logistic3A_943 : vector<16x512xf32>
      %slice3A_945 = vector.extract_strided_slice %get3A_926 {offsets = [0, 1024], sizes = [16, 512], strides = [1, 1]} : vector<16x1536xf32> to vector<16x512xf32>
      %slice3A_946 = vector.extract_strided_slice %add3A_923 {offsets = [0, 1024], sizes = [16, 512], strides = [1, 1]} : vector<16x1536xf32> to vector<16x512xf32>
      %mul3A_947 = arith.mulf %logistic3A_935, %slice3A_946 : vector<16x512xf32>
      %add3A_948 = arith.addf %slice3A_945, %mul3A_947 : vector<16x512xf32>
      %tanh3A_949 = math.tanh %add3A_948 : vector<16x512xf32>
      %sub3A_950 = arith.constant 1.000000e+00 : f32
      %sub3A_951 = vector.broadcast %sub3A_950 : f32 to vector<16x512xf32>
      %sub3A_952 = arith.subf %sub3A_951, %logistic3A_944 : vector<16x512xf32>
      %mul3A_953 = arith.mulf %sub3A_952, %tanh3A_949 : vector<16x512xf32>
      %mul3A_954 = arith.mulf %logistic3A_944, %select_n3A_897 : vector<16x512xf32>
      %add3A_955 = arith.addf %mul3A_953, %mul3A_954 : vector<16x512xf32>
      %lt3A_956 = vector.broadcast %add3A_912 : i32 to vector<16x1xi32>
      %lt3A_957 = arith.cmpi slt, %lt3A_956, %get3A_33 : vector<16x1xi32>
      %broadcast_in_dim3A_958 = vector.shape_cast %lt3A_957 : vector<16x1xi1> to vector<16x1xi1>
      %broadcast_in_dim3A_959 = vector.broadcast %broadcast_in_dim3A_958 : vector<16x1xi1> to vector<16x512xi1>
      %select_n3A_960 = arith.select %broadcast_in_dim3A_959, %add3A_955, %select_n3A_897 : vector<16x512xi1>, vector<16x512xf32>
      %jit3A_961 = arith.constant 0.000000e+00 : f32
      %broadcast_in_dim3A_962 = vector.shape_cast %lt3A_957 : vector<16x1xi1> to vector<16x1xi1>
      %broadcast_in_dim3A_963 = vector.broadcast %broadcast_in_dim3A_962 : vector<16x1xi1> to vector<16x512xi1>
      %broadcast_in_dim3A_964 = vector.broadcast %jit3A_961 : f32 to vector<16x512xf32>
      %select_n3A_965 = arith.select %broadcast_in_dim3A_963, %add3A_955, %broadcast_in_dim3A_964 : vector<16x512xi1>, vector<16x512xf32>
      %swap3A_966 = arith.constant 0 : index
      %swap3A_967 = arith.constant 14 : index
      %swap3A_968 = arith.constant 0 : index
      %swap3A_969 = vector.load %arg8[%swap3A_966, %swap3A_967, %swap3A_968] : memref<16x32x512xf32, #tpu.memory_space<vmem>>, vector<16x1x512xf32>
      %swap3A_970 = vector.shape_cast %swap3A_969 : vector<16x1x512xf32> to vector<16x512xf32>
      %swap3A_971 = vector.shape_cast %select_n3A_965 : vector<16x512xf32> to vector<16x1x512xf32>
      tpu.vector_store %arg8[%swap3A_966, %swap3A_967, %swap3A_968], %swap3A_971 {strides = array<i32>} : memref<16x32x512xf32, #tpu.memory_space<vmem>>, vector<16x1x512xf32>,
      %mul3A_972 = arith.constant 32 : i32
      %mul3A_973 = arith.muli %arg0, %mul3A_972 : i32
      %add3A_974 = arith.constant 15 : i32
      %add3A_975 = arith.addi %mul3A_973, %add3A_974 : i32
      %convert_element_type3A_976 = arith.truncf %select_n3A_960 : vector<16x512xf32> to vector<16x512xbf16>
      %get3A_977 = arith.constant 0 : index
      %get3A_978 = arith.constant 0 : index
      %get3A_979 = vector.load %arg6[%get3A_977, %get3A_978] : memref<512x1536xbf16, #tpu.memory_space<vmem>>, vector<512x1536xbf16>
      %dot_general3A_980 = arith.constant dense<0.000000e+00> : vector<16x1536xf32>
      %dot_general3A_981 = tpu.matmul %convert_element_type3A_976, %get3A_979, %dot_general3A_980 {dimension_numbers = #tpu.dot_dimension_numbers<[1], [0], [0], [1], [0, 0, 1, 1], [], []>, transpose_lhs_hint = false} : vector<16x512xbf16>, vector<512x1536xbf16>, vector<16x1536xf32> -> vector<16x1536xf32>
      %get3A_982 = arith.constant 0 : index
      %get3A_983 = arith.constant 0 : index
      %get3A_984 = vector.load %arg7[%get3A_982, %get3A_983] : memref<1x1536xf32, #tpu.memory_space<vmem>>, vector<1x1536xf32>
      %add3A_985 = vector.broadcast %get3A_984 : vector<1x1536xf32> to vector<16x1536xf32>
      %add3A_986 = arith.addf %dot_general3A_981, %add3A_985 : vector<16x1536xf32>
      %get3A_987 = arith.constant 240 : index
      %get3A_988 = arith.constant 0 : index
      %get3A_989 = vector.load %arg10[%get3A_987, %get3A_988] : memref<512x1536xf32, #tpu.memory_space<vmem>>, vector<16x1536xf32>
      %slice3A_990 = vector.extract_strided_slice %get3A_989 {offsets = [0, 0], sizes = [16, 512], strides = [1, 1]} : vector<16x1536xf32> to vector<16x512xf32>
      %slice3A_991 = vector.extract_strided_slice %add3A_986 {offsets = [0, 0], sizes = [16, 512], strides = [1, 1]} : vector<16x1536xf32> to vector<16x512xf32>
      %add3A_992 = arith.addf %slice3A_990, %slice3A_991 : vector<16x512xf32>
      %logistic3A_993 = arith.negf %add3A_992 : vector<16x512xf32>
      %logistic3A_994 = math.exp %logistic3A_993 : vector<16x512xf32>
      %logistic3A_995 = arith.constant 1.000000e+00 : f32
      %logistic3A_996 = vector.broadcast %logistic3A_995 : f32 to vector<16x512xf32>
      %logistic3A_997 = arith.addf %logistic3A_996, %logistic3A_994 : vector<16x512xf32>
      %logistic3A_998 = arith.divf %logistic3A_996, %logistic3A_997 : vector<16x512xf32>
      %slice3A_999 = vector.extract_strided_slice %get3A_989 {offsets = [0, 512], sizes = [16, 512], strides = [1, 1]} : vector<16x1536xf32> to vector<16x512xf32>
      %slice3A_1000 = vector.extract_strided_slice %add3A_986 {offsets = [0, 512], sizes = [16, 512], strides = [1, 1]} : vector<16x1536xf32> to vector<16x512xf32>
      %add3A_1001 = arith.addf %slice3A_999, %slice3A_1000 : vector<16x512xf32>
      %logistic3A_1002 = arith.negf %add3A_1001 : vector<16x512xf32>
      %logistic3A_1003 = math.exp %logistic3A_1002 : vector<16x512xf32>
      %logistic3A_1004 = arith.constant 1.000000e+00 : f32
      %logistic3A_1005 = vector.broadcast %logistic3A_1004 : f32 to vector<16x512xf32>
      %logistic3A_1006 = arith.addf %logistic3A_1005, %logistic3A_1003 : vector<16x512xf32>
      %logistic3A_1007 = arith.divf %logistic3A_1005, %logistic3A_1006 : vector<16x512xf32>
      %slice3A_1008 = vector.extract_strided_slice %get3A_989 {offsets = [0, 1024], sizes = [16, 512], strides = [1, 1]} : vector<16x1536xf32> to vector<16x512xf32>
      %slice3A_1009 = vector.extract_strided_slice %add3A_986 {offsets = [0, 1024], sizes = [16, 512], strides = [1, 1]} : vector<16x1536xf32> to vector<16x512xf32>
      %mul3A_1010 = arith.mulf %logistic3A_998, %slice3A_1009 : vector<16x512xf32>
      %add3A_1011 = arith.addf %slice3A_1008, %mul3A_1010 : vector<16x512xf32>
      %tanh3A_1012 = math.tanh %add3A_1011 : vector<16x512xf32>
      %sub3A_1013 = arith.constant 1.000000e+00 : f32
      %sub3A_1014 = vector.broadcast %sub3A_1013 : f32 to vector<16x512xf32>
      %sub3A_1015 = arith.subf %sub3A_1014, %logistic3A_1007 : vector<16x512xf32>
      %mul3A_1016 = arith.mulf %sub3A_1015, %tanh3A_1012 : vector<16x512xf32>
      %mul3A_1017 = arith.mulf %logistic3A_1007, %select_n3A_960 : vector<16x512xf32>
      %add3A_1018 = arith.addf %mul3A_1016, %mul3A_1017 : vector<16x512xf32>
      %lt3A_1019 = vector.broadcast %add3A_975 : i32 to vector<16x1xi32>
      %lt3A_1020 = arith.cmpi slt, %lt3A_1019, %get3A_33 : vector<16x1xi32>
      %broadcast_in_dim3A_1021 = vector.shape_cast %lt3A_1020 : vector<16x1xi1> to vector<16x1xi1>
      %broadcast_in_dim3A_1022 = vector.broadcast %broadcast_in_dim3A_1021 : vector<16x1xi1> to vector<16x512xi1>
      %select_n3A_1023 = arith.select %broadcast_in_dim3A_1022, %add3A_1018, %select_n3A_960 : vector<16x512xi1>, vector<16x512xf32>
      %jit3A_1024 = arith.constant 0.000000e+00 : f32
      %broadcast_in_dim3A_1025 = vector.shape_cast %lt3A_1020 : vector<16x1xi1> to vector<16x1xi1>
      %broadcast_in_dim3A_1026 = vector.broadcast %broadcast_in_dim3A_1025 : vector<16x1xi1> to vector<16x512xi1>
      %broadcast_in_dim3A_1027 = vector.broadcast %jit3A_1024 : f32 to vector<16x512xf32>
      %select_n3A_1028 = arith.select %broadcast_in_dim3A_1026, %add3A_1018, %broadcast_in_dim3A_1027 : vector<16x512xi1>, vector<16x512xf32>
      %swap3A_1029 = arith.constant 0 : index
      %swap3A_1030 = arith.constant 15 : index
      %swap3A_1031 = arith.constant 0 : index
      %swap3A_1032 = vector.load %arg8[%swap3A_1029, %swap3A_1030, %swap3A_1031] : memref<16x32x512xf32, #tpu.memory_space<vmem>>, vector<16x1x512xf32>
      %swap3A_1033 = vector.shape_cast %swap3A_1032 : vector<16x1x512xf32> to vector<16x512xf32>
      %swap3A_1034 = vector.shape_cast %select_n3A_1028 : vector<16x512xf32> to vector<16x1x512xf32>
      tpu.vector_store %arg8[%swap3A_1029, %swap3A_1030, %swap3A_1031], %swap3A_1034 {strides = array<i32>} : memref<16x32x512xf32, #tpu.memory_space<vmem>>, vector<16x1x512xf32>,
      %mul3A_1035 = arith.constant 32 : i32
      %mul3A_1036 = arith.muli %arg0, %mul3A_1035 : i32
      %add3A_1037 = arith.constant 16 : i32
      %add3A_1038 = arith.addi %mul3A_1036, %add3A_1037 : i32
      %convert_element_type3A_1039 = arith.truncf %select_n3A_1023 : vector<16x512xf32> to vector<16x512xbf16>
      %get3A_1040 = arith.constant 0 : index
      %get3A_1041 = arith.constant 0 : index
      %get3A_1042 = vector.load %arg6[%get3A_1040, %get3A_1041] : memref<512x1536xbf16, #tpu.memory_space<vmem>>, vector<512x1536xbf16>
      %dot_general3A_1043 = arith.constant dense<0.000000e+00> : vector<16x1536xf32>
      %dot_general3A_1044 = tpu.matmul %convert_element_type3A_1039, %get3A_1042, %dot_general3A_1043 {dimension_numbers = #tpu.dot_dimension_numbers<[1], [0], [0], [1], [0, 0, 1, 1], [], []>, transpose_lhs_hint = false} : vector<16x512xbf16>, vector<512x1536xbf16>, vector<16x1536xf32> -> vector<16x1536xf32>
      %get3A_1045 = arith.constant 0 : index
      %get3A_1046 = arith.constant 0 : index
      %get3A_1047 = vector.load %arg7[%get3A_1045, %get3A_1046] : memref<1x1536xf32, #tpu.memory_space<vmem>>, vector<1x1536xf32>
      %add3A_1048 = vector.broadcast %get3A_1047 : vector<1x1536xf32> to vector<16x1536xf32>
      %add3A_1049 = arith.addf %dot_general3A_1044, %add3A_1048 : vector<16x1536xf32>
      %get3A_1050 = arith.constant 256 : index
      %get3A_1051 = arith.constant 0 : index
      %get3A_1052 = vector.load %arg10[%get3A_1050, %get3A_1051] : memref<512x1536xf32, #tpu.memory_space<vmem>>, vector<16x1536xf32>
      %slice3A_1053 = vector.extract_strided_slice %get3A_1052 {offsets = [0, 0], sizes = [16, 512], strides = [1, 1]} : vector<16x1536xf32> to vector<16x512xf32>
      %slice3A_1054 = vector.extract_strided_slice %add3A_1049 {offsets = [0, 0], sizes = [16, 512], strides = [1, 1]} : vector<16x1536xf32> to vector<16x512xf32>
      %add3A_1055 = arith.addf %slice3A_1053, %slice3A_1054 : vector<16x512xf32>
      %logistic3A_1056 = arith.negf %add3A_1055 : vector<16x512xf32>
      %logistic3A_1057 = math.exp %logistic3A_1056 : vector<16x512xf32>
      %logistic3A_1058 = arith.constant 1.000000e+00 : f32
      %logistic3A_1059 = vector.broadcast %logistic3A_1058 : f32 to vector<16x512xf32>
      %logistic3A_1060 = arith.addf %logistic3A_1059, %logistic3A_1057 : vector<16x512xf32>
      %logistic3A_1061 = arith.divf %logistic3A_1059, %logistic3A_1060 : vector<16x512xf32>
      %slice3A_1062 = vector.extract_strided_slice %get3A_1052 {offsets = [0, 512], sizes = [16, 512], strides = [1, 1]} : vector<16x1536xf32> to vector<16x512xf32>
      %slice3A_1063 = vector.extract_strided_slice %add3A_1049 {offsets = [0, 512], sizes = [16, 512], strides = [1, 1]} : vector<16x1536xf32> to vector<16x512xf32>
      %add3A_1064 = arith.addf %slice3A_1062, %slice3A_1063 : vector<16x512xf32>
      %logistic3A_1065 = arith.negf %add3A_1064 : vector<16x512xf32>
      %logistic3A_1066 = math.exp %logistic3A_1065 : vector<16x512xf32>
      %logistic3A_1067 = arith.constant 1.000000e+00 : f32
      %logistic3A_1068 = vector.broadcast %logistic3A_1067 : f32 to vector<16x512xf32>
      %logistic3A_1069 = arith.addf %logistic3A_1068, %logistic3A_1066 : vector<16x512xf32>
      %logistic3A_1070 = arith.divf %logistic3A_1068, %logistic3A_1069 : vector<16x512xf32>
      %slice3A_1071 = vector.extract_strided_slice %get3A_1052 {offsets = [0, 1024], sizes = [16, 512], strides = [1, 1]} : vector<16x1536xf32> to vector<16x512xf32>
      %slice3A_1072 = vector.extract_strided_slice %add3A_1049 {offsets = [0, 1024], sizes = [16, 512], strides = [1, 1]} : vector<16x1536xf32> to vector<16x512xf32>
      %mul3A_1073 = arith.mulf %logistic3A_1061, %slice3A_1072 : vector<16x512xf32>
      %add3A_1074 = arith.addf %slice3A_1071, %mul3A_1073 : vector<16x512xf32>
      %tanh3A_1075 = math.tanh %add3A_1074 : vector<16x512xf32>
      %sub3A_1076 = arith.constant 1.000000e+00 : f32
      %sub3A_1077 = vector.broadcast %sub3A_1076 : f32 to vector<16x512xf32>
      %sub3A_1078 = arith.subf %sub3A_1077, %logistic3A_1070 : vector<16x512xf32>
      %mul3A_1079 = arith.mulf %sub3A_1078, %tanh3A_1075 : vector<16x512xf32>
      %mul3A_1080 = arith.mulf %logistic3A_1070, %select_n3A_1023 : vector<16x512xf32>
      %add3A_1081 = arith.addf %mul3A_1079, %mul3A_1080 : vector<16x512xf32>
      %lt3A_1082 = vector.broadcast %add3A_1038 : i32 to vector<16x1xi32>
      %lt3A_1083 = arith.cmpi slt, %lt3A_1082, %get3A_33 : vector<16x1xi32>
      %broadcast_in_dim3A_1084 = vector.shape_cast %lt3A_1083 : vector<16x1xi1> to vector<16x1xi1>
      %broadcast_in_dim3A_1085 = vector.broadcast %broadcast_in_dim3A_1084 : vector<16x1xi1> to vector<16x512xi1>
      %select_n3A_1086 = arith.select %broadcast_in_dim3A_1085, %add3A_1081, %select_n3A_1023 : vector<16x512xi1>, vector<16x512xf32>
      %jit3A_1087 = arith.constant 0.000000e+00 : f32
      %broadcast_in_dim3A_1088 = vector.shape_cast %lt3A_1083 : vector<16x1xi1> to vector<16x1xi1>
      %broadcast_in_dim3A_1089 = vector.broadcast %broadcast_in_dim3A_1088 : vector<16x1xi1> to vector<16x512xi1>
      %broadcast_in_dim3A_1090 = vector.broadcast %jit3A_1087 : f32 to vector<16x512xf32>
      %select_n3A_1091 = arith.select %broadcast_in_dim3A_1089, %add3A_1081, %broadcast_in_dim3A_1090 : vector<16x512xi1>, vector<16x512xf32>
      %swap3A_1092 = arith.constant 0 : index
      %swap3A_1093 = arith.constant 16 : index
      %swap3A_1094 = arith.constant 0 : index
      %swap3A_1095 = vector.load %arg8[%swap3A_1092, %swap3A_1093, %swap3A_1094] : memref<16x32x512xf32, #tpu.memory_space<vmem>>, vector<16x1x512xf32>
      %swap3A_1096 = vector.shape_cast %swap3A_1095 : vector<16x1x512xf32> to vector<16x512xf32>
      %swap3A_1097 = vector.shape_cast %select_n3A_1091 : vector<16x512xf32> to vector<16x1x512xf32>
      tpu.vector_store %arg8[%swap3A_1092, %swap3A_1093, %swap3A_1094], %swap3A_1097 {strides = array<i32>} : memref<16x32x512xf32, #tpu.memory_space<vmem>>, vector<16x1x512xf32>,
      %mul3A_1098 = arith.constant 32 : i32
      %mul3A_1099 = arith.muli %arg0, %mul3A_1098 : i32
      %add3A_1100 = arith.constant 17 : i32
      %add3A_1101 = arith.addi %mul3A_1099, %add3A_1100 : i32
      %convert_element_type3A_1102 = arith.truncf %select_n3A_1086 : vector<16x512xf32> to vector<16x512xbf16>
      %get3A_1103 = arith.constant 0 : index
      %get3A_1104 = arith.constant 0 : index
      %get3A_1105 = vector.load %arg6[%get3A_1103, %get3A_1104] : memref<512x1536xbf16, #tpu.memory_space<vmem>>, vector<512x1536xbf16>
      %dot_general3A_1106 = arith.constant dense<0.000000e+00> : vector<16x1536xf32>
      %dot_general3A_1107 = tpu.matmul %convert_element_type3A_1102, %get3A_1105, %dot_general3A_1106 {dimension_numbers = #tpu.dot_dimension_numbers<[1], [0], [0], [1], [0, 0, 1, 1], [], []>, transpose_lhs_hint = false} : vector<16x512xbf16>, vector<512x1536xbf16>, vector<16x1536xf32> -> vector<16x1536xf32>
      %get3A_1108 = arith.constant 0 : index
      %get3A_1109 = arith.constant 0 : index
      %get3A_1110 = vector.load %arg7[%get3A_1108, %get3A_1109] : memref<1x1536xf32, #tpu.memory_space<vmem>>, vector<1x1536xf32>
      %add3A_1111 = vector.broadcast %get3A_1110 : vector<1x1536xf32> to vector<16x1536xf32>
      %add3A_1112 = arith.addf %dot_general3A_1107, %add3A_1111 : vector<16x1536xf32>
      %get3A_1113 = arith.constant 272 : index
      %get3A_1114 = arith.constant 0 : index
      %get3A_1115 = vector.load %arg10[%get3A_1113, %get3A_1114] : memref<512x1536xf32, #tpu.memory_space<vmem>>, vector<16x1536xf32>
      %slice3A_1116 = vector.extract_strided_slice %get3A_1115 {offsets = [0, 0], sizes = [16, 512], strides = [1, 1]} : vector<16x1536xf32> to vector<16x512xf32>
      %slice3A_1117 = vector.extract_strided_slice %add3A_1112 {offsets = [0, 0], sizes = [16, 512], strides = [1, 1]} : vector<16x1536xf32> to vector<16x512xf32>
      %add3A_1118 = arith.addf %slice3A_1116, %slice3A_1117 : vector<16x512xf32>
      %logistic3A_1119 = arith.negf %add3A_1118 : vector<16x512xf32>
      %logistic3A_1120 = math.exp %logistic3A_1119 : vector<16x512xf32>
      %logistic3A_1121 = arith.constant 1.000000e+00 : f32
      %logistic3A_1122 = vector.broadcast %logistic3A_1121 : f32 to vector<16x512xf32>
      %logistic3A_1123 = arith.addf %logistic3A_1122, %logistic3A_1120 : vector<16x512xf32>
      %logistic3A_1124 = arith.divf %logistic3A_1122, %logistic3A_1123 : vector<16x512xf32>
      %slice3A_1125 = vector.extract_strided_slice %get3A_1115 {offsets = [0, 512], sizes = [16, 512], strides = [1, 1]} : vector<16x1536xf32> to vector<16x512xf32>
      %slice3A_1126 = vector.extract_strided_slice %add3A_1112 {offsets = [0, 512], sizes = [16, 512], strides = [1, 1]} : vector<16x1536xf32> to vector<16x512xf32>
      %add3A_1127 = arith.addf %slice3A_1125, %slice3A_1126 : vector<16x512xf32>
      %logistic3A_1128 = arith.negf %add3A_1127 : vector<16x512xf32>
      %logistic3A_1129 = math.exp %logistic3A_1128 : vector<16x512xf32>
      %logistic3A_1130 = arith.constant 1.000000e+00 : f32
      %logistic3A_1131 = vector.broadcast %logistic3A_1130 : f32 to vector<16x512xf32>
      %logistic3A_1132 = arith.addf %logistic3A_1131, %logistic3A_1129 : vector<16x512xf32>
      %logistic3A_1133 = arith.divf %logistic3A_1131, %logistic3A_1132 : vector<16x512xf32>
      %slice3A_1134 = vector.extract_strided_slice %get3A_1115 {offsets = [0, 1024], sizes = [16, 512], strides = [1, 1]} : vector<16x1536xf32> to vector<16x512xf32>
      %slice3A_1135 = vector.extract_strided_slice %add3A_1112 {offsets = [0, 1024], sizes = [16, 512], strides = [1, 1]} : vector<16x1536xf32> to vector<16x512xf32>
      %mul3A_1136 = arith.mulf %logistic3A_1124, %slice3A_1135 : vector<16x512xf32>
      %add3A_1137 = arith.addf %slice3A_1134, %mul3A_1136 : vector<16x512xf32>
      %tanh3A_1138 = math.tanh %add3A_1137 : vector<16x512xf32>
      %sub3A_1139 = arith.constant 1.000000e+00 : f32
      %sub3A_1140 = vector.broadcast %sub3A_1139 : f32 to vector<16x512xf32>
      %sub3A_1141 = arith.subf %sub3A_1140, %logistic3A_1133 : vector<16x512xf32>
      %mul3A_1142 = arith.mulf %sub3A_1141, %tanh3A_1138 : vector<16x512xf32>
      %mul3A_1143 = arith.mulf %logistic3A_1133, %select_n3A_1086 : vector<16x512xf32>
      %add3A_1144 = arith.addf %mul3A_1142, %mul3A_1143 : vector<16x512xf32>
      %lt3A_1145 = vector.broadcast %add3A_1101 : i32 to vector<16x1xi32>
      %lt3A_1146 = arith.cmpi slt, %lt3A_1145, %get3A_33 : vector<16x1xi32>
      %broadcast_in_dim3A_1147 = vector.shape_cast %lt3A_1146 : vector<16x1xi1> to vector<16x1xi1>
      %broadcast_in_dim3A_1148 = vector.broadcast %broadcast_in_dim3A_1147 : vector<16x1xi1> to vector<16x512xi1>
      %select_n3A_1149 = arith.select %broadcast_in_dim3A_1148, %add3A_1144, %select_n3A_1086 : vector<16x512xi1>, vector<16x512xf32>
      %jit3A_1150 = arith.constant 0.000000e+00 : f32
      %broadcast_in_dim3A_1151 = vector.shape_cast %lt3A_1146 : vector<16x1xi1> to vector<16x1xi1>
      %broadcast_in_dim3A_1152 = vector.broadcast %broadcast_in_dim3A_1151 : vector<16x1xi1> to vector<16x512xi1>
      %broadcast_in_dim3A_1153 = vector.broadcast %jit3A_1150 : f32 to vector<16x512xf32>
      %select_n3A_1154 = arith.select %broadcast_in_dim3A_1152, %add3A_1144, %broadcast_in_dim3A_1153 : vector<16x512xi1>, vector<16x512xf32>
      %swap3A_1155 = arith.constant 0 : index
      %swap3A_1156 = arith.constant 17 : index
      %swap3A_1157 = arith.constant 0 : index
      %swap3A_1158 = vector.load %arg8[%swap3A_1155, %swap3A_1156, %swap3A_1157] : memref<16x32x512xf32, #tpu.memory_space<vmem>>, vector<16x1x512xf32>
      %swap3A_1159 = vector.shape_cast %swap3A_1158 : vector<16x1x512xf32> to vector<16x512xf32>
      %swap3A_1160 = vector.shape_cast %select_n3A_1154 : vector<16x512xf32> to vector<16x1x512xf32>
      tpu.vector_store %arg8[%swap3A_1155, %swap3A_1156, %swap3A_1157], %swap3A_1160 {strides = array<i32>} : memref<16x32x512xf32, #tpu.memory_space<vmem>>, vector<16x1x512xf32>,
      %mul3A_1161 = arith.constant 32 : i32
      %mul3A_1162 = arith.muli %arg0, %mul3A_1161 : i32
      %add3A_1163 = arith.constant 18 : i32
      %add3A_1164 = arith.addi %mul3A_1162, %add3A_1163 : i32
      %convert_element_type3A_1165 = arith.truncf %select_n3A_1149 : vector<16x512xf32> to vector<16x512xbf16>
      %get3A_1166 = arith.constant 0 : index
      %get3A_1167 = arith.constant 0 : index
      %get3A_1168 = vector.load %arg6[%get3A_1166, %get3A_1167] : memref<512x1536xbf16, #tpu.memory_space<vmem>>, vector<512x1536xbf16>
      %dot_general3A_1169 = arith.constant dense<0.000000e+00> : vector<16x1536xf32>
      %dot_general3A_1170 = tpu.matmul %convert_element_type3A_1165, %get3A_1168, %dot_general3A_1169 {dimension_numbers = #tpu.dot_dimension_numbers<[1], [0], [0], [1], [0, 0, 1, 1], [], []>, transpose_lhs_hint = false} : vector<16x512xbf16>, vector<512x1536xbf16>, vector<16x1536xf32> -> vector<16x1536xf32>
      %get3A_1171 = arith.constant 0 : index
      %get3A_1172 = arith.constant 0 : index
      %get3A_1173 = vector.load %arg7[%get3A_1171, %get3A_1172] : memref<1x1536xf32, #tpu.memory_space<vmem>>, vector<1x1536xf32>
      %add3A_1174 = vector.broadcast %get3A_1173 : vector<1x1536xf32> to vector<16x1536xf32>
      %add3A_1175 = arith.addf %dot_general3A_1170, %add3A_1174 : vector<16x1536xf32>
      %get3A_1176 = arith.constant 288 : index
      %get3A_1177 = arith.constant 0 : index
      %get3A_1178 = vector.load %arg10[%get3A_1176, %get3A_1177] : memref<512x1536xf32, #tpu.memory_space<vmem>>, vector<16x1536xf32>
      %slice3A_1179 = vector.extract_strided_slice %get3A_1178 {offsets = [0, 0], sizes = [16, 512], strides = [1, 1]} : vector<16x1536xf32> to vector<16x512xf32>
      %slice3A_1180 = vector.extract_strided_slice %add3A_1175 {offsets = [0, 0], sizes = [16, 512], strides = [1, 1]} : vector<16x1536xf32> to vector<16x512xf32>
      %add3A_1181 = arith.addf %slice3A_1179, %slice3A_1180 : vector<16x512xf32>
      %logistic3A_1182 = arith.negf %add3A_1181 : vector<16x512xf32>
      %logistic3A_1183 = math.exp %logistic3A_1182 : vector<16x512xf32>
      %logistic3A_1184 = arith.constant 1.000000e+00 : f32
      %logistic3A_1185 = vector.broadcast %logistic3A_1184 : f32 to vector<16x512xf32>
      %logistic3A_1186 = arith.addf %logistic3A_1185, %logistic3A_1183 : vector<16x512xf32>
      %logistic3A_1187 = arith.divf %logistic3A_1185, %logistic3A_1186 : vector<16x512xf32>
      %slice3A_1188 = vector.extract_strided_slice %get3A_1178 {offsets = [0, 512], sizes = [16, 512], strides = [1, 1]} : vector<16x1536xf32> to vector<16x512xf32>
      %slice3A_1189 = vector.extract_strided_slice %add3A_1175 {offsets = [0, 512], sizes = [16, 512], strides = [1, 1]} : vector<16x1536xf32> to vector<16x512xf32>
      %add3A_1190 = arith.addf %slice3A_1188, %slice3A_1189 : vector<16x512xf32>
      %logistic3A_1191 = arith.negf %add3A_1190 : vector<16x512xf32>
      %logistic3A_1192 = math.exp %logistic3A_1191 : vector<16x512xf32>
      %logistic3A_1193 = arith.constant 1.000000e+00 : f32
      %logistic3A_1194 = vector.broadcast %logistic3A_1193 : f32 to vector<16x512xf32>
      %logistic3A_1195 = arith.addf %logistic3A_1194, %logistic3A_1192 : vector<16x512xf32>
      %logistic3A_1196 = arith.divf %logistic3A_1194, %logistic3A_1195 : vector<16x512xf32>
      %slice3A_1197 = vector.extract_strided_slice %get3A_1178 {offsets = [0, 1024], sizes = [16, 512], strides = [1, 1]} : vector<16x1536xf32> to vector<16x512xf32>
      %slice3A_1198 = vector.extract_strided_slice %add3A_1175 {offsets = [0, 1024], sizes = [16, 512], strides = [1, 1]} : vector<16x1536xf32> to vector<16x512xf32>
      %mul3A_1199 = arith.mulf %logistic3A_1187, %slice3A_1198 : vector<16x512xf32>
      %add3A_1200 = arith.addf %slice3A_1197, %mul3A_1199 : vector<16x512xf32>
      %tanh3A_1201 = math.tanh %add3A_1200 : vector<16x512xf32>
      %sub3A_1202 = arith.constant 1.000000e+00 : f32
      %sub3A_1203 = vector.broadcast %sub3A_1202 : f32 to vector<16x512xf32>
      %sub3A_1204 = arith.subf %sub3A_1203, %logistic3A_1196 : vector<16x512xf32>
      %mul3A_1205 = arith.mulf %sub3A_1204, %tanh3A_1201 : vector<16x512xf32>
      %mul3A_1206 = arith.mulf %logistic3A_1196, %select_n3A_1149 : vector<16x512xf32>
      %add3A_1207 = arith.addf %mul3A_1205, %mul3A_1206 : vector<16x512xf32>
      %lt3A_1208 = vector.broadcast %add3A_1164 : i32 to vector<16x1xi32>
      %lt3A_1209 = arith.cmpi slt, %lt3A_1208, %get3A_33 : vector<16x1xi32>
      %broadcast_in_dim3A_1210 = vector.shape_cast %lt3A_1209 : vector<16x1xi1> to vector<16x1xi1>
      %broadcast_in_dim3A_1211 = vector.broadcast %broadcast_in_dim3A_1210 : vector<16x1xi1> to vector<16x512xi1>
      %select_n3A_1212 = arith.select %broadcast_in_dim3A_1211, %add3A_1207, %select_n3A_1149 : vector<16x512xi1>, vector<16x512xf32>
      %jit3A_1213 = arith.constant 0.000000e+00 : f32
      %broadcast_in_dim3A_1214 = vector.shape_cast %lt3A_1209 : vector<16x1xi1> to vector<16x1xi1>
      %broadcast_in_dim3A_1215 = vector.broadcast %broadcast_in_dim3A_1214 : vector<16x1xi1> to vector<16x512xi1>
      %broadcast_in_dim3A_1216 = vector.broadcast %jit3A_1213 : f32 to vector<16x512xf32>
      %select_n3A_1217 = arith.select %broadcast_in_dim3A_1215, %add3A_1207, %broadcast_in_dim3A_1216 : vector<16x512xi1>, vector<16x512xf32>
      %swap3A_1218 = arith.constant 0 : index
      %swap3A_1219 = arith.constant 18 : index
      %swap3A_1220 = arith.constant 0 : index
      %swap3A_1221 = vector.load %arg8[%swap3A_1218, %swap3A_1219, %swap3A_1220] : memref<16x32x512xf32, #tpu.memory_space<vmem>>, vector<16x1x512xf32>
      %swap3A_1222 = vector.shape_cast %swap3A_1221 : vector<16x1x512xf32> to vector<16x512xf32>
      %swap3A_1223 = vector.shape_cast %select_n3A_1217 : vector<16x512xf32> to vector<16x1x512xf32>
      tpu.vector_store %arg8[%swap3A_1218, %swap3A_1219, %swap3A_1220], %swap3A_1223 {strides = array<i32>} : memref<16x32x512xf32, #tpu.memory_space<vmem>>, vector<16x1x512xf32>,
      %mul3A_1224 = arith.constant 32 : i32
      %mul3A_1225 = arith.muli %arg0, %mul3A_1224 : i32
      %add3A_1226 = arith.constant 19 : i32
      %add3A_1227 = arith.addi %mul3A_1225, %add3A_1226 : i32
      %convert_element_type3A_1228 = arith.truncf %select_n3A_1212 : vector<16x512xf32> to vector<16x512xbf16>
      %get3A_1229 = arith.constant 0 : index
      %get3A_1230 = arith.constant 0 : index
      %get3A_1231 = vector.load %arg6[%get3A_1229, %get3A_1230] : memref<512x1536xbf16, #tpu.memory_space<vmem>>, vector<512x1536xbf16>
      %dot_general3A_1232 = arith.constant dense<0.000000e+00> : vector<16x1536xf32>
      %dot_general3A_1233 = tpu.matmul %convert_element_type3A_1228, %get3A_1231, %dot_general3A_1232 {dimension_numbers = #tpu.dot_dimension_numbers<[1], [0], [0], [1], [0, 0, 1, 1], [], []>, transpose_lhs_hint = false} : vector<16x512xbf16>, vector<512x1536xbf16>, vector<16x1536xf32> -> vector<16x1536xf32>
      %get3A_1234 = arith.constant 0 : index
      %get3A_1235 = arith.constant 0 : index
      %get3A_1236 = vector.load %arg7[%get3A_1234, %get3A_1235] : memref<1x1536xf32, #tpu.memory_space<vmem>>, vector<1x1536xf32>
      %add3A_1237 = vector.broadcast %get3A_1236 : vector<1x1536xf32> to vector<16x1536xf32>
      %add3A_1238 = arith.addf %dot_general3A_1233, %add3A_1237 : vector<16x1536xf32>
      %get3A_1239 = arith.constant 304 : index
      %get3A_1240 = arith.constant 0 : index
      %get3A_1241 = vector.load %arg10[%get3A_1239, %get3A_1240] : memref<512x1536xf32, #tpu.memory_space<vmem>>, vector<16x1536xf32>
      %slice3A_1242 = vector.extract_strided_slice %get3A_1241 {offsets = [0, 0], sizes = [16, 512], strides = [1, 1]} : vector<16x1536xf32> to vector<16x512xf32>
      %slice3A_1243 = vector.extract_strided_slice %add3A_1238 {offsets = [0, 0], sizes = [16, 512], strides = [1, 1]} : vector<16x1536xf32> to vector<16x512xf32>
      %add3A_1244 = arith.addf %slice3A_1242, %slice3A_1243 : vector<16x512xf32>
      %logistic3A_1245 = arith.negf %add3A_1244 : vector<16x512xf32>
      %logistic3A_1246 = math.exp %logistic3A_1245 : vector<16x512xf32>
      %logistic3A_1247 = arith.constant 1.000000e+00 : f32
      %logistic3A_1248 = vector.broadcast %logistic3A_1247 : f32 to vector<16x512xf32>
      %logistic3A_1249 = arith.addf %logistic3A_1248, %logistic3A_1246 : vector<16x512xf32>
      %logistic3A_1250 = arith.divf %logistic3A_1248, %logistic3A_1249 : vector<16x512xf32>
      %slice3A_1251 = vector.extract_strided_slice %get3A_1241 {offsets = [0, 512], sizes = [16, 512], strides = [1, 1]} : vector<16x1536xf32> to vector<16x512xf32>
      %slice3A_1252 = vector.extract_strided_slice %add3A_1238 {offsets = [0, 512], sizes = [16, 512], strides = [1, 1]} : vector<16x1536xf32> to vector<16x512xf32>
      %add3A_1253 = arith.addf %slice3A_1251, %slice3A_1252 : vector<16x512xf32>
      %logistic3A_1254 = arith.negf %add3A_1253 : vector<16x512xf32>
      %logistic3A_1255 = math.exp %logistic3A_1254 : vector<16x512xf32>
      %logistic3A_1256 = arith.constant 1.000000e+00 : f32
      %logistic3A_1257 = vector.broadcast %logistic3A_1256 : f32 to vector<16x512xf32>
      %logistic3A_1258 = arith.addf %logistic3A_1257, %logistic3A_1255 : vector<16x512xf32>
      %logistic3A_1259 = arith.divf %logistic3A_1257, %logistic3A_1258 : vector<16x512xf32>
      %slice3A_1260 = vector.extract_strided_slice %get3A_1241 {offsets = [0, 1024], sizes = [16, 512], strides = [1, 1]} : vector<16x1536xf32> to vector<16x512xf32>
      %slice3A_1261 = vector.extract_strided_slice %add3A_1238 {offsets = [0, 1024], sizes = [16, 512], strides = [1, 1]} : vector<16x1536xf32> to vector<16x512xf32>
      %mul3A_1262 = arith.mulf %logistic3A_1250, %slice3A_1261 : vector<16x512xf32>
      %add3A_1263 = arith.addf %slice3A_1260, %mul3A_1262 : vector<16x512xf32>
      %tanh3A_1264 = math.tanh %add3A_1263 : vector<16x512xf32>
      %sub3A_1265 = arith.constant 1.000000e+00 : f32
      %sub3A_1266 = vector.broadcast %sub3A_1265 : f32 to vector<16x512xf32>
      %sub3A_1267 = arith.subf %sub3A_1266, %logistic3A_1259 : vector<16x512xf32>
      %mul3A_1268 = arith.mulf %sub3A_1267, %tanh3A_1264 : vector<16x512xf32>
      %mul3A_1269 = arith.mulf %logistic3A_1259, %select_n3A_1212 : vector<16x512xf32>
      %add3A_1270 = arith.addf %mul3A_1268, %mul3A_1269 : vector<16x512xf32>
      %lt3A_1271 = vector.broadcast %add3A_1227 : i32 to vector<16x1xi32>
      %lt3A_1272 = arith.cmpi slt, %lt3A_1271, %get3A_33 : vector<16x1xi32>
      %broadcast_in_dim3A_1273 = vector.shape_cast %lt3A_1272 : vector<16x1xi1> to vector<16x1xi1>
      %broadcast_in_dim3A_1274 = vector.broadcast %broadcast_in_dim3A_1273 : vector<16x1xi1> to vector<16x512xi1>
      %select_n3A_1275 = arith.select %broadcast_in_dim3A_1274, %add3A_1270, %select_n3A_1212 : vector<16x512xi1>, vector<16x512xf32>
      %jit3A_1276 = arith.constant 0.000000e+00 : f32
      %broadcast_in_dim3A_1277 = vector.shape_cast %lt3A_1272 : vector<16x1xi1> to vector<16x1xi1>
      %broadcast_in_dim3A_1278 = vector.broadcast %broadcast_in_dim3A_1277 : vector<16x1xi1> to vector<16x512xi1>
      %broadcast_in_dim3A_1279 = vector.broadcast %jit3A_1276 : f32 to vector<16x512xf32>
      %select_n3A_1280 = arith.select %broadcast_in_dim3A_1278, %add3A_1270, %broadcast_in_dim3A_1279 : vector<16x512xi1>, vector<16x512xf32>
      %swap3A_1281 = arith.constant 0 : index
      %swap3A_1282 = arith.constant 19 : index
      %swap3A_1283 = arith.constant 0 : index
      %swap3A_1284 = vector.load %arg8[%swap3A_1281, %swap3A_1282, %swap3A_1283] : memref<16x32x512xf32, #tpu.memory_space<vmem>>, vector<16x1x512xf32>
      %swap3A_1285 = vector.shape_cast %swap3A_1284 : vector<16x1x512xf32> to vector<16x512xf32>
      %swap3A_1286 = vector.shape_cast %select_n3A_1280 : vector<16x512xf32> to vector<16x1x512xf32>
      tpu.vector_store %arg8[%swap3A_1281, %swap3A_1282, %swap3A_1283], %swap3A_1286 {strides = array<i32>} : memref<16x32x512xf32, #tpu.memory_space<vmem>>, vector<16x1x512xf32>,
      %mul3A_1287 = arith.constant 32 : i32
      %mul3A_1288 = arith.muli %arg0, %mul3A_1287 : i32
      %add3A_1289 = arith.constant 20 : i32
      %add3A_1290 = arith.addi %mul3A_1288, %add3A_1289 : i32
      %convert_element_type3A_1291 = arith.truncf %select_n3A_1275 : vector<16x512xf32> to vector<16x512xbf16>
      %get3A_1292 = arith.constant 0 : index
      %get3A_1293 = arith.constant 0 : index
      %get3A_1294 = vector.load %arg6[%get3A_1292, %get3A_1293] : memref<512x1536xbf16, #tpu.memory_space<vmem>>, vector<512x1536xbf16>
      %dot_general3A_1295 = arith.constant dense<0.000000e+00> : vector<16x1536xf32>
      %dot_general3A_1296 = tpu.matmul %convert_element_type3A_1291, %get3A_1294, %dot_general3A_1295 {dimension_numbers = #tpu.dot_dimension_numbers<[1], [0], [0], [1], [0, 0, 1, 1], [], []>, transpose_lhs_hint = false} : vector<16x512xbf16>, vector<512x1536xbf16>, vector<16x1536xf32> -> vector<16x1536xf32>
      %get3A_1297 = arith.constant 0 : index
      %get3A_1298 = arith.constant 0 : index
      %get3A_1299 = vector.load %arg7[%get3A_1297, %get3A_1298] : memref<1x1536xf32, #tpu.memory_space<vmem>>, vector<1x1536xf32>
      %add3A_1300 = vector.broadcast %get3A_1299 : vector<1x1536xf32> to vector<16x1536xf32>
      %add3A_1301 = arith.addf %dot_general3A_1296, %add3A_1300 : vector<16x1536xf32>
      %get3A_1302 = arith.constant 320 : index
      %get3A_1303 = arith.constant 0 : index
      %get3A_1304 = vector.load %arg10[%get3A_1302, %get3A_1303] : memref<512x1536xf32, #tpu.memory_space<vmem>>, vector<16x1536xf32>
      %slice3A_1305 = vector.extract_strided_slice %get3A_1304 {offsets = [0, 0], sizes = [16, 512], strides = [1, 1]} : vector<16x1536xf32> to vector<16x512xf32>
      %slice3A_1306 = vector.extract_strided_slice %add3A_1301 {offsets = [0, 0], sizes = [16, 512], strides = [1, 1]} : vector<16x1536xf32> to vector<16x512xf32>
      %add3A_1307 = arith.addf %slice3A_1305, %slice3A_1306 : vector<16x512xf32>
      %logistic3A_1308 = arith.negf %add3A_1307 : vector<16x512xf32>
      %logistic3A_1309 = math.exp %logistic3A_1308 : vector<16x512xf32>
      %logistic3A_1310 = arith.constant 1.000000e+00 : f32
      %logistic3A_1311 = vector.broadcast %logistic3A_1310 : f32 to vector<16x512xf32>
      %logistic3A_1312 = arith.addf %logistic3A_1311, %logistic3A_1309 : vector<16x512xf32>
      %logistic3A_1313 = arith.divf %logistic3A_1311, %logistic3A_1312 : vector<16x512xf32>
      %slice3A_1314 = vector.extract_strided_slice %get3A_1304 {offsets = [0, 512], sizes = [16, 512], strides = [1, 1]} : vector<16x1536xf32> to vector<16x512xf32>
      %slice3A_1315 = vector.extract_strided_slice %add3A_1301 {offsets = [0, 512], sizes = [16, 512], strides = [1, 1]} : vector<16x1536xf32> to vector<16x512xf32>
      %add3A_1316 = arith.addf %slice3A_1314, %slice3A_1315 : vector<16x512xf32>
      %logistic3A_1317 = arith.negf %add3A_1316 : vector<16x512xf32>
      %logistic3A_1318 = math.exp %logistic3A_1317 : vector<16x512xf32>
      %logistic3A_1319 = arith.constant 1.000000e+00 : f32
      %logistic3A_1320 = vector.broadcast %logistic3A_1319 : f32 to vector<16x512xf32>
      %logistic3A_1321 = arith.addf %logistic3A_1320, %logistic3A_1318 : vector<16x512xf32>
      %logistic3A_1322 = arith.divf %logistic3A_1320, %logistic3A_1321 : vector<16x512xf32>
      %slice3A_1323 = vector.extract_strided_slice %get3A_1304 {offsets = [0, 1024], sizes = [16, 512], strides = [1, 1]} : vector<16x1536xf32> to vector<16x512xf32>
      %slice3A_1324 = vector.extract_strided_slice %add3A_1301 {offsets = [0, 1024], sizes = [16, 512], strides = [1, 1]} : vector<16x1536xf32> to vector<16x512xf32>
      %mul3A_1325 = arith.mulf %logistic3A_1313, %slice3A_1324 : vector<16x512xf32>
      %add3A_1326 = arith.addf %slice3A_1323, %mul3A_1325 : vector<16x512xf32>
      %tanh3A_1327 = math.tanh %add3A_1326 : vector<16x512xf32>
      %sub3A_1328 = arith.constant 1.000000e+00 : f32
      %sub3A_1329 = vector.broadcast %sub3A_1328 : f32 to vector<16x512xf32>
      %sub3A_1330 = arith.subf %sub3A_1329, %logistic3A_1322 : vector<16x512xf32>
      %mul3A_1331 = arith.mulf %sub3A_1330, %tanh3A_1327 : vector<16x512xf32>
      %mul3A_1332 = arith.mulf %logistic3A_1322, %select_n3A_1275 : vector<16x512xf32>
      %add3A_1333 = arith.addf %mul3A_1331, %mul3A_1332 : vector<16x512xf32>
      %lt3A_1334 = vector.broadcast %add3A_1290 : i32 to vector<16x1xi32>
      %lt3A_1335 = arith.cmpi slt, %lt3A_1334, %get3A_33 : vector<16x1xi32>
      %broadcast_in_dim3A_1336 = vector.shape_cast %lt3A_1335 : vector<16x1xi1> to vector<16x1xi1>
      %broadcast_in_dim3A_1337 = vector.broadcast %broadcast_in_dim3A_1336 : vector<16x1xi1> to vector<16x512xi1>
      %select_n3A_1338 = arith.select %broadcast_in_dim3A_1337, %add3A_1333, %select_n3A_1275 : vector<16x512xi1>, vector<16x512xf32>
      %jit3A_1339 = arith.constant 0.000000e+00 : f32
      %broadcast_in_dim3A_1340 = vector.shape_cast %lt3A_1335 : vector<16x1xi1> to vector<16x1xi1>
      %broadcast_in_dim3A_1341 = vector.broadcast %broadcast_in_dim3A_1340 : vector<16x1xi1> to vector<16x512xi1>
      %broadcast_in_dim3A_1342 = vector.broadcast %jit3A_1339 : f32 to vector<16x512xf32>
      %select_n3A_1343 = arith.select %broadcast_in_dim3A_1341, %add3A_1333, %broadcast_in_dim3A_1342 : vector<16x512xi1>, vector<16x512xf32>
      %swap3A_1344 = arith.constant 0 : index
      %swap3A_1345 = arith.constant 20 : index
      %swap3A_1346 = arith.constant 0 : index
      %swap3A_1347 = vector.load %arg8[%swap3A_1344, %swap3A_1345, %swap3A_1346] : memref<16x32x512xf32, #tpu.memory_space<vmem>>, vector<16x1x512xf32>
      %swap3A_1348 = vector.shape_cast %swap3A_1347 : vector<16x1x512xf32> to vector<16x512xf32>
      %swap3A_1349 = vector.shape_cast %select_n3A_1343 : vector<16x512xf32> to vector<16x1x512xf32>
      tpu.vector_store %arg8[%swap3A_1344, %swap3A_1345, %swap3A_1346], %swap3A_1349 {strides = array<i32>} : memref<16x32x512xf32, #tpu.memory_space<vmem>>, vector<16x1x512xf32>,
      %mul3A_1350 = arith.constant 32 : i32
      %mul3A_1351 = arith.muli %arg0, %mul3A_1350 : i32
      %add3A_1352 = arith.constant 21 : i32
      %add3A_1353 = arith.addi %mul3A_1351, %add3A_1352 : i32
      %convert_element_type3A_1354 = arith.truncf %select_n3A_1338 : vector<16x512xf32> to vector<16x512xbf16>
      %get3A_1355 = arith.constant 0 : index
      %get3A_1356 = arith.constant 0 : index
      %get3A_1357 = vector.load %arg6[%get3A_1355, %get3A_1356] : memref<512x1536xbf16, #tpu.memory_space<vmem>>, vector<512x1536xbf16>
      %dot_general3A_1358 = arith.constant dense<0.000000e+00> : vector<16x1536xf32>
      %dot_general3A_1359 = tpu.matmul %convert_element_type3A_1354, %get3A_1357, %dot_general3A_1358 {dimension_numbers = #tpu.dot_dimension_numbers<[1], [0], [0], [1], [0, 0, 1, 1], [], []>, transpose_lhs_hint = false} : vector<16x512xbf16>, vector<512x1536xbf16>, vector<16x1536xf32> -> vector<16x1536xf32>
      %get3A_1360 = arith.constant 0 : index
      %get3A_1361 = arith.constant 0 : index
      %get3A_1362 = vector.load %arg7[%get3A_1360, %get3A_1361] : memref<1x1536xf32, #tpu.memory_space<vmem>>, vector<1x1536xf32>
      %add3A_1363 = vector.broadcast %get3A_1362 : vector<1x1536xf32> to vector<16x1536xf32>
      %add3A_1364 = arith.addf %dot_general3A_1359, %add3A_1363 : vector<16x1536xf32>
      %get3A_1365 = arith.constant 336 : index
      %get3A_1366 = arith.constant 0 : index
      %get3A_1367 = vector.load %arg10[%get3A_1365, %get3A_1366] : memref<512x1536xf32, #tpu.memory_space<vmem>>, vector<16x1536xf32>
      %slice3A_1368 = vector.extract_strided_slice %get3A_1367 {offsets = [0, 0], sizes = [16, 512], strides = [1, 1]} : vector<16x1536xf32> to vector<16x512xf32>
      %slice3A_1369 = vector.extract_strided_slice %add3A_1364 {offsets = [0, 0], sizes = [16, 512], strides = [1, 1]} : vector<16x1536xf32> to vector<16x512xf32>
      %add3A_1370 = arith.addf %slice3A_1368, %slice3A_1369 : vector<16x512xf32>
      %logistic3A_1371 = arith.negf %add3A_1370 : vector<16x512xf32>
      %logistic3A_1372 = math.exp %logistic3A_1371 : vector<16x512xf32>
      %logistic3A_1373 = arith.constant 1.000000e+00 : f32
      %logistic3A_1374 = vector.broadcast %logistic3A_1373 : f32 to vector<16x512xf32>
      %logistic3A_1375 = arith.addf %logistic3A_1374, %logistic3A_1372 : vector<16x512xf32>
      %logistic3A_1376 = arith.divf %logistic3A_1374, %logistic3A_1375 : vector<16x512xf32>
      %slice3A_1377 = vector.extract_strided_slice %get3A_1367 {offsets = [0, 512], sizes = [16, 512], strides = [1, 1]} : vector<16x1536xf32> to vector<16x512xf32>
      %slice3A_1378 = vector.extract_strided_slice %add3A_1364 {offsets = [0, 512], sizes = [16, 512], strides = [1, 1]} : vector<16x1536xf32> to vector<16x512xf32>
      %add3A_1379 = arith.addf %slice3A_1377, %slice3A_1378 : vector<16x512xf32>
      %logistic3A_1380 = arith.negf %add3A_1379 : vector<16x512xf32>
      %logistic3A_1381 = math.exp %logistic3A_1380 : vector<16x512xf32>
      %logistic3A_1382 = arith.constant 1.000000e+00 : f32
      %logistic3A_1383 = vector.broadcast %logistic3A_1382 : f32 to vector<16x512xf32>
      %logistic3A_1384 = arith.addf %logistic3A_1383, %logistic3A_1381 : vector<16x512xf32>
      %logistic3A_1385 = arith.divf %logistic3A_1383, %logistic3A_1384 : vector<16x512xf32>
      %slice3A_1386 = vector.extract_strided_slice %get3A_1367 {offsets = [0, 1024], sizes = [16, 512], strides = [1, 1]} : vector<16x1536xf32> to vector<16x512xf32>
      %slice3A_1387 = vector.extract_strided_slice %add3A_1364 {offsets = [0, 1024], sizes = [16, 512], strides = [1, 1]} : vector<16x1536xf32> to vector<16x512xf32>
      %mul3A_1388 = arith.mulf %logistic3A_1376, %slice3A_1387 : vector<16x512xf32>
      %add3A_1389 = arith.addf %slice3A_1386, %mul3A_1388 : vector<16x512xf32>
      %tanh3A_1390 = math.tanh %add3A_1389 : vector<16x512xf32>
      %sub3A_1391 = arith.constant 1.000000e+00 : f32
      %sub3A_1392 = vector.broadcast %sub3A_1391 : f32 to vector<16x512xf32>
      %sub3A_1393 = arith.subf %sub3A_1392, %logistic3A_1385 : vector<16x512xf32>
      %mul3A_1394 = arith.mulf %sub3A_1393, %tanh3A_1390 : vector<16x512xf32>
      %mul3A_1395 = arith.mulf %logistic3A_1385, %select_n3A_1338 : vector<16x512xf32>
      %add3A_1396 = arith.addf %mul3A_1394, %mul3A_1395 : vector<16x512xf32>
      %lt3A_1397 = vector.broadcast %add3A_1353 : i32 to vector<16x1xi32>
      %lt3A_1398 = arith.cmpi slt, %lt3A_1397, %get3A_33 : vector<16x1xi32>
      %broadcast_in_dim3A_1399 = vector.shape_cast %lt3A_1398 : vector<16x1xi1> to vector<16x1xi1>
      %broadcast_in_dim3A_1400 = vector.broadcast %broadcast_in_dim3A_1399 : vector<16x1xi1> to vector<16x512xi1>
      %select_n3A_1401 = arith.select %broadcast_in_dim3A_1400, %add3A_1396, %select_n3A_1338 : vector<16x512xi1>, vector<16x512xf32>
      %jit3A_1402 = arith.constant 0.000000e+00 : f32
      %broadcast_in_dim3A_1403 = vector.shape_cast %lt3A_1398 : vector<16x1xi1> to vector<16x1xi1>
      %broadcast_in_dim3A_1404 = vector.broadcast %broadcast_in_dim3A_1403 : vector<16x1xi1> to vector<16x512xi1>
      %broadcast_in_dim3A_1405 = vector.broadcast %jit3A_1402 : f32 to vector<16x512xf32>
      %select_n3A_1406 = arith.select %broadcast_in_dim3A_1404, %add3A_1396, %broadcast_in_dim3A_1405 : vector<16x512xi1>, vector<16x512xf32>
      %swap3A_1407 = arith.constant 0 : index
      %swap3A_1408 = arith.constant 21 : index
      %swap3A_1409 = arith.constant 0 : index
      %swap3A_1410 = vector.load %arg8[%swap3A_1407, %swap3A_1408, %swap3A_1409] : memref<16x32x512xf32, #tpu.memory_space<vmem>>, vector<16x1x512xf32>
      %swap3A_1411 = vector.shape_cast %swap3A_1410 : vector<16x1x512xf32> to vector<16x512xf32>
      %swap3A_1412 = vector.shape_cast %select_n3A_1406 : vector<16x512xf32> to vector<16x1x512xf32>
      tpu.vector_store %arg8[%swap3A_1407, %swap3A_1408, %swap3A_1409], %swap3A_1412 {strides = array<i32>} : memref<16x32x512xf32, #tpu.memory_space<vmem>>, vector<16x1x512xf32>,
      %mul3A_1413 = arith.constant 32 : i32
      %mul3A_1414 = arith.muli %arg0, %mul3A_1413 : i32
      %add3A_1415 = arith.constant 22 : i32
      %add3A_1416 = arith.addi %mul3A_1414, %add3A_1415 : i32
      %convert_element_type3A_1417 = arith.truncf %select_n3A_1401 : vector<16x512xf32> to vector<16x512xbf16>
      %get3A_1418 = arith.constant 0 : index
      %get3A_1419 = arith.constant 0 : index
      %get3A_1420 = vector.load %arg6[%get3A_1418, %get3A_1419] : memref<512x1536xbf16, #tpu.memory_space<vmem>>, vector<512x1536xbf16>
      %dot_general3A_1421 = arith.constant dense<0.000000e+00> : vector<16x1536xf32>
      %dot_general3A_1422 = tpu.matmul %convert_element_type3A_1417, %get3A_1420, %dot_general3A_1421 {dimension_numbers = #tpu.dot_dimension_numbers<[1], [0], [0], [1], [0, 0, 1, 1], [], []>, transpose_lhs_hint = false} : vector<16x512xbf16>, vector<512x1536xbf16>, vector<16x1536xf32> -> vector<16x1536xf32>
      %get3A_1423 = arith.constant 0 : index
      %get3A_1424 = arith.constant 0 : index
      %get3A_1425 = vector.load %arg7[%get3A_1423, %get3A_1424] : memref<1x1536xf32, #tpu.memory_space<vmem>>, vector<1x1536xf32>
      %add3A_1426 = vector.broadcast %get3A_1425 : vector<1x1536xf32> to vector<16x1536xf32>
      %add3A_1427 = arith.addf %dot_general3A_1422, %add3A_1426 : vector<16x1536xf32>
      %get3A_1428 = arith.constant 352 : index
      %get3A_1429 = arith.constant 0 : index
      %get3A_1430 = vector.load %arg10[%get3A_1428, %get3A_1429] : memref<512x1536xf32, #tpu.memory_space<vmem>>, vector<16x1536xf32>
      %slice3A_1431 = vector.extract_strided_slice %get3A_1430 {offsets = [0, 0], sizes = [16, 512], strides = [1, 1]} : vector<16x1536xf32> to vector<16x512xf32>
      %slice3A_1432 = vector.extract_strided_slice %add3A_1427 {offsets = [0, 0], sizes = [16, 512], strides = [1, 1]} : vector<16x1536xf32> to vector<16x512xf32>
      %add3A_1433 = arith.addf %slice3A_1431, %slice3A_1432 : vector<16x512xf32>
      %logistic3A_1434 = arith.negf %add3A_1433 : vector<16x512xf32>
      %logistic3A_1435 = math.exp %logistic3A_1434 : vector<16x512xf32>
      %logistic3A_1436 = arith.constant 1.000000e+00 : f32
      %logistic3A_1437 = vector.broadcast %logistic3A_1436 : f32 to vector<16x512xf32>
      %logistic3A_1438 = arith.addf %logistic3A_1437, %logistic3A_1435 : vector<16x512xf32>
      %logistic3A_1439 = arith.divf %logistic3A_1437, %logistic3A_1438 : vector<16x512xf32>
      %slice3A_1440 = vector.extract_strided_slice %get3A_1430 {offsets = [0, 512], sizes = [16, 512], strides = [1, 1]} : vector<16x1536xf32> to vector<16x512xf32>
      %slice3A_1441 = vector.extract_strided_slice %add3A_1427 {offsets = [0, 512], sizes = [16, 512], strides = [1, 1]} : vector<16x1536xf32> to vector<16x512xf32>
      %add3A_1442 = arith.addf %slice3A_1440, %slice3A_1441 : vector<16x512xf32>
      %logistic3A_1443 = arith.negf %add3A_1442 : vector<16x512xf32>
      %logistic3A_1444 = math.exp %logistic3A_1443 : vector<16x512xf32>
      %logistic3A_1445 = arith.constant 1.000000e+00 : f32
      %logistic3A_1446 = vector.broadcast %logistic3A_1445 : f32 to vector<16x512xf32>
      %logistic3A_1447 = arith.addf %logistic3A_1446, %logistic3A_1444 : vector<16x512xf32>
      %logistic3A_1448 = arith.divf %logistic3A_1446, %logistic3A_1447 : vector<16x512xf32>
      %slice3A_1449 = vector.extract_strided_slice %get3A_1430 {offsets = [0, 1024], sizes = [16, 512], strides = [1, 1]} : vector<16x1536xf32> to vector<16x512xf32>
      %slice3A_1450 = vector.extract_strided_slice %add3A_1427 {offsets = [0, 1024], sizes = [16, 512], strides = [1, 1]} : vector<16x1536xf32> to vector<16x512xf32>
      %mul3A_1451 = arith.mulf %logistic3A_1439, %slice3A_1450 : vector<16x512xf32>
      %add3A_1452 = arith.addf %slice3A_1449, %mul3A_1451 : vector<16x512xf32>
      %tanh3A_1453 = math.tanh %add3A_1452 : vector<16x512xf32>
      %sub3A_1454 = arith.constant 1.000000e+00 : f32
      %sub3A_1455 = vector.broadcast %sub3A_1454 : f32 to vector<16x512xf32>
      %sub3A_1456 = arith.subf %sub3A_1455, %logistic3A_1448 : vector<16x512xf32>
      %mul3A_1457 = arith.mulf %sub3A_1456, %tanh3A_1453 : vector<16x512xf32>
      %mul3A_1458 = arith.mulf %logistic3A_1448, %select_n3A_1401 : vector<16x512xf32>
      %add3A_1459 = arith.addf %mul3A_1457, %mul3A_1458 : vector<16x512xf32>
      %lt3A_1460 = vector.broadcast %add3A_1416 : i32 to vector<16x1xi32>
      %lt3A_1461 = arith.cmpi slt, %lt3A_1460, %get3A_33 : vector<16x1xi32>
      %broadcast_in_dim3A_1462 = vector.shape_cast %lt3A_1461 : vector<16x1xi1> to vector<16x1xi1>
      %broadcast_in_dim3A_1463 = vector.broadcast %broadcast_in_dim3A_1462 : vector<16x1xi1> to vector<16x512xi1>
      %select_n3A_1464 = arith.select %broadcast_in_dim3A_1463, %add3A_1459, %select_n3A_1401 : vector<16x512xi1>, vector<16x512xf32>
      %jit3A_1465 = arith.constant 0.000000e+00 : f32
      %broadcast_in_dim3A_1466 = vector.shape_cast %lt3A_1461 : vector<16x1xi1> to vector<16x1xi1>
      %broadcast_in_dim3A_1467 = vector.broadcast %broadcast_in_dim3A_1466 : vector<16x1xi1> to vector<16x512xi1>
      %broadcast_in_dim3A_1468 = vector.broadcast %jit3A_1465 : f32 to vector<16x512xf32>
      %select_n3A_1469 = arith.select %broadcast_in_dim3A_1467, %add3A_1459, %broadcast_in_dim3A_1468 : vector<16x512xi1>, vector<16x512xf32>
      %swap3A_1470 = arith.constant 0 : index
      %swap3A_1471 = arith.constant 22 : index
      %swap3A_1472 = arith.constant 0 : index
      %swap3A_1473 = vector.load %arg8[%swap3A_1470, %swap3A_1471, %swap3A_1472] : memref<16x32x512xf32, #tpu.memory_space<vmem>>, vector<16x1x512xf32>
      %swap3A_1474 = vector.shape_cast %swap3A_1473 : vector<16x1x512xf32> to vector<16x512xf32>
      %swap3A_1475 = vector.shape_cast %select_n3A_1469 : vector<16x512xf32> to vector<16x1x512xf32>
      tpu.vector_store %arg8[%swap3A_1470, %swap3A_1471, %swap3A_1472], %swap3A_1475 {strides = array<i32>} : memref<16x32x512xf32, #tpu.memory_space<vmem>>, vector<16x1x512xf32>,
      %mul3A_1476 = arith.constant 32 : i32
      %mul3A_1477 = arith.muli %arg0, %mul3A_1476 : i32
      %add3A_1478 = arith.constant 23 : i32
      %add3A_1479 = arith.addi %mul3A_1477, %add3A_1478 : i32
      %convert_element_type3A_1480 = arith.truncf %select_n3A_1464 : vector<16x512xf32> to vector<16x512xbf16>
      %get3A_1481 = arith.constant 0 : index
      %get3A_1482 = arith.constant 0 : index
      %get3A_1483 = vector.load %arg6[%get3A_1481, %get3A_1482] : memref<512x1536xbf16, #tpu.memory_space<vmem>>, vector<512x1536xbf16>
      %dot_general3A_1484 = arith.constant dense<0.000000e+00> : vector<16x1536xf32>
      %dot_general3A_1485 = tpu.matmul %convert_element_type3A_1480, %get3A_1483, %dot_general3A_1484 {dimension_numbers = #tpu.dot_dimension_numbers<[1], [0], [0], [1], [0, 0, 1, 1], [], []>, transpose_lhs_hint = false} : vector<16x512xbf16>, vector<512x1536xbf16>, vector<16x1536xf32> -> vector<16x1536xf32>
      %get3A_1486 = arith.constant 0 : index
      %get3A_1487 = arith.constant 0 : index
      %get3A_1488 = vector.load %arg7[%get3A_1486, %get3A_1487] : memref<1x1536xf32, #tpu.memory_space<vmem>>, vector<1x1536xf32>
      %add3A_1489 = vector.broadcast %get3A_1488 : vector<1x1536xf32> to vector<16x1536xf32>
      %add3A_1490 = arith.addf %dot_general3A_1485, %add3A_1489 : vector<16x1536xf32>
      %get3A_1491 = arith.constant 368 : index
      %get3A_1492 = arith.constant 0 : index
      %get3A_1493 = vector.load %arg10[%get3A_1491, %get3A_1492] : memref<512x1536xf32, #tpu.memory_space<vmem>>, vector<16x1536xf32>
      %slice3A_1494 = vector.extract_strided_slice %get3A_1493 {offsets = [0, 0], sizes = [16, 512], strides = [1, 1]} : vector<16x1536xf32> to vector<16x512xf32>
      %slice3A_1495 = vector.extract_strided_slice %add3A_1490 {offsets = [0, 0], sizes = [16, 512], strides = [1, 1]} : vector<16x1536xf32> to vector<16x512xf32>
      %add3A_1496 = arith.addf %slice3A_1494, %slice3A_1495 : vector<16x512xf32>
      %logistic3A_1497 = arith.negf %add3A_1496 : vector<16x512xf32>
      %logistic3A_1498 = math.exp %logistic3A_1497 : vector<16x512xf32>
      %logistic3A_1499 = arith.constant 1.000000e+00 : f32
      %logistic3A_1500 = vector.broadcast %logistic3A_1499 : f32 to vector<16x512xf32>
      %logistic3A_1501 = arith.addf %logistic3A_1500, %logistic3A_1498 : vector<16x512xf32>
      %logistic3A_1502 = arith.divf %logistic3A_1500, %logistic3A_1501 : vector<16x512xf32>
      %slice3A_1503 = vector.extract_strided_slice %get3A_1493 {offsets = [0, 512], sizes = [16, 512], strides = [1, 1]} : vector<16x1536xf32> to vector<16x512xf32>
      %slice3A_1504 = vector.extract_strided_slice %add3A_1490 {offsets = [0, 512], sizes = [16, 512], strides = [1, 1]} : vector<16x1536xf32> to vector<16x512xf32>
      %add3A_1505 = arith.addf %slice3A_1503, %slice3A_1504 : vector<16x512xf32>
      %logistic3A_1506 = arith.negf %add3A_1505 : vector<16x512xf32>
      %logistic3A_1507 = math.exp %logistic3A_1506 : vector<16x512xf32>
      %logistic3A_1508 = arith.constant 1.000000e+00 : f32
      %logistic3A_1509 = vector.broadcast %logistic3A_1508 : f32 to vector<16x512xf32>
      %logistic3A_1510 = arith.addf %logistic3A_1509, %logistic3A_1507 : vector<16x512xf32>
      %logistic3A_1511 = arith.divf %logistic3A_1509, %logistic3A_1510 : vector<16x512xf32>
      %slice3A_1512 = vector.extract_strided_slice %get3A_1493 {offsets = [0, 1024], sizes = [16, 512], strides = [1, 1]} : vector<16x1536xf32> to vector<16x512xf32>
      %slice3A_1513 = vector.extract_strided_slice %add3A_1490 {offsets = [0, 1024], sizes = [16, 512], strides = [1, 1]} : vector<16x1536xf32> to vector<16x512xf32>
      %mul3A_1514 = arith.mulf %logistic3A_1502, %slice3A_1513 : vector<16x512xf32>
      %add3A_1515 = arith.addf %slice3A_1512, %mul3A_1514 : vector<16x512xf32>
      %tanh3A_1516 = math.tanh %add3A_1515 : vector<16x512xf32>
      %sub3A_1517 = arith.constant 1.000000e+00 : f32
      %sub3A_1518 = vector.broadcast %sub3A_1517 : f32 to vector<16x512xf32>
      %sub3A_1519 = arith.subf %sub3A_1518, %logistic3A_1511 : vector<16x512xf32>
      %mul3A_1520 = arith.mulf %sub3A_1519, %tanh3A_1516 : vector<16x512xf32>
      %mul3A_1521 = arith.mulf %logistic3A_1511, %select_n3A_1464 : vector<16x512xf32>
      %add3A_1522 = arith.addf %mul3A_1520, %mul3A_1521 : vector<16x512xf32>
      %lt3A_1523 = vector.broadcast %add3A_1479 : i32 to vector<16x1xi32>
      %lt3A_1524 = arith.cmpi slt, %lt3A_1523, %get3A_33 : vector<16x1xi32>
      %broadcast_in_dim3A_1525 = vector.shape_cast %lt3A_1524 : vector<16x1xi1> to vector<16x1xi1>
      %broadcast_in_dim3A_1526 = vector.broadcast %broadcast_in_dim3A_1525 : vector<16x1xi1> to vector<16x512xi1>
      %select_n3A_1527 = arith.select %broadcast_in_dim3A_1526, %add3A_1522, %select_n3A_1464 : vector<16x512xi1>, vector<16x512xf32>
      %jit3A_1528 = arith.constant 0.000000e+00 : f32
      %broadcast_in_dim3A_1529 = vector.shape_cast %lt3A_1524 : vector<16x1xi1> to vector<16x1xi1>
      %broadcast_in_dim3A_1530 = vector.broadcast %broadcast_in_dim3A_1529 : vector<16x1xi1> to vector<16x512xi1>
      %broadcast_in_dim3A_1531 = vector.broadcast %jit3A_1528 : f32 to vector<16x512xf32>
      %select_n3A_1532 = arith.select %broadcast_in_dim3A_1530, %add3A_1522, %broadcast_in_dim3A_1531 : vector<16x512xi1>, vector<16x512xf32>
      %swap3A_1533 = arith.constant 0 : index
      %swap3A_1534 = arith.constant 23 : index
      %swap3A_1535 = arith.constant 0 : index
      %swap3A_1536 = vector.load %arg8[%swap3A_1533, %swap3A_1534, %swap3A_1535] : memref<16x32x512xf32, #tpu.memory_space<vmem>>, vector<16x1x512xf32>
      %swap3A_1537 = vector.shape_cast %swap3A_1536 : vector<16x1x512xf32> to vector<16x512xf32>
      %swap3A_1538 = vector.shape_cast %select_n3A_1532 : vector<16x512xf32> to vector<16x1x512xf32>
      tpu.vector_store %arg8[%swap3A_1533, %swap3A_1534, %swap3A_1535], %swap3A_1538 {strides = array<i32>} : memref<16x32x512xf32, #tpu.memory_space<vmem>>, vector<16x1x512xf32>,
      %mul3A_1539 = arith.constant 32 : i32
      %mul3A_1540 = arith.muli %arg0, %mul3A_1539 : i32
      %add3A_1541 = arith.constant 24 : i32
      %add3A_1542 = arith.addi %mul3A_1540, %add3A_1541 : i32
      %convert_element_type3A_1543 = arith.truncf %select_n3A_1527 : vector<16x512xf32> to vector<16x512xbf16>
      %get3A_1544 = arith.constant 0 : index
      %get3A_1545 = arith.constant 0 : index
      %get3A_1546 = vector.load %arg6[%get3A_1544, %get3A_1545] : memref<512x1536xbf16, #tpu.memory_space<vmem>>, vector<512x1536xbf16>
      %dot_general3A_1547 = arith.constant dense<0.000000e+00> : vector<16x1536xf32>
      %dot_general3A_1548 = tpu.matmul %convert_element_type3A_1543, %get3A_1546, %dot_general3A_1547 {dimension_numbers = #tpu.dot_dimension_numbers<[1], [0], [0], [1], [0, 0, 1, 1], [], []>, transpose_lhs_hint = false} : vector<16x512xbf16>, vector<512x1536xbf16>, vector<16x1536xf32> -> vector<16x1536xf32>
      %get3A_1549 = arith.constant 0 : index
      %get3A_1550 = arith.constant 0 : index
      %get3A_1551 = vector.load %arg7[%get3A_1549, %get3A_1550] : memref<1x1536xf32, #tpu.memory_space<vmem>>, vector<1x1536xf32>
      %add3A_1552 = vector.broadcast %get3A_1551 : vector<1x1536xf32> to vector<16x1536xf32>
      %add3A_1553 = arith.addf %dot_general3A_1548, %add3A_1552 : vector<16x1536xf32>
      %get3A_1554 = arith.constant 384 : index
      %get3A_1555 = arith.constant 0 : index
      %get3A_1556 = vector.load %arg10[%get3A_1554, %get3A_1555] : memref<512x1536xf32, #tpu.memory_space<vmem>>, vector<16x1536xf32>
      %slice3A_1557 = vector.extract_strided_slice %get3A_1556 {offsets = [0, 0], sizes = [16, 512], strides = [1, 1]} : vector<16x1536xf32> to vector<16x512xf32>
      %slice3A_1558 = vector.extract_strided_slice %add3A_1553 {offsets = [0, 0], sizes = [16, 512], strides = [1, 1]} : vector<16x1536xf32> to vector<16x512xf32>
      %add3A_1559 = arith.addf %slice3A_1557, %slice3A_1558 : vector<16x512xf32>
      %logistic3A_1560 = arith.negf %add3A_1559 : vector<16x512xf32>
      %logistic3A_1561 = math.exp %logistic3A_1560 : vector<16x512xf32>
      %logistic3A_1562 = arith.constant 1.000000e+00 : f32
      %logistic3A_1563 = vector.broadcast %logistic3A_1562 : f32 to vector<16x512xf32>
      %logistic3A_1564 = arith.addf %logistic3A_1563, %logistic3A_1561 : vector<16x512xf32>
      %logistic3A_1565 = arith.divf %logistic3A_1563, %logistic3A_1564 : vector<16x512xf32>
      %slice3A_1566 = vector.extract_strided_slice %get3A_1556 {offsets = [0, 512], sizes = [16, 512], strides = [1, 1]} : vector<16x1536xf32> to vector<16x512xf32>
      %slice3A_1567 = vector.extract_strided_slice %add3A_1553 {offsets = [0, 512], sizes = [16, 512], strides = [1, 1]} : vector<16x1536xf32> to vector<16x512xf32>
      %add3A_1568 = arith.addf %slice3A_1566, %slice3A_1567 : vector<16x512xf32>
      %logistic3A_1569 = arith.negf %add3A_1568 : vector<16x512xf32>
      %logistic3A_1570 = math.exp %logistic3A_1569 : vector<16x512xf32>
      %logistic3A_1571 = arith.constant 1.000000e+00 : f32
      %logistic3A_1572 = vector.broadcast %logistic3A_1571 : f32 to vector<16x512xf32>
      %logistic3A_1573 = arith.addf %logistic3A_1572, %logistic3A_1570 : vector<16x512xf32>
      %logistic3A_1574 = arith.divf %logistic3A_1572, %logistic3A_1573 : vector<16x512xf32>
      %slice3A_1575 = vector.extract_strided_slice %get3A_1556 {offsets = [0, 1024], sizes = [16, 512], strides = [1, 1]} : vector<16x1536xf32> to vector<16x512xf32>
      %slice3A_1576 = vector.extract_strided_slice %add3A_1553 {offsets = [0, 1024], sizes = [16, 512], strides = [1, 1]} : vector<16x1536xf32> to vector<16x512xf32>
      %mul3A_1577 = arith.mulf %logistic3A_1565, %slice3A_1576 : vector<16x512xf32>
      %add3A_1578 = arith.addf %slice3A_1575, %mul3A_1577 : vector<16x512xf32>
      %tanh3A_1579 = math.tanh %add3A_1578 : vector<16x512xf32>
      %sub3A_1580 = arith.constant 1.000000e+00 : f32
      %sub3A_1581 = vector.broadcast %sub3A_1580 : f32 to vector<16x512xf32>
      %sub3A_1582 = arith.subf %sub3A_1581, %logistic3A_1574 : vector<16x512xf32>
      %mul3A_1583 = arith.mulf %sub3A_1582, %tanh3A_1579 : vector<16x512xf32>
      %mul3A_1584 = arith.mulf %logistic3A_1574, %select_n3A_1527 : vector<16x512xf32>
      %add3A_1585 = arith.addf %mul3A_1583, %mul3A_1584 : vector<16x512xf32>
      %lt3A_1586 = vector.broadcast %add3A_1542 : i32 to vector<16x1xi32>
      %lt3A_1587 = arith.cmpi slt, %lt3A_1586, %get3A_33 : vector<16x1xi32>
      %broadcast_in_dim3A_1588 = vector.shape_cast %lt3A_1587 : vector<16x1xi1> to vector<16x1xi1>
      %broadcast_in_dim3A_1589 = vector.broadcast %broadcast_in_dim3A_1588 : vector<16x1xi1> to vector<16x512xi1>
      %select_n3A_1590 = arith.select %broadcast_in_dim3A_1589, %add3A_1585, %select_n3A_1527 : vector<16x512xi1>, vector<16x512xf32>
      %jit3A_1591 = arith.constant 0.000000e+00 : f32
      %broadcast_in_dim3A_1592 = vector.shape_cast %lt3A_1587 : vector<16x1xi1> to vector<16x1xi1>
      %broadcast_in_dim3A_1593 = vector.broadcast %broadcast_in_dim3A_1592 : vector<16x1xi1> to vector<16x512xi1>
      %broadcast_in_dim3A_1594 = vector.broadcast %jit3A_1591 : f32 to vector<16x512xf32>
      %select_n3A_1595 = arith.select %broadcast_in_dim3A_1593, %add3A_1585, %broadcast_in_dim3A_1594 : vector<16x512xi1>, vector<16x512xf32>
      %swap3A_1596 = arith.constant 0 : index
      %swap3A_1597 = arith.constant 24 : index
      %swap3A_1598 = arith.constant 0 : index
      %swap3A_1599 = vector.load %arg8[%swap3A_1596, %swap3A_1597, %swap3A_1598] : memref<16x32x512xf32, #tpu.memory_space<vmem>>, vector<16x1x512xf32>
      %swap3A_1600 = vector.shape_cast %swap3A_1599 : vector<16x1x512xf32> to vector<16x512xf32>
      %swap3A_1601 = vector.shape_cast %select_n3A_1595 : vector<16x512xf32> to vector<16x1x512xf32>
      tpu.vector_store %arg8[%swap3A_1596, %swap3A_1597, %swap3A_1598], %swap3A_1601 {strides = array<i32>} : memref<16x32x512xf32, #tpu.memory_space<vmem>>, vector<16x1x512xf32>,
      %mul3A_1602 = arith.constant 32 : i32
      %mul3A_1603 = arith.muli %arg0, %mul3A_1602 : i32
      %add3A_1604 = arith.constant 25 : i32
      %add3A_1605 = arith.addi %mul3A_1603, %add3A_1604 : i32
      %convert_element_type3A_1606 = arith.truncf %select_n3A_1590 : vector<16x512xf32> to vector<16x512xbf16>
      %get3A_1607 = arith.constant 0 : index
      %get3A_1608 = arith.constant 0 : index
      %get3A_1609 = vector.load %arg6[%get3A_1607, %get3A_1608] : memref<512x1536xbf16, #tpu.memory_space<vmem>>, vector<512x1536xbf16>
      %dot_general3A_1610 = arith.constant dense<0.000000e+00> : vector<16x1536xf32>
      %dot_general3A_1611 = tpu.matmul %convert_element_type3A_1606, %get3A_1609, %dot_general3A_1610 {dimension_numbers = #tpu.dot_dimension_numbers<[1], [0], [0], [1], [0, 0, 1, 1], [], []>, transpose_lhs_hint = false} : vector<16x512xbf16>, vector<512x1536xbf16>, vector<16x1536xf32> -> vector<16x1536xf32>
      %get3A_1612 = arith.constant 0 : index
      %get3A_1613 = arith.constant 0 : index
      %get3A_1614 = vector.load %arg7[%get3A_1612, %get3A_1613] : memref<1x1536xf32, #tpu.memory_space<vmem>>, vector<1x1536xf32>
      %add3A_1615 = vector.broadcast %get3A_1614 : vector<1x1536xf32> to vector<16x1536xf32>
      %add3A_1616 = arith.addf %dot_general3A_1611, %add3A_1615 : vector<16x1536xf32>
      %get3A_1617 = arith.constant 400 : index
      %get3A_1618 = arith.constant 0 : index
      %get3A_1619 = vector.load %arg10[%get3A_1617, %get3A_1618] : memref<512x1536xf32, #tpu.memory_space<vmem>>, vector<16x1536xf32>
      %slice3A_1620 = vector.extract_strided_slice %get3A_1619 {offsets = [0, 0], sizes = [16, 512], strides = [1, 1]} : vector<16x1536xf32> to vector<16x512xf32>
      %slice3A_1621 = vector.extract_strided_slice %add3A_1616 {offsets = [0, 0], sizes = [16, 512], strides = [1, 1]} : vector<16x1536xf32> to vector<16x512xf32>
      %add3A_1622 = arith.addf %slice3A_1620, %slice3A_1621 : vector<16x512xf32>
      %logistic3A_1623 = arith.negf %add3A_1622 : vector<16x512xf32>
      %logistic3A_1624 = math.exp %logistic3A_1623 : vector<16x512xf32>
      %logistic3A_1625 = arith.constant 1.000000e+00 : f32
      %logistic3A_1626 = vector.broadcast %logistic3A_1625 : f32 to vector<16x512xf32>
      %logistic3A_1627 = arith.addf %logistic3A_1626, %logistic3A_1624 : vector<16x512xf32>
      %logistic3A_1628 = arith.divf %logistic3A_1626, %logistic3A_1627 : vector<16x512xf32>
      %slice3A_1629 = vector.extract_strided_slice %get3A_1619 {offsets = [0, 512], sizes = [16, 512], strides = [1, 1]} : vector<16x1536xf32> to vector<16x512xf32>
      %slice3A_1630 = vector.extract_strided_slice %add3A_1616 {offsets = [0, 512], sizes = [16, 512], strides = [1, 1]} : vector<16x1536xf32> to vector<16x512xf32>
      %add3A_1631 = arith.addf %slice3A_1629, %slice3A_1630 : vector<16x512xf32>
      %logistic3A_1632 = arith.negf %add3A_1631 : vector<16x512xf32>
      %logistic3A_1633 = math.exp %logistic3A_1632 : vector<16x512xf32>
      %logistic3A_1634 = arith.constant 1.000000e+00 : f32
      %logistic3A_1635 = vector.broadcast %logistic3A_1634 : f32 to vector<16x512xf32>
      %logistic3A_1636 = arith.addf %logistic3A_1635, %logistic3A_1633 : vector<16x512xf32>
      %logistic3A_1637 = arith.divf %logistic3A_1635, %logistic3A_1636 : vector<16x512xf32>
      %slice3A_1638 = vector.extract_strided_slice %get3A_1619 {offsets = [0, 1024], sizes = [16, 512], strides = [1, 1]} : vector<16x1536xf32> to vector<16x512xf32>
      %slice3A_1639 = vector.extract_strided_slice %add3A_1616 {offsets = [0, 1024], sizes = [16, 512], strides = [1, 1]} : vector<16x1536xf32> to vector<16x512xf32>
      %mul3A_1640 = arith.mulf %logistic3A_1628, %slice3A_1639 : vector<16x512xf32>
      %add3A_1641 = arith.addf %slice3A_1638, %mul3A_1640 : vector<16x512xf32>
      %tanh3A_1642 = math.tanh %add3A_1641 : vector<16x512xf32>
      %sub3A_1643 = arith.constant 1.000000e+00 : f32
      %sub3A_1644 = vector.broadcast %sub3A_1643 : f32 to vector<16x512xf32>
      %sub3A_1645 = arith.subf %sub3A_1644, %logistic3A_1637 : vector<16x512xf32>
      %mul3A_1646 = arith.mulf %sub3A_1645, %tanh3A_1642 : vector<16x512xf32>
      %mul3A_1647 = arith.mulf %logistic3A_1637, %select_n3A_1590 : vector<16x512xf32>
      %add3A_1648 = arith.addf %mul3A_1646, %mul3A_1647 : vector<16x512xf32>
      %lt3A_1649 = vector.broadcast %add3A_1605 : i32 to vector<16x1xi32>
      %lt3A_1650 = arith.cmpi slt, %lt3A_1649, %get3A_33 : vector<16x1xi32>
      %broadcast_in_dim3A_1651 = vector.shape_cast %lt3A_1650 : vector<16x1xi1> to vector<16x1xi1>
      %broadcast_in_dim3A_1652 = vector.broadcast %broadcast_in_dim3A_1651 : vector<16x1xi1> to vector<16x512xi1>
      %select_n3A_1653 = arith.select %broadcast_in_dim3A_1652, %add3A_1648, %select_n3A_1590 : vector<16x512xi1>, vector<16x512xf32>
      %jit3A_1654 = arith.constant 0.000000e+00 : f32
      %broadcast_in_dim3A_1655 = vector.shape_cast %lt3A_1650 : vector<16x1xi1> to vector<16x1xi1>
      %broadcast_in_dim3A_1656 = vector.broadcast %broadcast_in_dim3A_1655 : vector<16x1xi1> to vector<16x512xi1>
      %broadcast_in_dim3A_1657 = vector.broadcast %jit3A_1654 : f32 to vector<16x512xf32>
      %select_n3A_1658 = arith.select %broadcast_in_dim3A_1656, %add3A_1648, %broadcast_in_dim3A_1657 : vector<16x512xi1>, vector<16x512xf32>
      %swap3A_1659 = arith.constant 0 : index
      %swap3A_1660 = arith.constant 25 : index
      %swap3A_1661 = arith.constant 0 : index
      %swap3A_1662 = vector.load %arg8[%swap3A_1659, %swap3A_1660, %swap3A_1661] : memref<16x32x512xf32, #tpu.memory_space<vmem>>, vector<16x1x512xf32>
      %swap3A_1663 = vector.shape_cast %swap3A_1662 : vector<16x1x512xf32> to vector<16x512xf32>
      %swap3A_1664 = vector.shape_cast %select_n3A_1658 : vector<16x512xf32> to vector<16x1x512xf32>
      tpu.vector_store %arg8[%swap3A_1659, %swap3A_1660, %swap3A_1661], %swap3A_1664 {strides = array<i32>} : memref<16x32x512xf32, #tpu.memory_space<vmem>>, vector<16x1x512xf32>,
      %mul3A_1665 = arith.constant 32 : i32
      %mul3A_1666 = arith.muli %arg0, %mul3A_1665 : i32
      %add3A_1667 = arith.constant 26 : i32
      %add3A_1668 = arith.addi %mul3A_1666, %add3A_1667 : i32
      %convert_element_type3A_1669 = arith.truncf %select_n3A_1653 : vector<16x512xf32> to vector<16x512xbf16>
      %get3A_1670 = arith.constant 0 : index
      %get3A_1671 = arith.constant 0 : index
      %get3A_1672 = vector.load %arg6[%get3A_1670, %get3A_1671] : memref<512x1536xbf16, #tpu.memory_space<vmem>>, vector<512x1536xbf16>
      %dot_general3A_1673 = arith.constant dense<0.000000e+00> : vector<16x1536xf32>
      %dot_general3A_1674 = tpu.matmul %convert_element_type3A_1669, %get3A_1672, %dot_general3A_1673 {dimension_numbers = #tpu.dot_dimension_numbers<[1], [0], [0], [1], [0, 0, 1, 1], [], []>, transpose_lhs_hint = false} : vector<16x512xbf16>, vector<512x1536xbf16>, vector<16x1536xf32> -> vector<16x1536xf32>
      %get3A_1675 = arith.constant 0 : index
      %get3A_1676 = arith.constant 0 : index
      %get3A_1677 = vector.load %arg7[%get3A_1675, %get3A_1676] : memref<1x1536xf32, #tpu.memory_space<vmem>>, vector<1x1536xf32>
      %add3A_1678 = vector.broadcast %get3A_1677 : vector<1x1536xf32> to vector<16x1536xf32>
      %add3A_1679 = arith.addf %dot_general3A_1674, %add3A_1678 : vector<16x1536xf32>
      %get3A_1680 = arith.constant 416 : index
      %get3A_1681 = arith.constant 0 : index
      %get3A_1682 = vector.load %arg10[%get3A_1680, %get3A_1681] : memref<512x1536xf32, #tpu.memory_space<vmem>>, vector<16x1536xf32>
      %slice3A_1683 = vector.extract_strided_slice %get3A_1682 {offsets = [0, 0], sizes = [16, 512], strides = [1, 1]} : vector<16x1536xf32> to vector<16x512xf32>
      %slice3A_1684 = vector.extract_strided_slice %add3A_1679 {offsets = [0, 0], sizes = [16, 512], strides = [1, 1]} : vector<16x1536xf32> to vector<16x512xf32>
      %add3A_1685 = arith.addf %slice3A_1683, %slice3A_1684 : vector<16x512xf32>
      %logistic3A_1686 = arith.negf %add3A_1685 : vector<16x512xf32>
      %logistic3A_1687 = math.exp %logistic3A_1686 : vector<16x512xf32>
      %logistic3A_1688 = arith.constant 1.000000e+00 : f32
      %logistic3A_1689 = vector.broadcast %logistic3A_1688 : f32 to vector<16x512xf32>
      %logistic3A_1690 = arith.addf %logistic3A_1689, %logistic3A_1687 : vector<16x512xf32>
      %logistic3A_1691 = arith.divf %logistic3A_1689, %logistic3A_1690 : vector<16x512xf32>
      %slice3A_1692 = vector.extract_strided_slice %get3A_1682 {offsets = [0, 512], sizes = [16, 512], strides = [1, 1]} : vector<16x1536xf32> to vector<16x512xf32>
      %slice3A_1693 = vector.extract_strided_slice %add3A_1679 {offsets = [0, 512], sizes = [16, 512], strides = [1, 1]} : vector<16x1536xf32> to vector<16x512xf32>
      %add3A_1694 = arith.addf %slice3A_1692, %slice3A_1693 : vector<16x512xf32>
      %logistic3A_1695 = arith.negf %add3A_1694 : vector<16x512xf32>
      %logistic3A_1696 = math.exp %logistic3A_1695 : vector<16x512xf32>
      %logistic3A_1697 = arith.constant 1.000000e+00 : f32
      %logistic3A_1698 = vector.broadcast %logistic3A_1697 : f32 to vector<16x512xf32>
      %logistic3A_1699 = arith.addf %logistic3A_1698, %logistic3A_1696 : vector<16x512xf32>
      %logistic3A_1700 = arith.divf %logistic3A_1698, %logistic3A_1699 : vector<16x512xf32>
      %slice3A_1701 = vector.extract_strided_slice %get3A_1682 {offsets = [0, 1024], sizes = [16, 512], strides = [1, 1]} : vector<16x1536xf32> to vector<16x512xf32>
      %slice3A_1702 = vector.extract_strided_slice %add3A_1679 {offsets = [0, 1024], sizes = [16, 512], strides = [1, 1]} : vector<16x1536xf32> to vector<16x512xf32>
      %mul3A_1703 = arith.mulf %logistic3A_1691, %slice3A_1702 : vector<16x512xf32>
      %add3A_1704 = arith.addf %slice3A_1701, %mul3A_1703 : vector<16x512xf32>
      %tanh3A_1705 = math.tanh %add3A_1704 : vector<16x512xf32>
      %sub3A_1706 = arith.constant 1.000000e+00 : f32
      %sub3A_1707 = vector.broadcast %sub3A_1706 : f32 to vector<16x512xf32>
      %sub3A_1708 = arith.subf %sub3A_1707, %logistic3A_1700 : vector<16x512xf32>
      %mul3A_1709 = arith.mulf %sub3A_1708, %tanh3A_1705 : vector<16x512xf32>
      %mul3A_1710 = arith.mulf %logistic3A_1700, %select_n3A_1653 : vector<16x512xf32>
      %add3A_1711 = arith.addf %mul3A_1709, %mul3A_1710 : vector<16x512xf32>
      %lt3A_1712 = vector.broadcast %add3A_1668 : i32 to vector<16x1xi32>
      %lt3A_1713 = arith.cmpi slt, %lt3A_1712, %get3A_33 : vector<16x1xi32>
      %broadcast_in_dim3A_1714 = vector.shape_cast %lt3A_1713 : vector<16x1xi1> to vector<16x1xi1>
      %broadcast_in_dim3A_1715 = vector.broadcast %broadcast_in_dim3A_1714 : vector<16x1xi1> to vector<16x512xi1>
      %select_n3A_1716 = arith.select %broadcast_in_dim3A_1715, %add3A_1711, %select_n3A_1653 : vector<16x512xi1>, vector<16x512xf32>
      %jit3A_1717 = arith.constant 0.000000e+00 : f32
      %broadcast_in_dim3A_1718 = vector.shape_cast %lt3A_1713 : vector<16x1xi1> to vector<16x1xi1>
      %broadcast_in_dim3A_1719 = vector.broadcast %broadcast_in_dim3A_1718 : vector<16x1xi1> to vector<16x512xi1>
      %broadcast_in_dim3A_1720 = vector.broadcast %jit3A_1717 : f32 to vector<16x512xf32>
      %select_n3A_1721 = arith.select %broadcast_in_dim3A_1719, %add3A_1711, %broadcast_in_dim3A_1720 : vector<16x512xi1>, vector<16x512xf32>
      %swap3A_1722 = arith.constant 0 : index
      %swap3A_1723 = arith.constant 26 : index
      %swap3A_1724 = arith.constant 0 : index
      %swap3A_1725 = vector.load %arg8[%swap3A_1722, %swap3A_1723, %swap3A_1724] : memref<16x32x512xf32, #tpu.memory_space<vmem>>, vector<16x1x512xf32>
      %swap3A_1726 = vector.shape_cast %swap3A_1725 : vector<16x1x512xf32> to vector<16x512xf32>
      %swap3A_1727 = vector.shape_cast %select_n3A_1721 : vector<16x512xf32> to vector<16x1x512xf32>
      tpu.vector_store %arg8[%swap3A_1722, %swap3A_1723, %swap3A_1724], %swap3A_1727 {strides = array<i32>} : memref<16x32x512xf32, #tpu.memory_space<vmem>>, vector<16x1x512xf32>,
      %mul3A_1728 = arith.constant 32 : i32
      %mul3A_1729 = arith.muli %arg0, %mul3A_1728 : i32
      %add3A_1730 = arith.constant 27 : i32
      %add3A_1731 = arith.addi %mul3A_1729, %add3A_1730 : i32
      %convert_element_type3A_1732 = arith.truncf %select_n3A_1716 : vector<16x512xf32> to vector<16x512xbf16>
      %get3A_1733 = arith.constant 0 : index
      %get3A_1734 = arith.constant 0 : index
      %get3A_1735 = vector.load %arg6[%get3A_1733, %get3A_1734] : memref<512x1536xbf16, #tpu.memory_space<vmem>>, vector<512x1536xbf16>
      %dot_general3A_1736 = arith.constant dense<0.000000e+00> : vector<16x1536xf32>
      %dot_general3A_1737 = tpu.matmul %convert_element_type3A_1732, %get3A_1735, %dot_general3A_1736 {dimension_numbers = #tpu.dot_dimension_numbers<[1], [0], [0], [1], [0, 0, 1, 1], [], []>, transpose_lhs_hint = false} : vector<16x512xbf16>, vector<512x1536xbf16>, vector<16x1536xf32> -> vector<16x1536xf32>
      %get3A_1738 = arith.constant 0 : index
      %get3A_1739 = arith.constant 0 : index
      %get3A_1740 = vector.load %arg7[%get3A_1738, %get3A_1739] : memref<1x1536xf32, #tpu.memory_space<vmem>>, vector<1x1536xf32>
      %add3A_1741 = vector.broadcast %get3A_1740 : vector<1x1536xf32> to vector<16x1536xf32>
      %add3A_1742 = arith.addf %dot_general3A_1737, %add3A_1741 : vector<16x1536xf32>
      %get3A_1743 = arith.constant 432 : index
      %get3A_1744 = arith.constant 0 : index
      %get3A_1745 = vector.load %arg10[%get3A_1743, %get3A_1744] : memref<512x1536xf32, #tpu.memory_space<vmem>>, vector<16x1536xf32>
      %slice3A_1746 = vector.extract_strided_slice %get3A_1745 {offsets = [0, 0], sizes = [16, 512], strides = [1, 1]} : vector<16x1536xf32> to vector<16x512xf32>
      %slice3A_1747 = vector.extract_strided_slice %add3A_1742 {offsets = [0, 0], sizes = [16, 512], strides = [1, 1]} : vector<16x1536xf32> to vector<16x512xf32>
      %add3A_1748 = arith.addf %slice3A_1746, %slice3A_1747 : vector<16x512xf32>
      %logistic3A_1749 = arith.negf %add3A_1748 : vector<16x512xf32>
      %logistic3A_1750 = math.exp %logistic3A_1749 : vector<16x512xf32>
      %logistic3A_1751 = arith.constant 1.000000e+00 : f32
      %logistic3A_1752 = vector.broadcast %logistic3A_1751 : f32 to vector<16x512xf32>
      %logistic3A_1753 = arith.addf %logistic3A_1752, %logistic3A_1750 : vector<16x512xf32>
      %logistic3A_1754 = arith.divf %logistic3A_1752, %logistic3A_1753 : vector<16x512xf32>
      %slice3A_1755 = vector.extract_strided_slice %get3A_1745 {offsets = [0, 512], sizes = [16, 512], strides = [1, 1]} : vector<16x1536xf32> to vector<16x512xf32>
      %slice3A_1756 = vector.extract_strided_slice %add3A_1742 {offsets = [0, 512], sizes = [16, 512], strides = [1, 1]} : vector<16x1536xf32> to vector<16x512xf32>
      %add3A_1757 = arith.addf %slice3A_1755, %slice3A_1756 : vector<16x512xf32>
      %logistic3A_1758 = arith.negf %add3A_1757 : vector<16x512xf32>
      %logistic3A_1759 = math.exp %logistic3A_1758 : vector<16x512xf32>
      %logistic3A_1760 = arith.constant 1.000000e+00 : f32
      %logistic3A_1761 = vector.broadcast %logistic3A_1760 : f32 to vector<16x512xf32>
      %logistic3A_1762 = arith.addf %logistic3A_1761, %logistic3A_1759 : vector<16x512xf32>
      %logistic3A_1763 = arith.divf %logistic3A_1761, %logistic3A_1762 : vector<16x512xf32>
      %slice3A_1764 = vector.extract_strided_slice %get3A_1745 {offsets = [0, 1024], sizes = [16, 512], strides = [1, 1]} : vector<16x1536xf32> to vector<16x512xf32>
      %slice3A_1765 = vector.extract_strided_slice %add3A_1742 {offsets = [0, 1024], sizes = [16, 512], strides = [1, 1]} : vector<16x1536xf32> to vector<16x512xf32>
      %mul3A_1766 = arith.mulf %logistic3A_1754, %slice3A_1765 : vector<16x512xf32>
      %add3A_1767 = arith.addf %slice3A_1764, %mul3A_1766 : vector<16x512xf32>
      %tanh3A_1768 = math.tanh %add3A_1767 : vector<16x512xf32>
      %sub3A_1769 = arith.constant 1.000000e+00 : f32
      %sub3A_1770 = vector.broadcast %sub3A_1769 : f32 to vector<16x512xf32>
      %sub3A_1771 = arith.subf %sub3A_1770, %logistic3A_1763 : vector<16x512xf32>
      %mul3A_1772 = arith.mulf %sub3A_1771, %tanh3A_1768 : vector<16x512xf32>
      %mul3A_1773 = arith.mulf %logistic3A_1763, %select_n3A_1716 : vector<16x512xf32>
      %add3A_1774 = arith.addf %mul3A_1772, %mul3A_1773 : vector<16x512xf32>
      %lt3A_1775 = vector.broadcast %add3A_1731 : i32 to vector<16x1xi32>
      %lt3A_1776 = arith.cmpi slt, %lt3A_1775, %get3A_33 : vector<16x1xi32>
      %broadcast_in_dim3A_1777 = vector.shape_cast %lt3A_1776 : vector<16x1xi1> to vector<16x1xi1>
      %broadcast_in_dim3A_1778 = vector.broadcast %broadcast_in_dim3A_1777 : vector<16x1xi1> to vector<16x512xi1>
      %select_n3A_1779 = arith.select %broadcast_in_dim3A_1778, %add3A_1774, %select_n3A_1716 : vector<16x512xi1>, vector<16x512xf32>
      %jit3A_1780 = arith.constant 0.000000e+00 : f32
      %broadcast_in_dim3A_1781 = vector.shape_cast %lt3A_1776 : vector<16x1xi1> to vector<16x1xi1>
      %broadcast_in_dim3A_1782 = vector.broadcast %broadcast_in_dim3A_1781 : vector<16x1xi1> to vector<16x512xi1>
      %broadcast_in_dim3A_1783 = vector.broadcast %jit3A_1780 : f32 to vector<16x512xf32>
      %select_n3A_1784 = arith.select %broadcast_in_dim3A_1782, %add3A_1774, %broadcast_in_dim3A_1783 : vector<16x512xi1>, vector<16x512xf32>
      %swap3A_1785 = arith.constant 0 : index
      %swap3A_1786 = arith.constant 27 : index
      %swap3A_1787 = arith.constant 0 : index
      %swap3A_1788 = vector.load %arg8[%swap3A_1785, %swap3A_1786, %swap3A_1787] : memref<16x32x512xf32, #tpu.memory_space<vmem>>, vector<16x1x512xf32>
      %swap3A_1789 = vector.shape_cast %swap3A_1788 : vector<16x1x512xf32> to vector<16x512xf32>
      %swap3A_1790 = vector.shape_cast %select_n3A_1784 : vector<16x512xf32> to vector<16x1x512xf32>
      tpu.vector_store %arg8[%swap3A_1785, %swap3A_1786, %swap3A_1787], %swap3A_1790 {strides = array<i32>} : memref<16x32x512xf32, #tpu.memory_space<vmem>>, vector<16x1x512xf32>,
      %mul3A_1791 = arith.constant 32 : i32
      %mul3A_1792 = arith.muli %arg0, %mul3A_1791 : i32
      %add3A_1793 = arith.constant 28 : i32
      %add3A_1794 = arith.addi %mul3A_1792, %add3A_1793 : i32
      %convert_element_type3A_1795 = arith.truncf %select_n3A_1779 : vector<16x512xf32> to vector<16x512xbf16>
      %get3A_1796 = arith.constant 0 : index
      %get3A_1797 = arith.constant 0 : index
      %get3A_1798 = vector.load %arg6[%get3A_1796, %get3A_1797] : memref<512x1536xbf16, #tpu.memory_space<vmem>>, vector<512x1536xbf16>
      %dot_general3A_1799 = arith.constant dense<0.000000e+00> : vector<16x1536xf32>
      %dot_general3A_1800 = tpu.matmul %convert_element_type3A_1795, %get3A_1798, %dot_general3A_1799 {dimension_numbers = #tpu.dot_dimension_numbers<[1], [0], [0], [1], [0, 0, 1, 1], [], []>, transpose_lhs_hint = false} : vector<16x512xbf16>, vector<512x1536xbf16>, vector<16x1536xf32> -> vector<16x1536xf32>
      %get3A_1801 = arith.constant 0 : index
      %get3A_1802 = arith.constant 0 : index
      %get3A_1803 = vector.load %arg7[%get3A_1801, %get3A_1802] : memref<1x1536xf32, #tpu.memory_space<vmem>>, vector<1x1536xf32>
      %add3A_1804 = vector.broadcast %get3A_1803 : vector<1x1536xf32> to vector<16x1536xf32>
      %add3A_1805 = arith.addf %dot_general3A_1800, %add3A_1804 : vector<16x1536xf32>
      %get3A_1806 = arith.constant 448 : index
      %get3A_1807 = arith.constant 0 : index
      %get3A_1808 = vector.load %arg10[%get3A_1806, %get3A_1807] : memref<512x1536xf32, #tpu.memory_space<vmem>>, vector<16x1536xf32>
      %slice3A_1809 = vector.extract_strided_slice %get3A_1808 {offsets = [0, 0], sizes = [16, 512], strides = [1, 1]} : vector<16x1536xf32> to vector<16x512xf32>
      %slice3A_1810 = vector.extract_strided_slice %add3A_1805 {offsets = [0, 0], sizes = [16, 512], strides = [1, 1]} : vector<16x1536xf32> to vector<16x512xf32>
      %add3A_1811 = arith.addf %slice3A_1809, %slice3A_1810 : vector<16x512xf32>
      %logistic3A_1812 = arith.negf %add3A_1811 : vector<16x512xf32>
      %logistic3A_1813 = math.exp %logistic3A_1812 : vector<16x512xf32>
      %logistic3A_1814 = arith.constant 1.000000e+00 : f32
      %logistic3A_1815 = vector.broadcast %logistic3A_1814 : f32 to vector<16x512xf32>
      %logistic3A_1816 = arith.addf %logistic3A_1815, %logistic3A_1813 : vector<16x512xf32>
      %logistic3A_1817 = arith.divf %logistic3A_1815, %logistic3A_1816 : vector<16x512xf32>
      %slice3A_1818 = vector.extract_strided_slice %get3A_1808 {offsets = [0, 512], sizes = [16, 512], strides = [1, 1]} : vector<16x1536xf32> to vector<16x512xf32>
      %slice3A_1819 = vector.extract_strided_slice %add3A_1805 {offsets = [0, 512], sizes = [16, 512], strides = [1, 1]} : vector<16x1536xf32> to vector<16x512xf32>
      %add3A_1820 = arith.addf %slice3A_1818, %slice3A_1819 : vector<16x512xf32>
      %logistic3A_1821 = arith.negf %add3A_1820 : vector<16x512xf32>
      %logistic3A_1822 = math.exp %logistic3A_1821 : vector<16x512xf32>
      %logistic3A_1823 = arith.constant 1.000000e+00 : f32
      %logistic3A_1824 = vector.broadcast %logistic3A_1823 : f32 to vector<16x512xf32>
      %logistic3A_1825 = arith.addf %logistic3A_1824, %logistic3A_1822 : vector<16x512xf32>
      %logistic3A_1826 = arith.divf %logistic3A_1824, %logistic3A_1825 : vector<16x512xf32>
      %slice3A_1827 = vector.extract_strided_slice %get3A_1808 {offsets = [0, 1024], sizes = [16, 512], strides = [1, 1]} : vector<16x1536xf32> to vector<16x512xf32>
      %slice3A_1828 = vector.extract_strided_slice %add3A_1805 {offsets = [0, 1024], sizes = [16, 512], strides = [1, 1]} : vector<16x1536xf32> to vector<16x512xf32>
      %mul3A_1829 = arith.mulf %logistic3A_1817, %slice3A_1828 : vector<16x512xf32>
      %add3A_1830 = arith.addf %slice3A_1827, %mul3A_1829 : vector<16x512xf32>
      %tanh3A_1831 = math.tanh %add3A_1830 : vector<16x512xf32>
      %sub3A_1832 = arith.constant 1.000000e+00 : f32
      %sub3A_1833 = vector.broadcast %sub3A_1832 : f32 to vector<16x512xf32>
      %sub3A_1834 = arith.subf %sub3A_1833, %logistic3A_1826 : vector<16x512xf32>
      %mul3A_1835 = arith.mulf %sub3A_1834, %tanh3A_1831 : vector<16x512xf32>
      %mul3A_1836 = arith.mulf %logistic3A_1826, %select_n3A_1779 : vector<16x512xf32>
      %add3A_1837 = arith.addf %mul3A_1835, %mul3A_1836 : vector<16x512xf32>
      %lt3A_1838 = vector.broadcast %add3A_1794 : i32 to vector<16x1xi32>
      %lt3A_1839 = arith.cmpi slt, %lt3A_1838, %get3A_33 : vector<16x1xi32>
      %broadcast_in_dim3A_1840 = vector.shape_cast %lt3A_1839 : vector<16x1xi1> to vector<16x1xi1>
      %broadcast_in_dim3A_1841 = vector.broadcast %broadcast_in_dim3A_1840 : vector<16x1xi1> to vector<16x512xi1>
      %select_n3A_1842 = arith.select %broadcast_in_dim3A_1841, %add3A_1837, %select_n3A_1779 : vector<16x512xi1>, vector<16x512xf32>
      %jit3A_1843 = arith.constant 0.000000e+00 : f32
      %broadcast_in_dim3A_1844 = vector.shape_cast %lt3A_1839 : vector<16x1xi1> to vector<16x1xi1>
      %broadcast_in_dim3A_1845 = vector.broadcast %broadcast_in_dim3A_1844 : vector<16x1xi1> to vector<16x512xi1>
      %broadcast_in_dim3A_1846 = vector.broadcast %jit3A_1843 : f32 to vector<16x512xf32>
      %select_n3A_1847 = arith.select %broadcast_in_dim3A_1845, %add3A_1837, %broadcast_in_dim3A_1846 : vector<16x512xi1>, vector<16x512xf32>
      %swap3A_1848 = arith.constant 0 : index
      %swap3A_1849 = arith.constant 28 : index
      %swap3A_1850 = arith.constant 0 : index
      %swap3A_1851 = vector.load %arg8[%swap3A_1848, %swap3A_1849, %swap3A_1850] : memref<16x32x512xf32, #tpu.memory_space<vmem>>, vector<16x1x512xf32>
      %swap3A_1852 = vector.shape_cast %swap3A_1851 : vector<16x1x512xf32> to vector<16x512xf32>
      %swap3A_1853 = vector.shape_cast %select_n3A_1847 : vector<16x512xf32> to vector<16x1x512xf32>
      tpu.vector_store %arg8[%swap3A_1848, %swap3A_1849, %swap3A_1850], %swap3A_1853 {strides = array<i32>} : memref<16x32x512xf32, #tpu.memory_space<vmem>>, vector<16x1x512xf32>,
      %mul3A_1854 = arith.constant 32 : i32
      %mul3A_1855 = arith.muli %arg0, %mul3A_1854 : i32
      %add3A_1856 = arith.constant 29 : i32
      %add3A_1857 = arith.addi %mul3A_1855, %add3A_1856 : i32
      %convert_element_type3A_1858 = arith.truncf %select_n3A_1842 : vector<16x512xf32> to vector<16x512xbf16>
      %get3A_1859 = arith.constant 0 : index
      %get3A_1860 = arith.constant 0 : index
      %get3A_1861 = vector.load %arg6[%get3A_1859, %get3A_1860] : memref<512x1536xbf16, #tpu.memory_space<vmem>>, vector<512x1536xbf16>
      %dot_general3A_1862 = arith.constant dense<0.000000e+00> : vector<16x1536xf32>
      %dot_general3A_1863 = tpu.matmul %convert_element_type3A_1858, %get3A_1861, %dot_general3A_1862 {dimension_numbers = #tpu.dot_dimension_numbers<[1], [0], [0], [1], [0, 0, 1, 1], [], []>, transpose_lhs_hint = false} : vector<16x512xbf16>, vector<512x1536xbf16>, vector<16x1536xf32> -> vector<16x1536xf32>
      %get3A_1864 = arith.constant 0 : index
      %get3A_1865 = arith.constant 0 : index
      %get3A_1866 = vector.load %arg7[%get3A_1864, %get3A_1865] : memref<1x1536xf32, #tpu.memory_space<vmem>>, vector<1x1536xf32>
      %add3A_1867 = vector.broadcast %get3A_1866 : vector<1x1536xf32> to vector<16x1536xf32>
      %add3A_1868 = arith.addf %dot_general3A_1863, %add3A_1867 : vector<16x1536xf32>
      %get3A_1869 = arith.constant 464 : index
      %get3A_1870 = arith.constant 0 : index
      %get3A_1871 = vector.load %arg10[%get3A_1869, %get3A_1870] : memref<512x1536xf32, #tpu.memory_space<vmem>>, vector<16x1536xf32>
      %slice3A_1872 = vector.extract_strided_slice %get3A_1871 {offsets = [0, 0], sizes = [16, 512], strides = [1, 1]} : vector<16x1536xf32> to vector<16x512xf32>
      %slice3A_1873 = vector.extract_strided_slice %add3A_1868 {offsets = [0, 0], sizes = [16, 512], strides = [1, 1]} : vector<16x1536xf32> to vector<16x512xf32>
      %add3A_1874 = arith.addf %slice3A_1872, %slice3A_1873 : vector<16x512xf32>
      %logistic3A_1875 = arith.negf %add3A_1874 : vector<16x512xf32>
      %logistic3A_1876 = math.exp %logistic3A_1875 : vector<16x512xf32>
      %logistic3A_1877 = arith.constant 1.000000e+00 : f32
      %logistic3A_1878 = vector.broadcast %logistic3A_1877 : f32 to vector<16x512xf32>
      %logistic3A_1879 = arith.addf %logistic3A_1878, %logistic3A_1876 : vector<16x512xf32>
      %logistic3A_1880 = arith.divf %logistic3A_1878, %logistic3A_1879 : vector<16x512xf32>
      %slice3A_1881 = vector.extract_strided_slice %get3A_1871 {offsets = [0, 512], sizes = [16, 512], strides = [1, 1]} : vector<16x1536xf32> to vector<16x512xf32>
      %slice3A_1882 = vector.extract_strided_slice %add3A_1868 {offsets = [0, 512], sizes = [16, 512], strides = [1, 1]} : vector<16x1536xf32> to vector<16x512xf32>
      %add3A_1883 = arith.addf %slice3A_1881, %slice3A_1882 : vector<16x512xf32>
      %logistic3A_1884 = arith.negf %add3A_1883 : vector<16x512xf32>
      %logistic3A_1885 = math.exp %logistic3A_1884 : vector<16x512xf32>
      %logistic3A_1886 = arith.constant 1.000000e+00 : f32
      %logistic3A_1887 = vector.broadcast %logistic3A_1886 : f32 to vector<16x512xf32>
      %logistic3A_1888 = arith.addf %logistic3A_1887, %logistic3A_1885 : vector<16x512xf32>
      %logistic3A_1889 = arith.divf %logistic3A_1887, %logistic3A_1888 : vector<16x512xf32>
      %slice3A_1890 = vector.extract_strided_slice %get3A_1871 {offsets = [0, 1024], sizes = [16, 512], strides = [1, 1]} : vector<16x1536xf32> to vector<16x512xf32>
      %slice3A_1891 = vector.extract_strided_slice %add3A_1868 {offsets = [0, 1024], sizes = [16, 512], strides = [1, 1]} : vector<16x1536xf32> to vector<16x512xf32>
      %mul3A_1892 = arith.mulf %logistic3A_1880, %slice3A_1891 : vector<16x512xf32>
      %add3A_1893 = arith.addf %slice3A_1890, %mul3A_1892 : vector<16x512xf32>
      %tanh3A_1894 = math.tanh %add3A_1893 : vector<16x512xf32>
      %sub3A_1895 = arith.constant 1.000000e+00 : f32
      %sub3A_1896 = vector.broadcast %sub3A_1895 : f32 to vector<16x512xf32>
      %sub3A_1897 = arith.subf %sub3A_1896, %logistic3A_1889 : vector<16x512xf32>
      %mul3A_1898 = arith.mulf %sub3A_1897, %tanh3A_1894 : vector<16x512xf32>
      %mul3A_1899 = arith.mulf %logistic3A_1889, %select_n3A_1842 : vector<16x512xf32>
      %add3A_1900 = arith.addf %mul3A_1898, %mul3A_1899 : vector<16x512xf32>
      %lt3A_1901 = vector.broadcast %add3A_1857 : i32 to vector<16x1xi32>
      %lt3A_1902 = arith.cmpi slt, %lt3A_1901, %get3A_33 : vector<16x1xi32>
      %broadcast_in_dim3A_1903 = vector.shape_cast %lt3A_1902 : vector<16x1xi1> to vector<16x1xi1>
      %broadcast_in_dim3A_1904 = vector.broadcast %broadcast_in_dim3A_1903 : vector<16x1xi1> to vector<16x512xi1>
      %select_n3A_1905 = arith.select %broadcast_in_dim3A_1904, %add3A_1900, %select_n3A_1842 : vector<16x512xi1>, vector<16x512xf32>
      %jit3A_1906 = arith.constant 0.000000e+00 : f32
      %broadcast_in_dim3A_1907 = vector.shape_cast %lt3A_1902 : vector<16x1xi1> to vector<16x1xi1>
      %broadcast_in_dim3A_1908 = vector.broadcast %broadcast_in_dim3A_1907 : vector<16x1xi1> to vector<16x512xi1>
      %broadcast_in_dim3A_1909 = vector.broadcast %jit3A_1906 : f32 to vector<16x512xf32>
      %select_n3A_1910 = arith.select %broadcast_in_dim3A_1908, %add3A_1900, %broadcast_in_dim3A_1909 : vector<16x512xi1>, vector<16x512xf32>
      %swap3A_1911 = arith.constant 0 : index
      %swap3A_1912 = arith.constant 29 : index
      %swap3A_1913 = arith.constant 0 : index
      %swap3A_1914 = vector.load %arg8[%swap3A_1911, %swap3A_1912, %swap3A_1913] : memref<16x32x512xf32, #tpu.memory_space<vmem>>, vector<16x1x512xf32>
      %swap3A_1915 = vector.shape_cast %swap3A_1914 : vector<16x1x512xf32> to vector<16x512xf32>
      %swap3A_1916 = vector.shape_cast %select_n3A_1910 : vector<16x512xf32> to vector<16x1x512xf32>
      tpu.vector_store %arg8[%swap3A_1911, %swap3A_1912, %swap3A_1913], %swap3A_1916 {strides = array<i32>} : memref<16x32x512xf32, #tpu.memory_space<vmem>>, vector<16x1x512xf32>,
      %mul3A_1917 = arith.constant 32 : i32
      %mul3A_1918 = arith.muli %arg0, %mul3A_1917 : i32
      %add3A_1919 = arith.constant 30 : i32
      %add3A_1920 = arith.addi %mul3A_1918, %add3A_1919 : i32
      %convert_element_type3A_1921 = arith.truncf %select_n3A_1905 : vector<16x512xf32> to vector<16x512xbf16>
      %get3A_1922 = arith.constant 0 : index
      %get3A_1923 = arith.constant 0 : index
      %get3A_1924 = vector.load %arg6[%get3A_1922, %get3A_1923] : memref<512x1536xbf16, #tpu.memory_space<vmem>>, vector<512x1536xbf16>
      %dot_general3A_1925 = arith.constant dense<0.000000e+00> : vector<16x1536xf32>
      %dot_general3A_1926 = tpu.matmul %convert_element_type3A_1921, %get3A_1924, %dot_general3A_1925 {dimension_numbers = #tpu.dot_dimension_numbers<[1], [0], [0], [1], [0, 0, 1, 1], [], []>, transpose_lhs_hint = false} : vector<16x512xbf16>, vector<512x1536xbf16>, vector<16x1536xf32> -> vector<16x1536xf32>
      %get3A_1927 = arith.constant 0 : index
      %get3A_1928 = arith.constant 0 : index
      %get3A_1929 = vector.load %arg7[%get3A_1927, %get3A_1928] : memref<1x1536xf32, #tpu.memory_space<vmem>>, vector<1x1536xf32>
      %add3A_1930 = vector.broadcast %get3A_1929 : vector<1x1536xf32> to vector<16x1536xf32>
      %add3A_1931 = arith.addf %dot_general3A_1926, %add3A_1930 : vector<16x1536xf32>
      %get3A_1932 = arith.constant 480 : index
      %get3A_1933 = arith.constant 0 : index
      %get3A_1934 = vector.load %arg10[%get3A_1932, %get3A_1933] : memref<512x1536xf32, #tpu.memory_space<vmem>>, vector<16x1536xf32>
      %slice3A_1935 = vector.extract_strided_slice %get3A_1934 {offsets = [0, 0], sizes = [16, 512], strides = [1, 1]} : vector<16x1536xf32> to vector<16x512xf32>
      %slice3A_1936 = vector.extract_strided_slice %add3A_1931 {offsets = [0, 0], sizes = [16, 512], strides = [1, 1]} : vector<16x1536xf32> to vector<16x512xf32>
      %add3A_1937 = arith.addf %slice3A_1935, %slice3A_1936 : vector<16x512xf32>
      %logistic3A_1938 = arith.negf %add3A_1937 : vector<16x512xf32>
      %logistic3A_1939 = math.exp %logistic3A_1938 : vector<16x512xf32>
      %logistic3A_1940 = arith.constant 1.000000e+00 : f32
      %logistic3A_1941 = vector.broadcast %logistic3A_1940 : f32 to vector<16x512xf32>
      %logistic3A_1942 = arith.addf %logistic3A_1941, %logistic3A_1939 : vector<16x512xf32>
      %logistic3A_1943 = arith.divf %logistic3A_1941, %logistic3A_1942 : vector<16x512xf32>
      %slice3A_1944 = vector.extract_strided_slice %get3A_1934 {offsets = [0, 512], sizes = [16, 512], strides = [1, 1]} : vector<16x1536xf32> to vector<16x512xf32>
      %slice3A_1945 = vector.extract_strided_slice %add3A_1931 {offsets = [0, 512], sizes = [16, 512], strides = [1, 1]} : vector<16x1536xf32> to vector<16x512xf32>
      %add3A_1946 = arith.addf %slice3A_1944, %slice3A_1945 : vector<16x512xf32>
      %logistic3A_1947 = arith.negf %add3A_1946 : vector<16x512xf32>
      %logistic3A_1948 = math.exp %logistic3A_1947 : vector<16x512xf32>
      %logistic3A_1949 = arith.constant 1.000000e+00 : f32
      %logistic3A_1950 = vector.broadcast %logistic3A_1949 : f32 to vector<16x512xf32>
      %logistic3A_1951 = arith.addf %logistic3A_1950, %logistic3A_1948 : vector<16x512xf32>
      %logistic3A_1952 = arith.divf %logistic3A_1950, %logistic3A_1951 : vector<16x512xf32>
      %slice3A_1953 = vector.extract_strided_slice %get3A_1934 {offsets = [0, 1024], sizes = [16, 512], strides = [1, 1]} : vector<16x1536xf32> to vector<16x512xf32>
      %slice3A_1954 = vector.extract_strided_slice %add3A_1931 {offsets = [0, 1024], sizes = [16, 512], strides = [1, 1]} : vector<16x1536xf32> to vector<16x512xf32>
      %mul3A_1955 = arith.mulf %logistic3A_1943, %slice3A_1954 : vector<16x512xf32>
      %add3A_1956 = arith.addf %slice3A_1953, %mul3A_1955 : vector<16x512xf32>
      %tanh3A_1957 = math.tanh %add3A_1956 : vector<16x512xf32>
      %sub3A_1958 = arith.constant 1.000000e+00 : f32
      %sub3A_1959 = vector.broadcast %sub3A_1958 : f32 to vector<16x512xf32>
      %sub3A_1960 = arith.subf %sub3A_1959, %logistic3A_1952 : vector<16x512xf32>
      %mul3A_1961 = arith.mulf %sub3A_1960, %tanh3A_1957 : vector<16x512xf32>
      %mul3A_1962 = arith.mulf %logistic3A_1952, %select_n3A_1905 : vector<16x512xf32>
      %add3A_1963 = arith.addf %mul3A_1961, %mul3A_1962 : vector<16x512xf32>
      %lt3A_1964 = vector.broadcast %add3A_1920 : i32 to vector<16x1xi32>
      %lt3A_1965 = arith.cmpi slt, %lt3A_1964, %get3A_33 : vector<16x1xi32>
      %broadcast_in_dim3A_1966 = vector.shape_cast %lt3A_1965 : vector<16x1xi1> to vector<16x1xi1>
      %broadcast_in_dim3A_1967 = vector.broadcast %broadcast_in_dim3A_1966 : vector<16x1xi1> to vector<16x512xi1>
      %select_n3A_1968 = arith.select %broadcast_in_dim3A_1967, %add3A_1963, %select_n3A_1905 : vector<16x512xi1>, vector<16x512xf32>
      %jit3A_1969 = arith.constant 0.000000e+00 : f32
      %broadcast_in_dim3A_1970 = vector.shape_cast %lt3A_1965 : vector<16x1xi1> to vector<16x1xi1>
      %broadcast_in_dim3A_1971 = vector.broadcast %broadcast_in_dim3A_1970 : vector<16x1xi1> to vector<16x512xi1>
      %broadcast_in_dim3A_1972 = vector.broadcast %jit3A_1969 : f32 to vector<16x512xf32>
      %select_n3A_1973 = arith.select %broadcast_in_dim3A_1971, %add3A_1963, %broadcast_in_dim3A_1972 : vector<16x512xi1>, vector<16x512xf32>
      %swap3A_1974 = arith.constant 0 : index
      %swap3A_1975 = arith.constant 30 : index
      %swap3A_1976 = arith.constant 0 : index
      %swap3A_1977 = vector.load %arg8[%swap3A_1974, %swap3A_1975, %swap3A_1976] : memref<16x32x512xf32, #tpu.memory_space<vmem>>, vector<16x1x512xf32>
      %swap3A_1978 = vector.shape_cast %swap3A_1977 : vector<16x1x512xf32> to vector<16x512xf32>
      %swap3A_1979 = vector.shape_cast %select_n3A_1973 : vector<16x512xf32> to vector<16x1x512xf32>
      tpu.vector_store %arg8[%swap3A_1974, %swap3A_1975, %swap3A_1976], %swap3A_1979 {strides = array<i32>} : memref<16x32x512xf32, #tpu.memory_space<vmem>>, vector<16x1x512xf32>,
      %mul3A_1980 = arith.constant 32 : i32
      %mul3A_1981 = arith.muli %arg0, %mul3A_1980 : i32
      %add3A_1982 = arith.constant 31 : i32
      %add3A_1983 = arith.addi %mul3A_1981, %add3A_1982 : i32
      %convert_element_type3A_1984 = arith.truncf %select_n3A_1968 : vector<16x512xf32> to vector<16x512xbf16>
      %get3A_1985 = arith.constant 0 : index
      %get3A_1986 = arith.constant 0 : index
      %get3A_1987 = vector.load %arg6[%get3A_1985, %get3A_1986] : memref<512x1536xbf16, #tpu.memory_space<vmem>>, vector<512x1536xbf16>
      %dot_general3A_1988 = arith.constant dense<0.000000e+00> : vector<16x1536xf32>
      %dot_general3A_1989 = tpu.matmul %convert_element_type3A_1984, %get3A_1987, %dot_general3A_1988 {dimension_numbers = #tpu.dot_dimension_numbers<[1], [0], [0], [1], [0, 0, 1, 1], [], []>, transpose_lhs_hint = false} : vector<16x512xbf16>, vector<512x1536xbf16>, vector<16x1536xf32> -> vector<16x1536xf32>
      %get3A_1990 = arith.constant 0 : index
      %get3A_1991 = arith.constant 0 : index
      %get3A_1992 = vector.load %arg7[%get3A_1990, %get3A_1991] : memref<1x1536xf32, #tpu.memory_space<vmem>>, vector<1x1536xf32>
      %add3A_1993 = vector.broadcast %get3A_1992 : vector<1x1536xf32> to vector<16x1536xf32>
      %add3A_1994 = arith.addf %dot_general3A_1989, %add3A_1993 : vector<16x1536xf32>
      %get3A_1995 = arith.constant 496 : index
      %get3A_1996 = arith.constant 0 : index
      %get3A_1997 = vector.load %arg10[%get3A_1995, %get3A_1996] : memref<512x1536xf32, #tpu.memory_space<vmem>>, vector<16x1536xf32>
      %slice3A_1998 = vector.extract_strided_slice %get3A_1997 {offsets = [0, 0], sizes = [16, 512], strides = [1, 1]} : vector<16x1536xf32> to vector<16x512xf32>
      %slice3A_1999 = vector.extract_strided_slice %add3A_1994 {offsets = [0, 0], sizes = [16, 512], strides = [1, 1]} : vector<16x1536xf32> to vector<16x512xf32>
      %add3A_2000 = arith.addf %slice3A_1998, %slice3A_1999 : vector<16x512xf32>
      %logistic3A_2001 = arith.negf %add3A_2000 : vector<16x512xf32>
      %logistic3A_2002 = math.exp %logistic3A_2001 : vector<16x512xf32>
      %logistic3A_2003 = arith.constant 1.000000e+00 : f32
      %logistic3A_2004 = vector.broadcast %logistic3A_2003 : f32 to vector<16x512xf32>
      %logistic3A_2005 = arith.addf %logistic3A_2004, %logistic3A_2002 : vector<16x512xf32>
      %logistic3A_2006 = arith.divf %logistic3A_2004, %logistic3A_2005 : vector<16x512xf32>
      %slice3A_2007 = vector.extract_strided_slice %get3A_1997 {offsets = [0, 512], sizes = [16, 512], strides = [1, 1]} : vector<16x1536xf32> to vector<16x512xf32>
      %slice3A_2008 = vector.extract_strided_slice %add3A_1994 {offsets = [0, 512], sizes = [16, 512], strides = [1, 1]} : vector<16x1536xf32> to vector<16x512xf32>
      %add3A_2009 = arith.addf %slice3A_2007, %slice3A_2008 : vector<16x512xf32>
      %logistic3A_2010 = arith.negf %add3A_2009 : vector<16x512xf32>
      %logistic3A_2011 = math.exp %logistic3A_2010 : vector<16x512xf32>
      %logistic3A_2012 = arith.constant 1.000000e+00 : f32
      %logistic3A_2013 = vector.broadcast %logistic3A_2012 : f32 to vector<16x512xf32>
      %logistic3A_2014 = arith.addf %logistic3A_2013, %logistic3A_2011 : vector<16x512xf32>
      %logistic3A_2015 = arith.divf %logistic3A_2013, %logistic3A_2014 : vector<16x512xf32>
      %slice3A_2016 = vector.extract_strided_slice %get3A_1997 {offsets = [0, 1024], sizes = [16, 512], strides = [1, 1]} : vector<16x1536xf32> to vector<16x512xf32>
      %slice3A_2017 = vector.extract_strided_slice %add3A_1994 {offsets = [0, 1024], sizes = [16, 512], strides = [1, 1]} : vector<16x1536xf32> to vector<16x512xf32>
      %mul3A_2018 = arith.mulf %logistic3A_2006, %slice3A_2017 : vector<16x512xf32>
      %add3A_2019 = arith.addf %slice3A_2016, %mul3A_2018 : vector<16x512xf32>
      %tanh3A_2020 = math.tanh %add3A_2019 : vector<16x512xf32>
      %sub3A_2021 = arith.constant 1.000000e+00 : f32
      %sub3A_2022 = vector.broadcast %sub3A_2021 : f32 to vector<16x512xf32>
      %sub3A_2023 = arith.subf %sub3A_2022, %logistic3A_2015 : vector<16x512xf32>
      %mul3A_2024 = arith.mulf %sub3A_2023, %tanh3A_2020 : vector<16x512xf32>
      %mul3A_2025 = arith.mulf %logistic3A_2015, %select_n3A_1968 : vector<16x512xf32>
      %add3A_2026 = arith.addf %mul3A_2024, %mul3A_2025 : vector<16x512xf32>
      %lt3A_2027 = vector.broadcast %add3A_1983 : i32 to vector<16x1xi32>
      %lt3A_2028 = arith.cmpi slt, %lt3A_2027, %get3A_33 : vector<16x1xi32>
      %broadcast_in_dim3A_2029 = vector.shape_cast %lt3A_2028 : vector<16x1xi1> to vector<16x1xi1>
      %broadcast_in_dim3A_2030 = vector.broadcast %broadcast_in_dim3A_2029 : vector<16x1xi1> to vector<16x512xi1>
      %select_n3A_2031 = arith.select %broadcast_in_dim3A_2030, %add3A_2026, %select_n3A_1968 : vector<16x512xi1>, vector<16x512xf32>
      %jit3A_2032 = arith.constant 0.000000e+00 : f32
      %broadcast_in_dim3A_2033 = vector.shape_cast %lt3A_2028 : vector<16x1xi1> to vector<16x1xi1>
      %broadcast_in_dim3A_2034 = vector.broadcast %broadcast_in_dim3A_2033 : vector<16x1xi1> to vector<16x512xi1>
      %broadcast_in_dim3A_2035 = vector.broadcast %jit3A_2032 : f32 to vector<16x512xf32>
      %select_n3A_2036 = arith.select %broadcast_in_dim3A_2034, %add3A_2026, %broadcast_in_dim3A_2035 : vector<16x512xi1>, vector<16x512xf32>
      %swap3A_2037 = arith.constant 0 : index
      %swap3A_2038 = arith.constant 31 : index
      %swap3A_2039 = arith.constant 0 : index
      %swap3A_2040 = vector.load %arg8[%swap3A_2037, %swap3A_2038, %swap3A_2039] : memref<16x32x512xf32, #tpu.memory_space<vmem>>, vector<16x1x512xf32>
      %swap3A_2041 = vector.shape_cast %swap3A_2040 : vector<16x1x512xf32> to vector<16x512xf32>
      %swap3A_2042 = vector.shape_cast %select_n3A_2036 : vector<16x512xf32> to vector<16x1x512xf32>
      tpu.vector_store %arg8[%swap3A_2037, %swap3A_2038, %swap3A_2039], %swap3A_2042 {strides = array<i32>} : memref<16x32x512xf32, #tpu.memory_space<vmem>>, vector<16x1x512xf32>,
      %swap3A_2043 = arith.constant 0 : index
      %swap3A_2044 = arith.constant 0 : index
      %swap3A_2045 = vector.load %arg9[%swap3A_2043, %swap3A_2044] : memref<16x512xf32, #tpu.memory_space<vmem>>, vector<16x512xf32>
      tpu.vector_store %arg9[%swap3A_2043, %swap3A_2044], %select_n3A_2031 {strides = array<i32>} : memref<16x512xf32, #tpu.memory_space<vmem>>, vector<16x512xf32>,
    } else {
    }
    %mul3A_7 = arith.constant 32 : i32
    %mul3A_8 = arith.muli %arg0, %mul3A_7 : i32
    %get3A_9 = arith.constant 0 : index
    %get3A_10 = memref.load %arg1[%get3A_9] : memref<1xi32, #tpu.memory_space<smem>>
    %ge3A = arith.cmpi sge, %mul3A_8, %get3A_10 : i32
    %convert_element_type3A_11 = arith.extui %ge3A : i1 to i32
    %cond3A_12 = arith.constant 0 : i32
    %cond3A_13 = arith.cmpi ne, %convert_element_type3A_11, %cond3A_12 : i32
    scf.if %cond3A_13 {
      %broadcast_in_dim3A = arith.constant 0.000000e+00 : f32
      %broadcast_in_dim3A_14 = vector.broadcast %broadcast_in_dim3A : f32 to vector<16x32x512xf32>
      %swap3A = arith.constant 0 : index
      %swap3A_15 = arith.constant 0 : index
      %swap3A_16 = arith.constant 0 : index
      %swap3A_17 = vector.load %arg8[%swap3A, %swap3A_15, %swap3A_16] : memref<16x32x512xf32, #tpu.memory_space<vmem>>, vector<16x32x512xf32>
      tpu.vector_store %arg8[%swap3A, %swap3A_15, %swap3A_16], %broadcast_in_dim3A_14 {strides = array<i32>} : memref<16x32x512xf32, #tpu.memory_space<vmem>>, vector<16x32x512xf32>,
    } else {
    }
    return
  }
  func.func @transform_0(%arg0: i32, %arg1: memref<1xi32, #tpu.memory_space<smem>>) -> (i32, i32) {
    %c0_i32 = arith.constant 0 : i32
    %c0_i32_0 = arith.constant 0 : i32
    %c0_i32_1 = arith.constant 0 : i32
    return %c0_i32, %c0_i32_0 : i32, i32
  }
  func.func @transform_1(%arg0: i32, %arg1: memref<1xi32, #tpu.memory_space<smem>>) -> (i32, i32) {
    %c0_i32 = arith.constant 0 : i32
    %c0_i32_0 = arith.constant 0 : i32
    return %arg0, %c0_i32 : i32, i32
  }
  func.func @transform_2(%arg0: i32, %arg1: memref<1xi32, #tpu.memory_space<smem>>) -> (i32, i32) {
    %c0_i32 = arith.constant 0 : i32
    %c0_i32_0 = arith.constant 0 : i32
    %c0_i32_1 = arith.constant 0 : i32
    return %c0_i32, %c0_i32_0 : i32, i32
  }
  func.func @transform_3(%arg0: i32, %arg1: memref<1xi32, #tpu.memory_space<smem>>) -> (i32, i32) {
    %c0_i32 = arith.constant 0 : i32
    %c0_i32_0 = arith.constant 0 : i32
    %c0_i32_1 = arith.constant 0 : i32
    return %c0_i32, %c0_i32_0 : i32, i32
  }
  func.func @transform_4(%arg0: i32, %arg1: memref<1xi32, #tpu.memory_space<smem>>) -> (i32, i32) {
    %c0_i32 = arith.constant 0 : i32
    %c0_i32_0 = arith.constant 0 : i32
    %c0_i32_1 = arith.constant 0 : i32
    return %c0_i32, %c0_i32_0 : i32, i32
  }
  func.func @transform_5(%arg0: i32, %arg1: memref<1xi32, #tpu.memory_space<smem>>) -> (i32, i32) {
    %c0_i32 = arith.constant 0 : i32
    %c0_i32_0 = arith.constant 0 : i32
    %c0_i32_1 = arith.constant 0 : i32
    return %c0_i32, %c0_i32_0 : i32, i32
  }
  func.func @transform_6(%arg0: i32, %arg1: memref<1xi32, #tpu.memory_space<smem>>) -> (i32, i32, i32) {
    %c0_i32 = arith.constant 0 : i32
    %c0_i32_0 = arith.constant 0 : i32
    %c0_i32_1 = arith.constant 0 : i32
    return %c0_i32, %arg0, %c0_i32_0 : i32, i32, i32
  }
}

</mosaic_0001>

<sc_bundles>
// kernel: kernel.4.cloned.1.call-start
scs
__scs_entry_jumppad:
0x0: {  	(pc) =	sbr.rel $0x88, $3  }
0x1: {  	(tag) =	ssettag $0x0;
	lr =	simm.s32 $0x1  }
0x2: {  	[smem:$0x3F9A] =	sst lr;
	_ =	strace $0xD0000000  }
0x3: {  	_ = 	snop  }
0x4: {  	_ = 	snop  }
0x5: {  	_ = 	snop  }
0x6: {  	_ = 	snop  }
0x7: {  	_ = 	snop  }
__scs_overlays_trampoline_lowered:
0x8: {  	[smem:$0x3FA9] =	sst s0  }
0x9: {  	[smem:$0x3FAA] =	sst s1  }
0xa: {  	[smem:$0x3FAB] =	sst s2  }
0xb: {  	[smem:$0x3FAC] =	sst s3  }
0xc: {  	[smem:$0x3FAD] =	sst s4  }
0xd: {  	[smem:$0x3FAE] =	sst s5  }
0xe: {  	[smem:$0x3FAF] =	sst s6  }
0xf: {  	[smem:$0x3FB0] =	sst s7  }
0x10: {  	[smem:$0x3FB1] =	sst s8  }
0x11: {  	[smem:$0x3FB2] =	sst s9;
	s0 =	simm.s32 @!p0 $0x0  }
0x12: {  	s1 =	sld [smem:$0x3F98];
	s0 =	simm.s32 @p0 $0x1  }
0x13: {  	[smem:$0x3FB3] =	sst s0;
	s0 =	simm.s32 @!p1 $0x0  }
0x14: {  	s2 =	sld [smem:$0x3F97];
	s0 =	simm.s32 @p1 $0x1  }
0x15: {  	[smem:$0x3FB4] =	sst s0;
	s0 =	simm.s32 @!p2 $0x0  }
0x16: {  	s3 =	sld [smem:$0x3FDB];
	s0 =	simm.s32 @p2 $0x1  }
0x17: {  	s4 =	simm.s32 $0x1BF5;
	[smem:$0x3FB6] =	sst s0  }
0x18: {  	s0 =	sld [smem:$0x3F99];
	_ =	swait.ge [sflag:s4], $0x0  }
0x19: {  	s7 =	sld [smem:$0x3F9A]  }
0x1a: {  	s8 =	sadd.s32 $0xFFFFE003, lr  }
0x1b: {  	s9 =	sadd.s32 $0xFFFFFEF7, lr;
	s5 =	simm.s32 $0xFFFFFFFF;
	p2 =	slt.u32 s8, $0xFFFFF086  }
0x1c: {  	p1 =	slt.u32 s9, $0xF7A;
	s5 =	simm.s32 @!p2 $0x0  }
0x1d: {  	s5 =	simm.s32 @p1 $0x1;
	p0 =	seq.s32 s7, s2  }
0x1e: {  	s7 =	smul.u32 @!p0 $0xF7A, s2;
	p2 =	seq.s32 @!p0 s5, $0x0  }
0x1f: {  	s9 =	smul.u32 $0xF7A, s1;
	s8 =	simm.s32 @!p0 $0x1BF5;
	p2 =	por !p2, p0  }
0x20: {  	[sflag:s8] =	ssyncset.s32 @!p0 $0xFFFFF086;
	s6 =	sadd.s32 @!p0 s3, s7;
	s7 =	simm.s32 @!p0 $0x108  }
0x21: {  	s3 =	sadd.s32 s3, s9;
	s6 =	sadd.s32 @!p0 $0x88, s6;
	s7 =	simm.s32 @p2 $0x1082  }
0x22: {  	[simem:s7], [sflag:s8] =	dma.local @!p0 [hbm:s6], $0xF7A  }
0x23: {  	s9 =	sor.u32 $0xD0000000, s2;
	s6 =	simm.s32 $0x108;
	_ =	swait.ge @!p0 [sflag:s8], $0x0  }
0x24: {  	s3 =	sadd.s32 $0x88, s3;
	s6 =	simm.s32 @!p1 $0x1082;
	[sflag:s4] =	ssyncset.s32 $0xFFFFF086  }
0x25: {  	[simem:s6], [sflag:s4] =	dma.local [hbm:s3], $0xF7A  }
0x26: {  	[smem:$0x3F9A] =	sst s1;
	(tag) =	ssettag s2;
	_ =	strace s9  }
0x27: {  	s1 =	sld [smem:$0x3FAA]  }
0x28: {  	s2 =	sld [smem:$0x3FAB]  }
0x29: {  	s4 =	sld [smem:$0x3FAD]  }
0x2a: {  	p0 =	seq.s32 s5, $0x0;
	s5 =	sld [smem:$0x3FAE]  }
0x2b: {  	s6 =	sld [smem:$0x3FAF]  }
0x2c: {  	s7 =	sld [smem:$0x3FB0]  }
0x2d: {  	s3 =	simm.s32 $0x108;
	s8 =	sld [smem:$0x3FB1]  }
0x2e: {  	s3 =	simm.s32 @!p0 $0x1082;
	s9 =	sld [smem:$0x3FB2]  }
0x2f: {  	lr =	sadd.s32 s0, s3;
	s0 =	sld [smem:$0x3FA9]  }
0x30: {  	s3 =	sld [smem:$0x3FAC]  }
0x31: {  	[smem:$0x3FB5] =	sst s10  }
0x32: {  	s10 =	sld [smem:$0x3FB3];
	_ =	sdelay $0x3  }
0x33: {  	p0 =	seq.s32 s10, $0x1;
	s10 =	sld [smem:$0x3FB5];
	_ =	sdelay $0x3  }
0x34: {  	[smem:$0x3FB5] =	sst s10  }
0x35: {  	s10 =	sld [smem:$0x3FB4];
	_ =	sdelay $0x3  }
0x36: {  	p1 =	seq.s32 s10, $0x1;
	s10 =	sld [smem:$0x3FB5];
	_ =	sdelay $0x3  }
0x37: {  	[smem:$0x3FB5] =	sst s10  }
0x38: {  	s10 =	sld [smem:$0x3FB6]  }
0x39: {  	_ = 	snop;
	(pc) =	sbr.ind lr, $3  }
0x3a: {  	_ = 	snop  }
0x3b: {  	_ = 	snop  }
0x3c: {  	p2 =	seq.s32 s10, $0x1;
	s10 =	sld [smem:$0x3FB5]  }
0x3d: {  	_ =	shalt  }
0x3e: {  	_ =	shalt  }
0x3f: {  	_ =	shalt  }
0x40: {  	_ =	shalt  }
0x41: {  	_ =	shalt  }
0x42: {  	_ =	shalt  }
0x43: {  	_ =	shalt  }
0x44: {  	_ =	shalt  }
0x45: {  	_ =	shalt  }
0x46: {  	_ =	shalt  }
0x47: {  	_ =	shalt  }
0x48: {  	_ =	shalt  }
0x49: {  	_ =	shalt  }
0x4a: {  	_ =	shalt  }
0x4b: {  	_ =	shalt  }
0x4c: {  	_ =	shalt  }
0x4d: {  	_ =	shalt  }
0x4e: {  	_ =	shalt  }
0x4f: {  	_ =	shalt  }
0x50: {  	_ =	shalt  }
0x51: {  	_ =	shalt  }
0x52: {  	_ =	shalt  }
0x53: {  	_ =	shalt  }
0x54: {  	_ =	shalt  }
0x55: {  	_ =	shalt  }
0x56: {  	_ =	shalt  }
0x57: {  	_ =	shalt  }
0x58: {  	_ =	shalt  }
0x59: {  	_ =	shalt  }
0x5a: {  	_ =	shalt  }
0x5b: {  	_ =	shalt  }
0x5c: {  	_ =	shalt  }
0x5d: {  	_ =	shalt  }
0x5e: {  	_ =	shalt  }
0x5f: {  	_ =	shalt  }
0x60: {  	_ =	shalt  }
0x61: {  	_ =	shalt  }
0x62: {  	_ =	shalt  }
0x63: {  	_ =	shalt  }
0x64: {  	_ =	shalt  }
0x65: {  	_ =	shalt  }
0x66: {  	_ =	shalt  }
0x67: {  	_ =	shalt  }
0x68: {  	_ =	shalt  }
0x69: {  	_ =	shalt  }
0x6a: {  	_ =	shalt  }
0x6b: {  	_ =	shalt  }
0x6c: {  	_ =	shalt  }
0x6d: {  	_ =	shalt  }
0x6e: {  	_ =	shalt  }
0x6f: {  	_ =	shalt  }
0x70: {  	_ =	shalt  }
0x71: {  	_ =	shalt  }
0x72: {  	_ =	shalt  }
0x73: {  	_ =	shalt  }
0x74: {  	_ =	shalt  }
0x75: {  	_ =	shalt  }
0x76: {  	_ =	shalt  }
0x77: {  	_ =	shalt  }
0x78: {  	_ =	shalt  }
0x79: {  	_ =	shalt  }
0x7a: {  	_ =	shalt  }
0x7b: {  	_ =	shalt  }
0x7c: {  	_ =	shalt  }
0x7d: {  	_ =	shalt  }
0x7e: {  	_ =	shalt  }
0x7f: {  	_ =	shalt  }
0x80: {  	_ =	shalt  }
0x81: {  	_ =	shalt  }
0x82: {  	_ =	shalt  }
0x83: {  	_ =	shalt  }
0x84: {  	_ =	shalt  }
0x85: {  	_ =	shalt  }
0x86: {  	_ =	shalt  }
0x87: {  	_ =	shalt  }
.Lfunc_end0:
.L_simem_size_0:
called_computation_lowered:
.L_overlay_start_0:
0x88: {  	s2 =	sld [smem:$0x3FD9]  }
0x89: {  	s3 =	sld [smem:$0x3FFE];
	_ =	sdelay $0x1  }
0x8a: {  	s1 =	srdreg.scid  }
0x8b: {  	s0 =	sand.u32 $0x1, s1  }
0x8c: {  	s17 =	sshll.u32 s0, $0xA;
	s2 =	sadd.s32 s3, s2  }
0x8d: {  	s2 =	sadd.s32 s2, s17  }
0x8e: {  	[smem:$0x3FC1] =	sst s2  }
0x8f: {  	_ = 	snop  }
0x90: {  	s2 =	sld [smem:$0x3FC7]  }
0x91: {  	s18 =	sld [smem:$0x3FD0];
	(tm) =	ssettm $0x1  }
0x92: {  	s4 =	sld [smem:$0x3FFB];
	_ =	sdelay $0x3  }
0x93: {  	_ =	strace s4  }
0x94: {  	s4 =	sld [smem:$0x3FFC];
	_ =	sdelay $0x3  }
0x95: {  	_ =	strace s4  }
0x96: {  	s4 =	sld [smem:$0x3FFD];
	_ =	sdelay $0x3  }
0x97: {  	_ =	strace s4  }
0x98: {  	_ =	strace $0x8FFFFFFF  }
0x99: {  	s19 =	sld [smem:$0x3FDB];
	_ =	sdelay $0x1  }
0x9a: {  	s5 =	simm.s32 $_scs_section_size  }
0x9b: {  	s6 =	simm.s32 $_size__tile_overlayer_lowered;
	s7 =	simm.s32 $_tile_overlayer_lowered  }
0x9c: {  	s22 =	simm.s32 $0x1BFF;
	s21 =	sshll.u32 s7, $0x1;
	s4 =	sadd.s32 s5, s19  }
0x9d: {  	s8 =	simm.s32 $0x0;
	s20 =	sshll.u32 s6, $0x1;
	s6 =	sadd.s32 s21, s4  }
0x9e: {  	[timem:s8], [sflag:s22] =	dma.local [hbm:s6], s20  }
0x9f: {  	_ =	swait.ge [sflag:s22], s20  }
0xa0: {  	s5 =	ssub.s32 $0x0, s20;
	[sflag:s22] =	ssyncset.done $0x0  }
0xa1: {  	[sflag:s22] =	ssyncadd.s32 s5;
	_ =	sdelay $0x1  }
0xa2: {  	s23 =	simm.s32 $0x1B8B  }
0xa3: {  	_ =	swait.ge [sflag:s23], $0x1  }
0xa4: {  	[sflag:s23] =	ssyncset.done $0x0  }
0xa5: {  	s25 =	simm.s32 $0x1B8E;
	s24 =	sld [smem:$0x3FFE];
	[sflag:s23] =	ssyncadd.s32 $0xFFFFFFFF  }
0xa6: {  	s26 =	simm.s32 $execute0_lowered;
	[smem:$0x3FD2] =	sst s25  }
0xa7: {  	s6 =	sshll.u32 s26, $0x1;
	_ =	strace $0x80000046;
	[dreg:$0x1] =	wrdreg $0xFFFFFFFF  }
0xa8: {  	s28 =	simm.s32 $_size_execute0_lowered;
	s4 =	sadd.s32 s4, s6;
	[dreg:$0x0] =	wrdreg $0x0  }
0xa9: {  	s6 =	sshll.u32 s28, $0x1;
	[dreg:$0x2] =	wrdreg s4  }
0xaa: {  	[dreg:$0x3] =	wrdreg s6  }
0xab: {  	[dreg:$0x4] =	wrdreg $0xC0  }
0xac: {  	_ =	task [dreg:s8], $0x5FFFF  }
0xad: {  	[dreg:$0x1] =	wrdreg $0xFFFFFFFF  }
0xae: {  	[dreg:$0x0] =	wrdreg $0x60  }
0xaf: {  	[dreg:$0x2] =	wrdreg s2  }
0xb0: {  	[dreg:$0x3] =	wrdreg s24  }
0xb1: {  	[dreg:$0x4] =	wrdreg s18  }
0xb2: {  	[dreg:$0x5] =	wrdreg $0x9  }
0xb3: {  	_ =	task.clear_ibuf [dreg:s8], $0x6FFFF;
	_ =	strace $0x90000046  }
0xb4: {  	s29 =	simm.s32 $0x9;
	_ =	strace $0x80000048  }
0xb5: {  	_ =	swait.ge [sflag:s29], $0x1  }
0xb6: {  	[sflag:s29] =	ssyncadd.s32 $0xFFFFFFFF  }
0xb7: {  	_ =	strace $0x90000048  }
0xb8: {  	_ =	sfence  }
0xb9: {  	s30 =	sld [smem:$0x0];
	_ =	sdelay $0x2  }
0xba: {  	s31 =	sshll.u32 s1, $0xD;
	s1 =	sshrl.u32 s1, $0x2  }
0xbb: {  	s3 =	sand.u32 $0x4000, s31;
	s1 =	sadd.s32 s1, s30  }
0xbc: {  	s0 =	sor.u32 s3, s0;
	s1 =	sshll.u32 s1, $0x11  }
0xbd: {  	s0 =	sor.u32 s1, s0  }
0xbe: {  	s0 =	sadd.s32 $0x8F2B, s0  }
0xbf: {  	[sflag:s0] =	ssyncadd.remote.s32 $0x1  }
0xc0: {  	_ =	sfence.sel $0xFFFF  }
0xc1: {  	[dreg:$0x0] =	wrdreg $0xFFFFFFFF;
	(pc) =	sbr.abs _section_cstart, $3  }
0xc2: {  	[dreg:$0x1] =	wrdreg $0xFFFFFFFF  }
0xc3: {  	_ =	task.clear_ibuf [dreg:s8], $0x2FFFF;
	_ =	strace $0x9FFFFFFF  }
0xc4: {  	(tm) =	ssettm $0x7FFFFFFF  }
0xc5: {  	_ =	shalt  }
tec
execute0_lowered:
.L_overlay_start_1:
0x0: {  	(tag) =	ssettag $0x1  }
0x1: {  	s1 =	rddreg [dreg:$0x0]  }
0x2: {  	s2 =	srdreg.scid;
	s4 =	rddreg [dreg:$0x1]  }
0x3: {  	s0 =	stileid.u32;
	s6 =	rddreg [dreg:$0x2];
	s19 =	simm.s32 $0x900  }
0x4: {  	s20 =	simm.s32 $0x1100;
	s21 =	simm.s32 $0x1900;
	s23 =	simm.s32 $0x2100  }
0x5: {  	s24 =	simm.s32 $0x2900;
	s25 =	simm.s32 $0x3100;
	s26 =	simm.s32 $0x3900  }
0x6: {  	s8 =	simm.s32 $0x4900;
	s9 =	simm.s32 $0x5100;
	s10 =	simm.s32 $0x5900  }
0x7: {  	s11 =	simm.s32 $0x6100;
	s12 =	simm.s32 $0x6900;
	s13 =	simm.s32 $0x7100  }
0x8: {  	s14 =	simm.s32 $0x7900;
	s15 =	simm.s32 $0x8100;
	s2 =	sand.u32 $0x1, s2  }
0x9: {  	s16 =	simm.s32 $0x8900;
	s3 =	sshll.u32 s0, $0x9;
	s5 =	sshll.u32 s2, $0x8  }
0xa: {  	s17 =	simm.s32 $0x9100;
	s5 =	sor.u32 s5, s3;
	s3 =	simm.s32 $0x0  }
0xb: {  	s28 =	simm.s32 $0xE100;
	s29 =	simm.s32 $0xE900;
	[smem:$0x7FF] =	sst s3  }
0xc: {  	s30 =	simm.s32 $0xF100;
	_ =	strace $0x80000047;
	[dreg:$0x6] =	wrdreg s19  }
0xd: {  	s31 =	simm.s32 $0xF900;
	s2 =	ssub.s32 $0x2, s2;
	[dreg:$0x7] =	wrdreg s20  }
0xe: {  	s22 =	sshrl.u32 s2, $0x1;
	s7 =	sshrl.u32 s5, $0x3;
	[dreg:$0x8] =	wrdreg s21  }
0xf: {  	s5 =	sshll.u32 s5, $0x5;
	s2 =	ssub.s32 s2, s22;
	[dreg:$0x9] =	wrdreg s23  }
0x10: {  	s22 =	simm.s32 $0xB900;
	s4 =	sadd.s32 s7, s4;
	[dreg:$0xa] =	wrdreg s24  }
0x11: {  	s18 =	sadd.s32 s6, s5;
	s5 =	simm.s32 $0x2;
	[dreg:$0xb] =	wrdreg s25  }
0x12: {  	s6 =	simm.s32 $0x100;
	[dreg:$0xc] =	wrdreg s26;
	s19 =	simm.s32 $0xA100  }
0x13: {  	s20 =	simm.s32 $0xA900;
	s21 =	simm.s32 $0xB100;
	s23 =	simm.s32 $0xC100  }
0x14: {  	v2 =	vlaneseq.u32;
	s24 =	simm.s32 $0xC900;
	s25 =	simm.s32 $0xD100;
	s26 =	simm.s32 $0xD900  }
0x15: {  	vm0 =	vmmov $0xffff;
	v1 =	vshrl.u32 v2, $0x3;
	s4 =	sadd.s32 $0xC00, s4;
	[dreg:$0x5] =	wrdreg s18;
	s18 =	simm.s32 $0x9900  }
0x16: {  	v0 =	vand.u32 $0x7, v2;
	v2 =	vor.u32 $0x8, v2;
	v1 =	vmul.u32 $0x8, v1;
	[dreg:$0x4] =	wrdreg s4;
	s4 =	smax.u32 s2, $0x1;
	s2 =	simm.s32 $0x1  }
.LBB2_1:
0x17: {  	s0 =	rddreg [dreg:$0x4]  }
0x18: {  	[tilespmem:s3], [sflag:$0x2] =	stream.linear.gather [hbm4b:s0+s3], $0x100, $0x38;
	[tilespmem:$0x10100] =	vst v63  }
0x19: {  	_ =	swait.ge [sflag:s5], $0x100  }
0x1a: {  	[sflag:s5] =	ssyncset.done $0x0  }
0x1b: {  	[sflag:s5] =	ssyncadd.s32 $0xFFFFFF00  }
0x1c: {  	v3 =	vld [tilespmem:$0x0];
	_ =	sdelay $0x4  }
0x1d: {  	v4 =	vshll.u32 v3, $0x1  }
0x1e: {  	v3 =	vand.u32 $0x7, v3;
	v4 =	vand.u32 $0xFFFFFFF0, v4  }
0x1f: {  	v3 =	vor.u32 v3, v4  }
0x20: {  	v4 =	vperm.xlane v3, v0;
	_ =	sdelay $0x1  }
0x21: {  	v3 =	vperm.xlane v3, v2;
	v4 =	vadd.s32 v1, v4;
	_ =	sdelay $0x1  }
0x22: {  	v3 =	vadd.s32 v1, v3;
	_ =	sdelay $0x2  }
0x23: {  	[tilespmem:s6], [sflag:$0x1] =	stream.indirect_vreg.gather [hbm4b:s1+s3], $0x80, v4, vm0, $0xb8;
	[tilespmem:$0x10100] =	vst v63  }
0x24: {  	s7 =	rddreg [dreg:$0x6]  }
0x25: {  	[tilespmem:s7], [sflag:$0x1] =	stream.indirect_vreg.gather [hbm4b:s1+s3], $0x80, v3, vm0, $0xb8;
	[tilespmem:$0x10100] =	vst v63  }
0x26: {  	v3 =	vld [tilespmem:$0x10];
	_ =	sdelay $0x4  }
0x27: {  	v49 =	vshll.u32 v3, $0x1  }
0x28: {  	v3 =	vand.u32 $0x7, v3;
	v4 =	vand.u32 $0xFFFFFFF0, v49  }
0x29: {  	v3 =	vor.u32 v3, v4  }
0x2a: {  	v4 =	vperm.xlane v3, v0;
	_ =	sdelay $0x1  }
0x2b: {  	v3 =	vperm.xlane v3, v2;
	v4 =	vadd.s32 v1, v4;
	_ =	sdelay $0x1  }
0x2c: {  	v3 =	vadd.s32 v1, v3;
	_ =	sdelay $0x1  }
0x2d: {  	s0 =	rddreg [dreg:$0x7]  }
0x2e: {  	[tilespmem:s0], [sflag:$0x1] =	stream.indirect_vreg.gather [hbm4b:s1+s3], $0x80, v4, vm0, $0xb8;
	[tilespmem:$0x10100] =	vst v63  }
0x2f: {  	s7 =	rddreg [dreg:$0x8]  }
0x30: {  	[tilespmem:s7], [sflag:$0x1] =	stream.indirect_vreg.gather [hbm4b:s1+s3], $0x80, v3, vm0, $0xb8;
	[tilespmem:$0x10100] =	vst v63  }
0x31: {  	v3 =	vld [tilespmem:$0x20];
	_ =	sdelay $0x4  }
0x32: {  	v50 =	vshll.u32 v3, $0x1  }
0x33: {  	v3 =	vand.u32 $0x7, v3;
	v4 =	vand.u32 $0xFFFFFFF0, v50  }
0x34: {  	v3 =	vor.u32 v3, v4  }
0x35: {  	v4 =	vperm.xlane v3, v0;
	_ =	sdelay $0x1  }
0x36: {  	v3 =	vperm.xlane v3, v2;
	v4 =	vadd.s32 v1, v4;
	_ =	sdelay $0x1  }
0x37: {  	v3 =	vadd.s32 v1, v3;
	_ =	sdelay $0x1  }
0x38: {  	s0 =	rddreg [dreg:$0x9]  }
0x39: {  	[tilespmem:s0], [sflag:$0x1] =	stream.indirect_vreg.gather [hbm4b:s1+s3], $0x80, v4, vm0, $0xb8;
	[tilespmem:$0x10100] =	vst v63  }
0x3a: {  	s7 =	rddreg [dreg:$0xa]  }
0x3b: {  	[tilespmem:s7], [sflag:$0x1] =	stream.indirect_vreg.gather [hbm4b:s1+s3], $0x80, v3, vm0, $0xb8;
	[tilespmem:$0x10100] =	vst v63  }
0x3c: {  	v3 =	vld [tilespmem:$0x30];
	_ =	sdelay $0x4  }
0x3d: {  	v51 =	vshll.u32 v3, $0x1  }
0x3e: {  	v3 =	vand.u32 $0x7, v3;
	v4 =	vand.u32 $0xFFFFFFF0, v51  }
0x3f: {  	v3 =	vor.u32 v3, v4  }
0x40: {  	v4 =	vperm.xlane v3, v0;
	_ =	sdelay $0x1  }
0x41: {  	v3 =	vperm.xlane v3, v2;
	v4 =	vadd.s32 v1, v4;
	_ =	sdelay $0x1  }
0x42: {  	v3 =	vadd.s32 v1, v3;
	_ =	sdelay $0x1  }
0x43: {  	s0 =	rddreg [dreg:$0xb]  }
0x44: {  	[tilespmem:s0], [sflag:$0x1] =	stream.indirect_vreg.gather [hbm4b:s1+s3], $0x80, v4, vm0, $0xb8;
	[tilespmem:$0x10100] =	vst v63  }
0x45: {  	s7 =	rddreg [dreg:$0xc]  }
0x46: {  	[tilespmem:s7], [sflag:$0x1] =	stream.indirect_vreg.gather [hbm4b:s1+s3], $0x80, v3, vm0, $0xb8;
	[tilespmem:$0x10100] =	vst v63  }
0x47: {  	v3 =	vld [tilespmem:$0x40];
	_ =	sdelay $0x4  }
0x48: {  	v52 =	vshll.u32 v3, $0x1  }
0x49: {  	v3 =	vand.u32 $0x7, v3;
	v4 =	vand.u32 $0xFFFFFFF0, v52  }
0x4a: {  	v3 =	vor.u32 v3, v4  }
0x4b: {  	v4 =	vperm.xlane v3, v0;
	_ =	sdelay $0x1  }
0x4c: {  	v3 =	vperm.xlane v3, v2;
	v4 =	vadd.s32 v1, v4;
	_ =	sdelay $0x1  }
0x4d: {  	v3 =	vadd.s32 v1, v3;
	_ =	sdelay $0x1  }
0x4e: {  	s7 =	simm.s32 $0x4100  }
0x4f: {  	[tilespmem:s7], [sflag:$0x1] =	stream.indirect_vreg.gather [hbm4b:s1+s3], $0x80, v4, vm0, $0xb8;
	[tilespmem:$0x10100] =	vst v63  }
0x50: {  	_ = 	snop  }
0x51: {  	[tilespmem:s8], [sflag:$0x1] =	stream.indirect_vreg.gather [hbm4b:s1+s3], $0x80, v3, vm0, $0xb8;
	[tilespmem:$0x10100] =	vst v63  }
0x52: {  	v3 =	vld [tilespmem:$0x50];
	_ =	sdelay $0x4  }
0x53: {  	v53 =	vshll.u32 v3, $0x1  }
0x54: {  	v3 =	vand.u32 $0x7, v3;
	v4 =	vand.u32 $0xFFFFFFF0, v53  }
0x55: {  	v3 =	vor.u32 v3, v4  }
0x56: {  	v4 =	vperm.xlane v3, v0;
	_ =	sdelay $0x1  }
0x57: {  	v3 =	vperm.xlane v3, v2;
	v4 =	vadd.s32 v1, v4;
	_ =	sdelay $0x1  }
0x58: {  	v3 =	vadd.s32 v1, v3;
	_ =	sdelay $0x2  }
0x59: {  	[tilespmem:s9], [sflag:$0x1] =	stream.indirect_vreg.gather [hbm4b:s1+s3], $0x80, v4, vm0, $0xb8;
	[tilespmem:$0x10100] =	vst v63  }
0x5a: {  	_ = 	snop  }
0x5b: {  	[tilespmem:s10], [sflag:$0x1] =	stream.indirect_vreg.gather [hbm4b:s1+s3], $0x80, v3, vm0, $0xb8;
	[tilespmem:$0x10100] =	vst v63  }
0x5c: {  	v3 =	vld [tilespmem:$0x60];
	_ =	sdelay $0x4  }
0x5d: {  	v54 =	vshll.u32 v3, $0x1  }
0x5e: {  	v3 =	vand.u32 $0x7, v3;
	v4 =	vand.u32 $0xFFFFFFF0, v54  }
0x5f: {  	v3 =	vor.u32 v3, v4  }
0x60: {  	v4 =	vperm.xlane v3, v0;
	_ =	sdelay $0x1  }
0x61: {  	v3 =	vperm.xlane v3, v2;
	v4 =	vadd.s32 v1, v4;
	_ =	sdelay $0x1  }
0x62: {  	v3 =	vadd.s32 v1, v3;
	_ =	sdelay $0x2  }
0x63: {  	[tilespmem:s11], [sflag:$0x1] =	stream.indirect_vreg.gather [hbm4b:s1+s3], $0x80, v4, vm0, $0xb8;
	[tilespmem:$0x10100] =	vst v63  }
0x64: {  	_ = 	snop  }
0x65: {  	[tilespmem:s12], [sflag:$0x1] =	stream.indirect_vreg.gather [hbm4b:s1+s3], $0x80, v3, vm0, $0xb8;
	[tilespmem:$0x10100] =	vst v63  }
0x66: {  	v3 =	vld [tilespmem:$0x70];
	_ =	sdelay $0x4  }
0x67: {  	v55 =	vshll.u32 v3, $0x1  }
0x68: {  	v3 =	vand.u32 $0x7, v3;
	v4 =	vand.u32 $0xFFFFFFF0, v55  }
0x69: {  	v3 =	vor.u32 v3, v4  }
0x6a: {  	v4 =	vperm.xlane v3, v0;
	_ =	sdelay $0x1  }
0x6b: {  	v3 =	vperm.xlane v3, v2;
	v4 =	vadd.s32 v1, v4;
	_ =	sdelay $0x1  }
0x6c: {  	v3 =	vadd.s32 v1, v3;
	_ =	sdelay $0x2  }
0x6d: {  	[tilespmem:s13], [sflag:$0x1] =	stream.indirect_vreg.gather [hbm4b:s1+s3], $0x80, v4, vm0, $0xb8;
	[tilespmem:$0x10100] =	vst v63  }
0x6e: {  	_ = 	snop  }
0x6f: {  	[tilespmem:s14], [sflag:$0x1] =	stream.indirect_vreg.gather [hbm4b:s1+s3], $0x80, v3, vm0, $0xb8;
	[tilespmem:$0x10100] =	vst v63  }
0x70: {  	v3 =	vld [tilespmem:$0x80];
	_ =	sdelay $0x4  }
0x71: {  	v56 =	vshll.u32 v3, $0x1  }
0x72: {  	v3 =	vand.u32 $0x7, v3;
	v4 =	vand.u32 $0xFFFFFFF0, v56  }
0x73: {  	v3 =	vor.u32 v3, v4  }
0x74: {  	v4 =	vperm.xlane v3, v0;
	_ =	sdelay $0x1  }
0x75: {  	v3 =	vperm.xlane v3, v2;
	v4 =	vadd.s32 v1, v4;
	_ =	sdelay $0x1  }
0x76: {  	v3 =	vadd.s32 v1, v3;
	_ =	sdelay $0x2  }
0x77: {  	[tilespmem:s15], [sflag:$0x1] =	stream.indirect_vreg.gather [hbm4b:s1+s3], $0x80, v4, vm0, $0xb8;
	[tilespmem:$0x10100] =	vst v63  }
0x78: {  	_ = 	snop  }
0x79: {  	[tilespmem:s16], [sflag:$0x1] =	stream.indirect_vreg.gather [hbm4b:s1+s3], $0x80, v3, vm0, $0xb8;
	[tilespmem:$0x10100] =	vst v63  }
0x7a: {  	v3 =	vld [tilespmem:$0x90];
	_ =	sdelay $0x4  }
0x7b: {  	v57 =	vshll.u32 v3, $0x1  }
0x7c: {  	v3 =	vand.u32 $0x7, v3;
	v4 =	vand.u32 $0xFFFFFFF0, v57  }
0x7d: {  	v3 =	vor.u32 v3, v4  }
0x7e: {  	v4 =	vperm.xlane v3, v0;
	_ =	sdelay $0x1  }
0x7f: {  	v3 =	vperm.xlane v3, v2;
	v4 =	vadd.s32 v1, v4;
	_ =	sdelay $0x1  }
0x80: {  	v3 =	vadd.s32 v1, v3;
	_ =	sdelay $0x2  }
0x81: {  	[tilespmem:s17], [sflag:$0x1] =	stream.indirect_vreg.gather [hbm4b:s1+s3], $0x80, v4, vm0, $0xb8;
	[tilespmem:$0x10100] =	vst v63  }
0x82: {  	_ = 	snop  }
0x83: {  	[tilespmem:s18], [sflag:$0x1] =	stream.indirect_vreg.gather [hbm4b:s1+s3], $0x80, v3, vm0, $0xb8;
	[tilespmem:$0x10100] =	vst v63  }
0x84: {  	v3 =	vld [tilespmem:$0xA0];
	_ =	sdelay $0x4  }
0x85: {  	v58 =	vshll.u32 v3, $0x1  }
0x86: {  	v3 =	vand.u32 $0x7, v3;
	v4 =	vand.u32 $0xFFFFFFF0, v58  }
0x87: {  	v3 =	vor.u32 v3, v4  }
0x88: {  	v4 =	vperm.xlane v3, v0;
	_ =	sdelay $0x1  }
0x89: {  	v3 =	vperm.xlane v3, v2;
	v4 =	vadd.s32 v1, v4;
	_ =	sdelay $0x1  }
0x8a: {  	v3 =	vadd.s32 v1, v3;
	_ =	sdelay $0x2  }
0x8b: {  	[tilespmem:s19], [sflag:$0x1] =	stream.indirect_vreg.gather [hbm4b:s1+s3], $0x80, v4, vm0, $0xb8;
	[tilespmem:$0x10100] =	vst v63  }
0x8c: {  	_ = 	snop  }
0x8d: {  	[tilespmem:s20], [sflag:$0x1] =	stream.indirect_vreg.gather [hbm4b:s1+s3], $0x80, v3, vm0, $0xb8;
	[tilespmem:$0x10100] =	vst v63  }
0x8e: {  	v3 =	vld [tilespmem:$0xB0];
	_ =	sdelay $0x4  }
0x8f: {  	v59 =	vshll.u32 v3, $0x1  }
0x90: {  	v3 =	vand.u32 $0x7, v3;
	v4 =	vand.u32 $0xFFFFFFF0, v59  }
0x91: {  	v3 =	vor.u32 v3, v4  }
0x92: {  	v4 =	vperm.xlane v3, v0;
	_ =	sdelay $0x1  }
0x93: {  	v3 =	vperm.xlane v3, v2;
	v4 =	vadd.s32 v1, v4;
	_ =	sdelay $0x1  }
0x94: {  	v3 =	vadd.s32 v1, v3;
	_ =	sdelay $0x2  }
0x95: {  	[tilespmem:s21], [sflag:$0x1] =	stream.indirect_vreg.gather [hbm4b:s1+s3], $0x80, v4, vm0, $0xb8;
	[tilespmem:$0x10100] =	vst v63  }
0x96: {  	_ = 	snop  }
0x97: {  	[tilespmem:s22], [sflag:$0x1] =	stream.indirect_vreg.gather [hbm4b:s1+s3], $0x80, v3, vm0, $0xb8;
	[tilespmem:$0x10100] =	vst v63  }
0x98: {  	v3 =	vld [tilespmem:$0xC0];
	_ =	sdelay $0x4  }
0x99: {  	v60 =	vshll.u32 v3, $0x1  }
0x9a: {  	v3 =	vand.u32 $0x7, v3;
	v4 =	vand.u32 $0xFFFFFFF0, v60  }
0x9b: {  	v3 =	vor.u32 v3, v4  }
0x9c: {  	v4 =	vperm.xlane v3, v0;
	_ =	sdelay $0x1  }
0x9d: {  	v3 =	vperm.xlane v3, v2;
	v4 =	vadd.s32 v1, v4;
	_ =	sdelay $0x1  }
0x9e: {  	v3 =	vadd.s32 v1, v3;
	_ =	sdelay $0x2  }
0x9f: {  	[tilespmem:s23], [sflag:$0x1] =	stream.indirect_vreg.gather [hbm4b:s1+s3], $0x80, v4, vm0, $0xb8;
	[tilespmem:$0x10100] =	vst v63  }
0xa0: {  	_ = 	snop  }
0xa1: {  	[tilespmem:s24], [sflag:$0x1] =	stream.indirect_vreg.gather [hbm4b:s1+s3], $0x80, v3, vm0, $0xb8;
	[tilespmem:$0x10100] =	vst v63  }
0xa2: {  	v3 =	vld [tilespmem:$0xD0];
	_ =	sdelay $0x4  }
0xa3: {  	v61 =	vshll.u32 v3, $0x1  }
0xa4: {  	v3 =	vand.u32 $0x7, v3;
	v4 =	vand.u32 $0xFFFFFFF0, v61  }
0xa5: {  	v3 =	vor.u32 v3, v4  }
0xa6: {  	v4 =	vperm.xlane v3, v0;
	_ =	sdelay $0x1  }
0xa7: {  	v3 =	vperm.xlane v3, v2;
	v4 =	vadd.s32 v1, v4;
	_ =	sdelay $0x1  }
0xa8: {  	v3 =	vadd.s32 v1, v3;
	_ =	sdelay $0x2  }
0xa9: {  	[tilespmem:s25], [sflag:$0x1] =	stream.indirect_vreg.gather [hbm4b:s1+s3], $0x80, v4, vm0, $0xb8;
	[tilespmem:$0x10100] =	vst v63  }
0xaa: {  	_ = 	snop  }
0xab: {  	[tilespmem:s26], [sflag:$0x1] =	stream.indirect_vreg.gather [hbm4b:s1+s3], $0x80, v3, vm0, $0xb8;
	[tilespmem:$0x10100] =	vst v63  }
0xac: {  	v3 =	vld [tilespmem:$0xE0];
	_ =	sdelay $0x4  }
0xad: {  	v62 =	vshll.u32 v3, $0x1  }
0xae: {  	v3 =	vand.u32 $0x7, v3;
	v4 =	vand.u32 $0xFFFFFFF0, v62  }
0xaf: {  	v3 =	vor.u32 v3, v4  }
0xb0: {  	v4 =	vperm.xlane v3, v0;
	_ =	sdelay $0x1  }
0xb1: {  	v3 =	vperm.xlane v3, v2;
	v4 =	vadd.s32 v1, v4;
	_ =	sdelay $0x1  }
0xb2: {  	v3 =	vadd.s32 v1, v3;
	_ =	sdelay $0x2  }
0xb3: {  	[tilespmem:s28], [sflag:$0x1] =	stream.indirect_vreg.gather [hbm4b:s1+s3], $0x80, v4, vm0, $0xb8;
	[tilespmem:$0x10100] =	vst v63  }
0xb4: {  	_ = 	snop  }
0xb5: {  	[tilespmem:s29], [sflag:$0x1] =	stream.indirect_vreg.gather [hbm4b:s1+s3], $0x80, v3, vm0, $0xb8;
	[tilespmem:$0x10100] =	vst v63  }
0xb6: {  	v3 =	vld [tilespmem:$0xF0];
	_ =	sdelay $0x4  }
0xb7: {  	v63 =	vshll.u32 v3, $0x1  }
0xb8: {  	v3 =	vand.u32 $0x7, v3;
	v4 =	vand.u32 $0xFFFFFFF0, v63  }
0xb9: {  	v3 =	vor.u32 v3, v4  }
0xba: {  	v4 =	vperm.xlane v3, v0;
	_ =	sdelay $0x1  }
0xbb: {  	v3 =	vperm.xlane v3, v2;
	v4 =	vadd.s32 v1, v4;
	_ =	sdelay $0x1  }
0xbc: {  	v3 =	vadd.s32 v1, v3;
	_ =	sdelay $0x2  }
0xbd: {  	[tilespmem:s30], [sflag:$0x1] =	stream.indirect_vreg.gather [hbm4b:s1+s3], $0x80, v4, vm0, $0xb8;
	[tilespmem:$0x10100] =	vst v63  }
0xbe: {  	_ = 	snop  }
0xbf: {  	[tilespmem:s31], [sflag:$0x1] =	stream.indirect_vreg.gather [hbm4b:s1+s3], $0x80, v3, vm0, $0xb8;
	[tilespmem:$0x10100] =	vst v63  }
0xc0: {  	_ =	swait.ge [sflag:s2], $0x10000  }
0xc1: {  	p0 =	sne.s32 s4, $0x1;
	[sflag:s2] =	ssyncset.done $0x0  }
.Ltmp0:
0xc2: {  	s7 =	rddreg [dreg:$0x5];
	[sflag:s2] =	ssyncadd.s32 $0xFFFF0000;
	(pc) =	sbr.rel @p0 .LBB2_1-.Ltmp0, $4  }
0xc3: {  	[hbm4b:s7+s3] =	stream.linear.scatter [tilespmem:s6], [sflag:$0x2], $0x10000, $0x38;
	[tilespmem:$0x10100] =	vst v63  }
0xc4: {  	_ =	swait.ge [sflag:s5], $0x10000  }
0xc5: {  	[sflag:s5] =	ssyncset.done $0x0  }
0xc6: {  	s4 =	sadd.s32 $0xFFFFFFFF, s4;
	[sflag:s5] =	ssyncadd.s32 $0xFFFF0000  }
0xc7: {  	_ =	sfence.sel $0x180000  }
0xc8: {  	[bflag:$0x0] =	sbarrier.arrive $0xFFFF  }
0xc9: {  	_ =	strace $0x90000047  }
0xca: {  	s0 =	stileid.u32;
	[bflag:$0x2] =	sbarrier.arrive $0xFFFF  }
0xcb: {  	p0 =	sne.s32 s0, $0x0;
	s0 =	rddreg [dreg:$0x3]  }
0xcc: {  	s0 =	sadd.s32 @!p0 $0x100000, s0  }
0xcd: {  	[sflag:s0] =	ssyncadd.tile.s32 @!p0 $0x1;
	_ =	shalt  }
.Lfunc_end2:
_tile_overlayer_lowered:
.L_overlay_start_2:
0xce: {  	(tag) =	ssettag $0x2  }
0xcf: {  	s0 =	rddreg [dreg:$0x0];
	s2 =	stileid.u32  }
0xd0: {  	s1 =	rddreg [dreg:$0x1];
	p0 =	sne.s32 s2, $0x0  }
0xd1: {  	s3 =	rddreg [dreg:$0x2];
	[bflag:$0x3] =	sbarrier.arrive $0xFFFF;
	s2 =	simm.s32 @!p0 $0x1C02  }
0xd2: {  	[timem:s3], [sflag:s2] =	dma.local @!p0 [hbm:s0], s1  }
0xd3: {  	s0 =	simm.s32 @!p0 $0x2  }
0xd4: {  	_ =	swait.ge @!p0 [sflag:s0], s1  }
0xd5: {  	s1 =	ssub.s32 @!p0 $0x0, s1;
	[sflag:s0] =	ssyncset.done @!p0 $0x0  }
0xd6: {  	[sflag:s0] =	ssyncadd.s32 @!p0 s1  }
0xd7: {  	[bflag:$0x3] =	sbarrier.arrive $0xFFFF  }
0xd8: {  	_ =	shalt  }

</sc_bundles>
